<compile_context>
chip_gen: v7x
topology: tpu7x:2x2x1
jax: 0.10.2.dev20260603
libtpu: 0.0.44.dev20260713+nightly
codegen_flags: <defaults>
</compile_context>

<pallas_src>
import functools

import jax
import jax.numpy as jnp
from jax import lax
from jax.experimental import pallas as pl
from jax.experimental.pallas import tpu as pltpu
from jax.experimental.pallas import tpu_sc as plsc

MAX_LANG_VOCAB_IDX = 100000
N_LANGS = 4096
EMBED_DIM = 64
BATCH = 16384
HIST = 200

N_TOKENS = BATCH * HIST
NW = 32
TOK_PER_W = N_TOKENS // NW
CHUNK = 128
NGRP = 2
GCHUNK = 4
STEP = CHUNK * GCHUNK * NGRP
N_STEPS = TOK_PER_W // STEP
LMAP_PAD = 100352
LMAP_W = LMAP_PAD // 2


HALF = CHUNK * GCHUNK
N_HALVES = TOK_PER_W // HALF


def _sc_kernel(x_hbm, lmap_hbm, cap_hbm, w_hbm, out_hbm,
               lmap_v, x_v, idx_v, rows_v, cap_v, xsems, gsems, wsems):
    wid = lax.axis_index("s") * 2 + lax.axis_index("c")
    base_w = wid * TOK_PER_W

    pltpu.sync_copy(lmap_hbm, lmap_v)
    pltpu.sync_copy(cap_hbm, cap_v)
    cap = cap_v[...]

    def x_block(h, p):
        base = jnp.minimum(base_w + h * HALF, N_TOKENS - HALF)
        return x_hbm.at[pl.ds(base, HALF)], x_v.at[p]

    def out_slice(h, u):
        off = base_w + h * HALF + u * CHUNK
        return out_hbm.at[pl.ds(off, CHUNK), pl.ds(0, EMBED_DIM)]

    def drain_gathers(p):
        for u in range(GCHUNK):
            pltpu.make_async_copy(
                w_hbm.at[idx_v.at[p, u]], rows_v.at[p, u], gsems[p]
            ).wait()

    def fire_writes(h, p):
        for u in range(GCHUNK):
            pltpu.async_copy(rows_v.at[p, u], out_slice(h, u), wsems[p])

    def drain_writes(h, p):
        for u in range(GCHUNK):
            pltpu.make_async_copy(
                rows_v.at[p, u], out_slice(h, u), wsems[p]
            ).wait()

    pltpu.async_copy(*x_block(0, 0), xsems[0])
    pltpu.async_copy(*x_block(1, 1), xsems[1])

    def body(s, carry):
        for p in range(NGRP):
            h = 2 * s + p
            @pl.when(h > 0)
            def _():
                drain_gathers(1 - p)
                fire_writes(h - 1, 1 - p)

            pltpu.make_async_copy(*x_block(h, p), xsems[p]).wait()
            for u in range(GCHUNK):
                for j in range(CHUNK // 16):
                    xv = x_v[p, pl.ds(u * CHUNK + j * 16, 16)]
                    xc = jnp.minimum(xv, cap)
                    word = plsc.load_gather(
                        lmap_v, [lax.shift_right_logical(xc, 1)]
                    )
                    sh = jnp.left_shift(jnp.bitwise_and(xc, 1), 4)
                    y = jnp.bitwise_and(
                        lax.shift_right_logical(word, sh), 0xFFFF
                    )
                    idx_v[p, u, pl.ds(j * 16, 16)] = y

            @pl.when(s > 0)
            def _():
                drain_writes(h - 2, p)

            for u in range(GCHUNK):
                pltpu.async_copy(
                    w_hbm.at[idx_v.at[p, u]], rows_v.at[p, u], gsems[p]
                )
            pltpu.async_copy(*x_block(h + 2, p), xsems[p])
        return carry

    lax.fori_loop(0, N_HALVES // 2, body, 0)

    last = N_HALVES - 1
    drain_gathers(1)
    fire_writes(last, 1)
    drain_writes(last - 1, 0)
    drain_writes(last, 1)
    pltpu.make_async_copy(*x_block(last + 1, 0), xsems[0]).wait()
    pltpu.make_async_copy(*x_block(last + 2, 1), xsems[1]).wait()


@jax.jit
def _run(x_flat, lmap_packed, cap, weight):
    mesh = plsc.VectorSubcoreMesh(core_axis_name="c", subcore_axis_name="s")
    f = functools.partial(
        pl.kernel,
        out_type=jax.ShapeDtypeStruct((N_TOKENS, 128), jnp.float32),
        mesh=mesh,
        compiler_params=pltpu.CompilerParams(
            needs_layout_passes=False, use_tc_tiling_on_sc=False
        ),
        scratch_types=[
            pltpu.VMEM((LMAP_W,), jnp.int32),
            pltpu.VMEM((NGRP, HALF), jnp.int32),
            pltpu.VMEM((NGRP, GCHUNK, CHUNK), jnp.int32),
            pltpu.VMEM((NGRP, GCHUNK, CHUNK, EMBED_DIM), jnp.float32),
            pltpu.VMEM((16,), jnp.int32),
            [pltpu.SemaphoreType.DMA] * NGRP,
            [pltpu.SemaphoreType.DMA] * NGRP,
            [pltpu.SemaphoreType.DMA] * NGRP,
        ],
    )(_sc_kernel)
    return f(x_flat, lmap_packed, cap, weight)


def kernel(x, lang_map, max_lang_vocab_idx, weight):
    x_flat = x.reshape(-1)
    lmap_pad = jnp.zeros((LMAP_PAD,), jnp.int32).at[: lang_map.shape[0]].set(lang_map)
    lmap_packed = lmap_pad[0::2] | jnp.left_shift(lmap_pad[1::2], 16)
    cap_vec = jnp.broadcast_to(max_lang_vocab_idx.astype(jnp.int32), (16,))
    out = _run(x_flat, lmap_packed, cap_vec, weight)
    return out[:, :EMBED_DIM].reshape(BATCH, HIST, EMBED_DIM)

# --- scband reference (transcript-rebuilt; emitter-appended) ---
"""Pipeline reference for scband-lookup-embedding-81209241633094 (READ-ONLY COPY).

The authoritative reference and input builder live on the scoring server;
editing this copy changes nothing except your own understanding.
"""

import jax, jax.numpy as jnp
import numpy as np

# Shapes: x int[16384, 200] token vocab idxs in [0, 100001)
#         lang_map int[100001] maps vocab idx -> language embedding row in [0, 4096)
#         max_lang_vocab_idx int[1] = 100000
#         weight float32[4096, 64] learned language embedding table

MAX_LANG_VOCAB_IDX = 100000
N_LANGS = 4096
EMBED_DIM = 64
BATCH = 16384
HIST = 200

def setup_inputs(seed: int = 0) -> dict:
    key = jax.random.key(seed)
    k1, k2, k3 = jax.random.split(key, 3)
    x = jax.random.randint(k1, (BATCH, HIST), 0, MAX_LANG_VOCAB_IDX + 1, dtype=jnp.int32)
    lang_map = jax.random.randint(k2, (MAX_LANG_VOCAB_IDX + 1,), 0, N_LANGS, dtype=jnp.int32)
    max_lang_vocab_idx = jnp.array([MAX_LANG_VOCAB_IDX], dtype=jnp.int32)
    weight = jax.random.normal(k3, (N_LANGS, EMBED_DIM), dtype=jnp.float32)
    return {"x": x, "lang_map": lang_map, "max_lang_vocab_idx": max_lang_vocab_idx, "weight": weight}

def reference(x, lang_map, max_lang_vocab_idx, weight):
    # xcap = x.min(self.max_lang_vocab_idx)  (elementwise min with broadcast)
    xcap = jnp.minimum(x, max_lang_vocab_idx)
    # y = torch.index_select(self.lang_map, 0, xcap.flatten()).reshape(x.shape)
    y = jnp.take(lang_map, xcap.reshape(-1), axis=0).reshape(x.shape)
    # return self.embedding(y)
    return jnp.take(weight, y, axis=0)

if __name__ == "__main__":
    import jax
    _d = setup_inputs()
    print(jax.jit(kernel)(*tuple(_d.values())))

</pallas_src>

<mosaic_0001>
#map = affine_map<(d0, d1) -> (0)>
#map1 = affine_map<(d0, d1) -> (0, 0)>
module attributes {stable_mosaic.version = 14 : i64} {
  func.func @_sc_kernel(%arg0: i32, %arg1: i32, %arg2: memref<3276800xi32, #tpu.memory_space<hbm>>, %arg3: memref<50176xi32, #tpu.memory_space<hbm>>, %arg4: memref<16xi32, #tpu.memory_space<hbm>>, %arg5: memref<4096x64xf32, #tpu.memory_space<hbm>>, %arg6: memref<3276800x128xf32, #tpu.memory_space<hbm>>, %arg7: memref<50176xi32, #tpu.memory_space<vmem>>, %arg8: memref<2x512xi32, #tpu.memory_space<vmem>>, %arg9: memref<2x4x128xi32, #tpu.memory_space<vmem>>, %arg10: memref<2x4x128x64xf32, #tpu.memory_space<vmem>>, %arg11: memref<16xi32, #tpu.memory_space<vmem>>, %arg12: memref<!tpu.dma_semaphore, #tpu.memory_space<semaphore_mem>>, %arg13: memref<!tpu.dma_semaphore, #tpu.memory_space<semaphore_mem>>, %arg14: memref<!tpu.dma_semaphore, #tpu.memory_space<semaphore_mem>>, %arg15: memref<!tpu.dma_semaphore, #tpu.memory_space<semaphore_mem>>, %arg16: memref<!tpu.dma_semaphore, #tpu.memory_space<semaphore_mem>>, %arg17: memref<!tpu.dma_semaphore, #tpu.memory_space<semaphore_mem>>) attributes {dimension_semantics = [#tpu.dimension_semantics<core_parallel>, #tpu.dimension_semantics<subcore_parallel>], iteration_bounds = array<i64: 2, 16>, scalar_prefetch = 0 : i64, scratch_operands = 11 : i64, tpu.core_type = #tpu.core_type<sc_vector_subcore>, window_params = [{transform_indices = #map}, {transform_indices = #map}, {transform_indices = #map}, {transform_indices = #map1}, {transform_indices = #map1}]} {
    %mul3A = arith.constant 2 : i32
    %mul3A_0 = arith.muli %arg1, %mul3A : i32
    %add3A = arith.addi %mul3A_0, %arg0 : i32
    %mul3A_1 = arith.constant 102400 : i32
    %mul3A_2 = arith.muli %add3A, %mul3A_1 : i32
    "tpu.region"() ({
      %run_scoped3A = tpu.sem_alloc : memref<!tpu.dma_semaphore, #tpu.memory_space<semaphore_mem>>
      tpu.enqueue_dma source(%arg3 : memref<50176xi32, #tpu.memory_space<hbm>>) target(%arg7 : memref<50176xi32, #tpu.memory_space<vmem>>) target_semaphore(%run_scoped3A : memref<!tpu.dma_semaphore, #tpu.memory_space<semaphore_mem>>)
      tpu.wait_dma2 semaphore(%run_scoped3A : memref<!tpu.dma_semaphore, #tpu.memory_space<semaphore_mem>>) src(%arg3 : memref<50176xi32, #tpu.memory_space<hbm>>) dst(%arg7 : memref<50176xi32, #tpu.memory_space<vmem>>)
      tpu.yield
    }) : () -> ()
    "tpu.region"() ({
      %run_scoped3A = tpu.sem_alloc : memref<!tpu.dma_semaphore, #tpu.memory_space<semaphore_mem>>
      tpu.enqueue_dma source(%arg4 : memref<16xi32, #tpu.memory_space<hbm>>) target(%arg11 : memref<16xi32, #tpu.memory_space<vmem>>) target_semaphore(%run_scoped3A : memref<!tpu.dma_semaphore, #tpu.memory_space<semaphore_mem>>)
      tpu.wait_dma2 semaphore(%run_scoped3A : memref<!tpu.dma_semaphore, #tpu.memory_space<semaphore_mem>>) src(%arg4 : memref<16xi32, #tpu.memory_space<hbm>>) dst(%arg11 : memref<16xi32, #tpu.memory_space<vmem>>)
      tpu.yield
    }) : () -> ()
    %get3A = arith.constant 0 : index
    %get3A_3 = tpu.vector_load %arg11[%get3A] {strides = array<i32>} : memref<16xi32, #tpu.memory_space<vmem>>, vector<16xi32>,
    %add3A_4 = arith.constant 0 : i32
    %add3A_5 = arith.addi %mul3A_2, %add3A_4 : i32
    %min3A = arith.constant 3276288 : i32
    %min3A_6 = arith.minsi %add3A_5, %min3A : i32
    %dma_start3A = arith.constant 0 : i32
    %dma_start3A_7 = arith.constant 0 : i32
    %dma_start3A_8 = tpu.memref_slice %arg8[%dma_start3A, %dma_start3A_7] : memref<2x512xi32, #tpu.memory_space<vmem>> -> memref<1x512xi32, #tpu.memory_space<vmem>>
    %dma_start3A_9 = tpu.memref_squeeze %dma_start3A_8 : memref<1x512xi32, #tpu.memory_space<vmem>> -> memref<512xi32, #tpu.memory_space<vmem>>
    %dma_start3A_10 = tpu.memref_slice %arg2[%min3A_6] : memref<3276800xi32, #tpu.memory_space<hbm>> -> memref<512xi32, #tpu.memory_space<hbm>>
    %dma_start3A_11 = arith.constant 0 : i32
    %dma_start3A_12 = tpu.memref_slice %arg8[%dma_start3A, %dma_start3A_11] : memref<2x512xi32, #tpu.memory_space<vmem>> -> memref<1x512xi32, #tpu.memory_space<vmem>>
    %dma_start3A_13 = tpu.memref_squeeze %dma_start3A_12 : memref<1x512xi32, #tpu.memory_space<vmem>> -> memref<512xi32, #tpu.memory_space<vmem>>
    %dma_start3A_14 = tpu.memref_slice %arg2[%min3A_6] : memref<3276800xi32, #tpu.memory_space<hbm>> -> memref<512xi32, #tpu.memory_space<hbm>>
    tpu.enqueue_dma source(%dma_start3A_14 : memref<512xi32, #tpu.memory_space<hbm>>) target(%dma_start3A_13 : memref<512xi32, #tpu.memory_space<vmem>>) target_semaphore(%arg12 : memref<!tpu.dma_semaphore, #tpu.memory_space<semaphore_mem>>)
    %add3A_15 = arith.constant 512 : i32
    %add3A_16 = arith.addi %mul3A_2, %add3A_15 : i32
    %min3A_17 = arith.constant 3276288 : i32
    %min3A_18 = arith.minsi %add3A_16, %min3A_17 : i32
    %dma_start3A_19 = arith.constant 1 : i32
    %dma_start3A_20 = arith.constant 0 : i32
    %dma_start3A_21 = tpu.memref_slice %arg8[%dma_start3A_19, %dma_start3A_20] : memref<2x512xi32, #tpu.memory_space<vmem>> -> memref<1x512xi32, #tpu.memory_space<vmem>>
    %dma_start3A_22 = tpu.memref_squeeze %dma_start3A_21 : memref<1x512xi32, #tpu.memory_space<vmem>> -> memref<512xi32, #tpu.memory_space<vmem>>
    %dma_start3A_23 = tpu.memref_slice %arg2[%min3A_18] : memref<3276800xi32, #tpu.memory_space<hbm>> -> memref<512xi32, #tpu.memory_space<hbm>>
    %dma_start3A_24 = arith.constant 0 : i32
    %dma_start3A_25 = tpu.memref_slice %arg8[%dma_start3A_19, %dma_start3A_24] : memref<2x512xi32, #tpu.memory_space<vmem>> -> memref<1x512xi32, #tpu.memory_space<vmem>>
    %dma_start3A_26 = tpu.memref_squeeze %dma_start3A_25 : memref<1x512xi32, #tpu.memory_space<vmem>> -> memref<512xi32, #tpu.memory_space<vmem>>
    %dma_start3A_27 = tpu.memref_slice %arg2[%min3A_18] : memref<3276800xi32, #tpu.memory_space<hbm>> -> memref<512xi32, #tpu.memory_space<hbm>>
    tpu.enqueue_dma source(%dma_start3A_27 : memref<512xi32, #tpu.memory_space<hbm>>) target(%dma_start3A_26 : memref<512xi32, #tpu.memory_space<vmem>>) target_semaphore(%arg13 : memref<!tpu.dma_semaphore, #tpu.memory_space<semaphore_mem>>)
    %scan3A = arith.constant 0 : i32
    %scan3A_28 = arith.constant 0 : i32
    %scan3A_29 = arith.constant 100 : i32
    %scan3A_30 = arith.addi %scan3A_28, %scan3A_29 : i32
    %scan3A_31 = arith.constant 1 : i32
    scf.for %scan3A_330 = %scan3A_28 to %scan3A_30 step %scan3A_31  : i32 {
      %mul3A_331 = arith.constant 2 : i32
      %mul3A_332 = arith.muli %mul3A_331, %scan3A_330 : i32
      %add3A_333 = arith.constant 0 : i32
      %add3A_334 = arith.addi %mul3A_332, %add3A_333 : i32
      %gt3A = arith.constant 0 : i32
      %gt3A_335 = arith.cmpi sgt, %add3A_334, %gt3A : i32
      %convert_element_type3A = arith.extui %gt3A_335 : i1 to i32
      %cond3A = arith.constant 0 : i32
      %cond3A_336 = arith.cmpi ne, %convert_element_type3A, %cond3A : i32
      scf.if %cond3A_336 {
        %dma_wait3A_2123 = arith.constant 1 : i32
        %dma_wait3A_2124 = arith.constant 0 : i32
        %dma_wait3A_2125 = arith.constant 1 : i32
        %dma_wait3A_2126 = arith.constant 0 : i32
        %dma_wait3A_2127 = arith.constant 0 : i32
        %dma_wait3A_2128 = arith.constant 0 : i32
        %dma_wait3A_2129 = tpu.memref_slice %arg10[%dma_wait3A_2125, %dma_wait3A_2126, %dma_wait3A_2127, %dma_wait3A_2128] : memref<2x4x128x64xf32, #tpu.memory_space<vmem>> -> memref<1x1x128x64xf32, #tpu.memory_space<vmem>>
        %dma_wait3A_2130 = tpu.memref_squeeze %dma_wait3A_2129 : memref<1x1x128x64xf32, #tpu.memory_space<vmem>> -> memref<128x64xf32, #tpu.memory_space<vmem>>
        %dma_wait3A_2131 = arith.constant 0 : i32
        %dma_wait3A_2132 = tpu.memref_slice %arg9[%dma_wait3A_2123, %dma_wait3A_2124, %dma_wait3A_2131] : memref<2x4x128xi32, #tpu.memory_space<vmem>> -> memref<1x1x128xi32, #tpu.memory_space<vmem>>
        %dma_wait3A_2133 = tpu.memref_squeeze %dma_wait3A_2132 : memref<1x1x128xi32, #tpu.memory_space<vmem>> -> memref<128xi32, #tpu.memory_space<vmem>>
        %dma_wait3A_2134 = arith.constant 0 : i32
        %dma_wait3A_2135 = arith.constant 0 : i32
        %dma_wait3A_2136 = tpu.memref_slice %arg5[%dma_wait3A_2134, %dma_wait3A_2135] : memref<4096x64xf32, #tpu.memory_space<hbm>> -> memref<4096x64xf32, #tpu.memory_space<hbm>>
        tpu.wait_indirect_dma semaphore(%arg15 : memref<!tpu.dma_semaphore, #tpu.memory_space<semaphore_mem>>) src(%dma_wait3A_2136 : memref<4096x64xf32, #tpu.memory_space<hbm>>) dst(%dma_wait3A_2130 : memref<128x64xf32, #tpu.memory_space<vmem>>)
        %dma_wait3A_2137 = arith.constant 1 : i32
        %dma_wait3A_2138 = arith.constant 1 : i32
        %dma_wait3A_2139 = arith.constant 1 : i32
        %dma_wait3A_2140 = arith.constant 1 : i32
        %dma_wait3A_2141 = arith.constant 0 : i32
        %dma_wait3A_2142 = arith.constant 0 : i32
        %dma_wait3A_2143 = tpu.memref_slice %arg10[%dma_wait3A_2139, %dma_wait3A_2140, %dma_wait3A_2141, %dma_wait3A_2142] : memref<2x4x128x64xf32, #tpu.memory_space<vmem>> -> memref<1x1x128x64xf32, #tpu.memory_space<vmem>>
        %dma_wait3A_2144 = tpu.memref_squeeze %dma_wait3A_2143 : memref<1x1x128x64xf32, #tpu.memory_space<vmem>> -> memref<128x64xf32, #tpu.memory_space<vmem>>
        %dma_wait3A_2145 = arith.constant 0 : i32
        %dma_wait3A_2146 = tpu.memref_slice %arg9[%dma_wait3A_2137, %dma_wait3A_2138, %dma_wait3A_2145] : memref<2x4x128xi32, #tpu.memory_space<vmem>> -> memref<1x1x128xi32, #tpu.memory_space<vmem>>
        %dma_wait3A_2147 = tpu.memref_squeeze %dma_wait3A_2146 : memref<1x1x128xi32, #tpu.memory_space<vmem>> -> memref<128xi32, #tpu.memory_space<vmem>>
        %dma_wait3A_2148 = arith.constant 0 : i32
        %dma_wait3A_2149 = arith.constant 0 : i32
        %dma_wait3A_2150 = tpu.memref_slice %arg5[%dma_wait3A_2148, %dma_wait3A_2149] : memref<4096x64xf32, #tpu.memory_space<hbm>> -> memref<4096x64xf32, #tpu.memory_space<hbm>>
        tpu.wait_indirect_dma semaphore(%arg15 : memref<!tpu.dma_semaphore, #tpu.memory_space<semaphore_mem>>) src(%dma_wait3A_2150 : memref<4096x64xf32, #tpu.memory_space<hbm>>) dst(%dma_wait3A_2144 : memref<128x64xf32, #tpu.memory_space<vmem>>)
        %dma_wait3A_2151 = arith.constant 1 : i32
        %dma_wait3A_2152 = arith.constant 2 : i32
        %dma_wait3A_2153 = arith.constant 1 : i32
        %dma_wait3A_2154 = arith.constant 2 : i32
        %dma_wait3A_2155 = arith.constant 0 : i32
        %dma_wait3A_2156 = arith.constant 0 : i32
        %dma_wait3A_2157 = tpu.memref_slice %arg10[%dma_wait3A_2153, %dma_wait3A_2154, %dma_wait3A_2155, %dma_wait3A_2156] : memref<2x4x128x64xf32, #tpu.memory_space<vmem>> -> memref<1x1x128x64xf32, #tpu.memory_space<vmem>>
        %dma_wait3A_2158 = tpu.memref_squeeze %dma_wait3A_2157 : memref<1x1x128x64xf32, #tpu.memory_space<vmem>> -> memref<128x64xf32, #tpu.memory_space<vmem>>
        %dma_wait3A_2159 = arith.constant 0 : i32
        %dma_wait3A_2160 = tpu.memref_slice %arg9[%dma_wait3A_2151, %dma_wait3A_2152, %dma_wait3A_2159] : memref<2x4x128xi32, #tpu.memory_space<vmem>> -> memref<1x1x128xi32, #tpu.memory_space<vmem>>
        %dma_wait3A_2161 = tpu.memref_squeeze %dma_wait3A_2160 : memref<1x1x128xi32, #tpu.memory_space<vmem>> -> memref<128xi32, #tpu.memory_space<vmem>>
        %dma_wait3A_2162 = arith.constant 0 : i32
        %dma_wait3A_2163 = arith.constant 0 : i32
        %dma_wait3A_2164 = tpu.memref_slice %arg5[%dma_wait3A_2162, %dma_wait3A_2163] : memref<4096x64xf32, #tpu.memory_space<hbm>> -> memref<4096x64xf32, #tpu.memory_space<hbm>>
        tpu.wait_indirect_dma semaphore(%arg15 : memref<!tpu.dma_semaphore, #tpu.memory_space<semaphore_mem>>) src(%dma_wait3A_2164 : memref<4096x64xf32, #tpu.memory_space<hbm>>) dst(%dma_wait3A_2158 : memref<128x64xf32, #tpu.memory_space<vmem>>)
        %dma_wait3A_2165 = arith.constant 1 : i32
        %dma_wait3A_2166 = arith.constant 3 : i32
        %dma_wait3A_2167 = arith.constant 1 : i32
        %dma_wait3A_2168 = arith.constant 3 : i32
        %dma_wait3A_2169 = arith.constant 0 : i32
        %dma_wait3A_2170 = arith.constant 0 : i32
        %dma_wait3A_2171 = tpu.memref_slice %arg10[%dma_wait3A_2167, %dma_wait3A_2168, %dma_wait3A_2169, %dma_wait3A_2170] : memref<2x4x128x64xf32, #tpu.memory_space<vmem>> -> memref<1x1x128x64xf32, #tpu.memory_space<vmem>>
        %dma_wait3A_2172 = tpu.memref_squeeze %dma_wait3A_2171 : memref<1x1x128x64xf32, #tpu.memory_space<vmem>> -> memref<128x64xf32, #tpu.memory_space<vmem>>
        %dma_wait3A_2173 = arith.constant 0 : i32
        %dma_wait3A_2174 = tpu.memref_slice %arg9[%dma_wait3A_2165, %dma_wait3A_2166, %dma_wait3A_2173] : memref<2x4x128xi32, #tpu.memory_space<vmem>> -> memref<1x1x128xi32, #tpu.memory_space<vmem>>
        %dma_wait3A_2175 = tpu.memref_squeeze %dma_wait3A_2174 : memref<1x1x128xi32, #tpu.memory_space<vmem>> -> memref<128xi32, #tpu.memory_space<vmem>>
        %dma_wait3A_2176 = arith.constant 0 : i32
        %dma_wait3A_2177 = arith.constant 0 : i32
        %dma_wait3A_2178 = tpu.memref_slice %arg5[%dma_wait3A_2176, %dma_wait3A_2177] : memref<4096x64xf32, #tpu.memory_space<hbm>> -> memref<4096x64xf32, #tpu.memory_space<hbm>>
        tpu.wait_indirect_dma semaphore(%arg15 : memref<!tpu.dma_semaphore, #tpu.memory_space<semaphore_mem>>) src(%dma_wait3A_2178 : memref<4096x64xf32, #tpu.memory_space<hbm>>) dst(%dma_wait3A_2172 : memref<128x64xf32, #tpu.memory_space<vmem>>)
        %sub3A = arith.constant 1 : i32
        %sub3A_2179 = arith.subi %add3A_334, %sub3A : i32
        %mul3A_2180 = arith.constant 512 : i32
        %mul3A_2181 = arith.muli %sub3A_2179, %mul3A_2180 : i32
        %add3A_2182 = arith.addi %mul3A_2, %mul3A_2181 : i32
        %add3A_2183 = arith.constant 0 : i32
        %add3A_2184 = arith.addi %add3A_2182, %add3A_2183 : i32
        %dma_start3A_2185 = arith.constant 1 : i32
        %dma_start3A_2186 = arith.constant 0 : i32
        %dma_start3A_2187 = arith.constant 0 : i32
        %dma_start3A_2188 = arith.constant 0 : i32
        %dma_start3A_2189 = tpu.memref_slice %arg10[%dma_start3A_2185, %dma_start3A_2186, %dma_start3A_2187, %dma_start3A_2188] : memref<2x4x128x64xf32, #tpu.memory_space<vmem>> -> memref<1x1x128x64xf32, #tpu.memory_space<vmem>>
        %dma_start3A_2190 = tpu.memref_squeeze %dma_start3A_2189 : memref<1x1x128x64xf32, #tpu.memory_space<vmem>> -> memref<128x64xf32, #tpu.memory_space<vmem>>
        %dma_start3A_2191 = arith.constant 0 : i32
        %dma_start3A_2192 = tpu.memref_slice %arg6[%add3A_2184, %dma_start3A_2191] : memref<3276800x128xf32, #tpu.memory_space<hbm>> -> memref<128x64xf32, #tpu.memory_space<hbm>>
        %dma_start3A_2193 = arith.constant 0 : i32
        %dma_start3A_2194 = tpu.memref_slice %arg6[%add3A_2184, %dma_start3A_2193] : memref<3276800x128xf32, #tpu.memory_space<hbm>> -> memref<128x64xf32, #tpu.memory_space<hbm>>
        %dma_start3A_2195 = arith.constant 0 : i32
        %dma_start3A_2196 = arith.constant 0 : i32
        %dma_start3A_2197 = tpu.memref_slice %arg10[%dma_start3A_2185, %dma_start3A_2186, %dma_start3A_2195, %dma_start3A_2196] : memref<2x4x128x64xf32, #tpu.memory_space<vmem>> -> memref<1x1x128x64xf32, #tpu.memory_space<vmem>>
        %dma_start3A_2198 = tpu.memref_squeeze %dma_start3A_2197 : memref<1x1x128x64xf32, #tpu.memory_space<vmem>> -> memref<128x64xf32, #tpu.memory_space<vmem>>
        tpu.enqueue_dma source(%dma_start3A_2198 : memref<128x64xf32, #tpu.memory_space<vmem>>) target(%dma_start3A_2194 : memref<128x64xf32, #tpu.memory_space<hbm>>) target_semaphore(%arg17 : memref<!tpu.dma_semaphore, #tpu.memory_space<semaphore_mem>>)
        %mul3A_2199 = arith.constant 512 : i32
        %mul3A_2200 = arith.muli %sub3A_2179, %mul3A_2199 : i32
        %add3A_2201 = arith.addi %mul3A_2, %mul3A_2200 : i32
        %add3A_2202 = arith.constant 128 : i32
        %add3A_2203 = arith.addi %add3A_2201, %add3A_2202 : i32
        %dma_start3A_2204 = arith.constant 1 : i32
        %dma_start3A_2205 = arith.constant 1 : i32
        %dma_start3A_2206 = arith.constant 0 : i32
        %dma_start3A_2207 = arith.constant 0 : i32
        %dma_start3A_2208 = tpu.memref_slice %arg10[%dma_start3A_2204, %dma_start3A_2205, %dma_start3A_2206, %dma_start3A_2207] : memref<2x4x128x64xf32, #tpu.memory_space<vmem>> -> memref<1x1x128x64xf32, #tpu.memory_space<vmem>>
        %dma_start3A_2209 = tpu.memref_squeeze %dma_start3A_2208 : memref<1x1x128x64xf32, #tpu.memory_space<vmem>> -> memref<128x64xf32, #tpu.memory_space<vmem>>
        %dma_start3A_2210 = arith.constant 0 : i32
        %dma_start3A_2211 = tpu.memref_slice %arg6[%add3A_2203, %dma_start3A_2210] : memref<3276800x128xf32, #tpu.memory_space<hbm>> -> memref<128x64xf32, #tpu.memory_space<hbm>>
        %dma_start3A_2212 = arith.constant 0 : i32
        %dma_start3A_2213 = tpu.memref_slice %arg6[%add3A_2203, %dma_start3A_2212] : memref<3276800x128xf32, #tpu.memory_space<hbm>> -> memref<128x64xf32, #tpu.memory_space<hbm>>
        %dma_start3A_2214 = arith.constant 0 : i32
        %dma_start3A_2215 = arith.constant 0 : i32
        %dma_start3A_2216 = tpu.memref_slice %arg10[%dma_start3A_2204, %dma_start3A_2205, %dma_start3A_2214, %dma_start3A_2215] : memref<2x4x128x64xf32, #tpu.memory_space<vmem>> -> memref<1x1x128x64xf32, #tpu.memory_space<vmem>>
        %dma_start3A_2217 = tpu.memref_squeeze %dma_start3A_2216 : memref<1x1x128x64xf32, #tpu.memory_space<vmem>> -> memref<128x64xf32, #tpu.memory_space<vmem>>
        tpu.enqueue_dma source(%dma_start3A_2217 : memref<128x64xf32, #tpu.memory_space<vmem>>) target(%dma_start3A_2213 : memref<128x64xf32, #tpu.memory_space<hbm>>) target_semaphore(%arg17 : memref<!tpu.dma_semaphore, #tpu.memory_space<semaphore_mem>>)
        %mul3A_2218 = arith.constant 512 : i32
        %mul3A_2219 = arith.muli %sub3A_2179, %mul3A_2218 : i32
        %add3A_2220 = arith.addi %mul3A_2, %mul3A_2219 : i32
        %add3A_2221 = arith.constant 256 : i32
        %add3A_2222 = arith.addi %add3A_2220, %add3A_2221 : i32
        %dma_start3A_2223 = arith.constant 1 : i32
        %dma_start3A_2224 = arith.constant 2 : i32
        %dma_start3A_2225 = arith.constant 0 : i32
        %dma_start3A_2226 = arith.constant 0 : i32
        %dma_start3A_2227 = tpu.memref_slice %arg10[%dma_start3A_2223, %dma_start3A_2224, %dma_start3A_2225, %dma_start3A_2226] : memref<2x4x128x64xf32, #tpu.memory_space<vmem>> -> memref<1x1x128x64xf32, #tpu.memory_space<vmem>>
        %dma_start3A_2228 = tpu.memref_squeeze %dma_start3A_2227 : memref<1x1x128x64xf32, #tpu.memory_space<vmem>> -> memref<128x64xf32, #tpu.memory_space<vmem>>
        %dma_start3A_2229 = arith.constant 0 : i32
        %dma_start3A_2230 = tpu.memref_slice %arg6[%add3A_2222, %dma_start3A_2229] : memref<3276800x128xf32, #tpu.memory_space<hbm>> -> memref<128x64xf32, #tpu.memory_space<hbm>>
        %dma_start3A_2231 = arith.constant 0 : i32
        %dma_start3A_2232 = tpu.memref_slice %arg6[%add3A_2222, %dma_start3A_2231] : memref<3276800x128xf32, #tpu.memory_space<hbm>> -> memref<128x64xf32, #tpu.memory_space<hbm>>
        %dma_start3A_2233 = arith.constant 0 : i32
        %dma_start3A_2234 = arith.constant 0 : i32
        %dma_start3A_2235 = tpu.memref_slice %arg10[%dma_start3A_2223, %dma_start3A_2224, %dma_start3A_2233, %dma_start3A_2234] : memref<2x4x128x64xf32, #tpu.memory_space<vmem>> -> memref<1x1x128x64xf32, #tpu.memory_space<vmem>>
        %dma_start3A_2236 = tpu.memref_squeeze %dma_start3A_2235 : memref<1x1x128x64xf32, #tpu.memory_space<vmem>> -> memref<128x64xf32, #tpu.memory_space<vmem>>
        tpu.enqueue_dma source(%dma_start3A_2236 : memref<128x64xf32, #tpu.memory_space<vmem>>) target(%dma_start3A_2232 : memref<128x64xf32, #tpu.memory_space<hbm>>) target_semaphore(%arg17 : memref<!tpu.dma_semaphore, #tpu.memory_space<semaphore_mem>>)
        %mul3A_2237 = arith.constant 512 : i32
        %mul3A_2238 = arith.muli %sub3A_2179, %mul3A_2237 : i32
        %add3A_2239 = arith.addi %mul3A_2, %mul3A_2238 : i32
        %add3A_2240 = arith.constant 384 : i32
        %add3A_2241 = arith.addi %add3A_2239, %add3A_2240 : i32
        %dma_start3A_2242 = arith.constant 1 : i32
        %dma_start3A_2243 = arith.constant 3 : i32
        %dma_start3A_2244 = arith.constant 0 : i32
        %dma_start3A_2245 = arith.constant 0 : i32
        %dma_start3A_2246 = tpu.memref_slice %arg10[%dma_start3A_2242, %dma_start3A_2243, %dma_start3A_2244, %dma_start3A_2245] : memref<2x4x128x64xf32, #tpu.memory_space<vmem>> -> memref<1x1x128x64xf32, #tpu.memory_space<vmem>>
        %dma_start3A_2247 = tpu.memref_squeeze %dma_start3A_2246 : memref<1x1x128x64xf32, #tpu.memory_space<vmem>> -> memref<128x64xf32, #tpu.memory_space<vmem>>
        %dma_start3A_2248 = arith.constant 0 : i32
        %dma_start3A_2249 = tpu.memref_slice %arg6[%add3A_2241, %dma_start3A_2248] : memref<3276800x128xf32, #tpu.memory_space<hbm>> -> memref<128x64xf32, #tpu.memory_space<hbm>>
        %dma_start3A_2250 = arith.constant 0 : i32
        %dma_start3A_2251 = tpu.memref_slice %arg6[%add3A_2241, %dma_start3A_2250] : memref<3276800x128xf32, #tpu.memory_space<hbm>> -> memref<128x64xf32, #tpu.memory_space<hbm>>
        %dma_start3A_2252 = arith.constant 0 : i32
        %dma_start3A_2253 = arith.constant 0 : i32
        %dma_start3A_2254 = tpu.memref_slice %arg10[%dma_start3A_2242, %dma_start3A_2243, %dma_start3A_2252, %dma_start3A_2253] : memref<2x4x128x64xf32, #tpu.memory_space<vmem>> -> memref<1x1x128x64xf32, #tpu.memory_space<vmem>>
        %dma_start3A_2255 = tpu.memref_squeeze %dma_start3A_2254 : memref<1x1x128x64xf32, #tpu.memory_space<vmem>> -> memref<128x64xf32, #tpu.memory_space<vmem>>
        tpu.enqueue_dma source(%dma_start3A_2255 : memref<128x64xf32, #tpu.memory_space<vmem>>) target(%dma_start3A_2251 : memref<128x64xf32, #tpu.memory_space<hbm>>) target_semaphore(%arg17 : memref<!tpu.dma_semaphore, #tpu.memory_space<semaphore_mem>>)
      } else {
      }
      %mul3A_337 = arith.constant 512 : i32
      %mul3A_338 = arith.muli %add3A_334, %mul3A_337 : i32
      %add3A_339 = arith.addi %mul3A_2, %mul3A_338 : i32
      %min3A_340 = arith.constant 3276288 : i32
      %min3A_341 = arith.minsi %add3A_339, %min3A_340 : i32
      %dma_wait3A_342 = arith.constant 0 : i32
      %dma_wait3A_343 = arith.constant 0 : i32
      %dma_wait3A_344 = tpu.memref_slice %arg8[%dma_wait3A_342, %dma_wait3A_343] : memref<2x512xi32, #tpu.memory_space<vmem>> -> memref<1x512xi32, #tpu.memory_space<vmem>>
      %dma_wait3A_345 = tpu.memref_squeeze %dma_wait3A_344 : memref<1x512xi32, #tpu.memory_space<vmem>> -> memref<512xi32, #tpu.memory_space<vmem>>
      %dma_wait3A_346 = tpu.memref_slice %arg2[%min3A_341] : memref<3276800xi32, #tpu.memory_space<hbm>> -> memref<512xi32, #tpu.memory_space<hbm>>
      %dma_wait3A_347 = arith.constant 0 : i32
      %dma_wait3A_348 = tpu.memref_slice %arg8[%dma_wait3A_342, %dma_wait3A_347] : memref<2x512xi32, #tpu.memory_space<vmem>> -> memref<1x512xi32, #tpu.memory_space<vmem>>
      %dma_wait3A_349 = tpu.memref_squeeze %dma_wait3A_348 : memref<1x512xi32, #tpu.memory_space<vmem>> -> memref<512xi32, #tpu.memory_space<vmem>>
      %dma_wait3A_350 = tpu.memref_slice %arg2[%min3A_341] : memref<3276800xi32, #tpu.memory_space<hbm>> -> memref<512xi32, #tpu.memory_space<hbm>>
      tpu.wait_dma2 semaphore(%arg12 : memref<!tpu.dma_semaphore, #tpu.memory_space<semaphore_mem>>) src(%dma_wait3A_350 : memref<512xi32, #tpu.memory_space<hbm>>) dst(%dma_wait3A_349 : memref<512xi32, #tpu.memory_space<vmem>>)
      %get3A_351 = arith.constant 0 : i32
      %get3A_352 = arith.index_cast %get3A_351 : i32 to index
      %get3A_353 = arith.constant 0 : index
      %get3A_354 = tpu.vector_load %arg8[%get3A_352, %get3A_353] {strides = array<i32>} : memref<2x512xi32, #tpu.memory_space<vmem>>, vector<16xi32>,
      %min3A_355 = arith.minsi %get3A_354, %get3A_3 : vector<16xi32>
      %shift_right_logical3A = arith.constant 1 : i32
      %shift_right_logical3A_356 = vector.broadcast %shift_right_logical3A : i32 to vector<16xi32>
      %shift_right_logical3A_357 = arith.shrui %min3A_355, %shift_right_logical3A_356 : vector<16xi32>
      %gather3A = tpu.vector_load_idx %arg7[%shift_right_logical3A_357] : memref<50176xi32, #tpu.memory_space<vmem>>[vector<16xi32>], vector<16xi32>,
      %and3A = arith.constant 1 : i32
      %and3A_358 = vector.broadcast %and3A : i32 to vector<16xi32>
      %and3A_359 = arith.andi %min3A_355, %and3A_358 : vector<16xi32>
      %shift_left3A = arith.constant 4 : i32
      %shift_left3A_360 = vector.broadcast %shift_left3A : i32 to vector<16xi32>
      %shift_left3A_361 = arith.shli %and3A_359, %shift_left3A_360 : vector<16xi32>
      %shift_right_logical3A_362 = arith.shrui %gather3A, %shift_left3A_361 : vector<16xi32>
      %and3A_363 = arith.constant 65535 : i32
      %and3A_364 = vector.broadcast %and3A_363 : i32 to vector<16xi32>
      %and3A_365 = arith.andi %shift_right_logical3A_362, %and3A_364 : vector<16xi32>
      %swap3A = arith.constant 0 : i32
      %swap3A_366 = arith.constant 0 : i32
      %swap3A_367 = arith.index_cast %swap3A : i32 to index
      %swap3A_368 = arith.index_cast %swap3A_366 : i32 to index
      %swap3A_369 = arith.constant 0 : index
      %swap3A_370 = tpu.vector_load %arg9[%swap3A_367, %swap3A_368, %swap3A_369] {strides = array<i32>} : memref<2x4x128xi32, #tpu.memory_space<vmem>>, vector<16xi32>,
      tpu.vector_store %arg9[%swap3A_367, %swap3A_368, %swap3A_369], %and3A_365 {strides = array<i32>} : memref<2x4x128xi32, #tpu.memory_space<vmem>>, vector<16xi32>,
      %get3A_371 = arith.constant 0 : i32
      %get3A_372 = arith.index_cast %get3A_371 : i32 to index
      %get3A_373 = arith.constant 16 : index
      %get3A_374 = tpu.vector_load %arg8[%get3A_372, %get3A_373] {strides = array<i32>} : memref<2x512xi32, #tpu.memory_space<vmem>>, vector<16xi32>,
      %min3A_375 = arith.minsi %get3A_374, %get3A_3 : vector<16xi32>
      %shift_right_logical3A_376 = arith.constant 1 : i32
      %shift_right_logical3A_377 = vector.broadcast %shift_right_logical3A_376 : i32 to vector<16xi32>
      %shift_right_logical3A_378 = arith.shrui %min3A_375, %shift_right_logical3A_377 : vector<16xi32>
      %gather3A_379 = tpu.vector_load_idx %arg7[%shift_right_logical3A_378] : memref<50176xi32, #tpu.memory_space<vmem>>[vector<16xi32>], vector<16xi32>,
      %and3A_380 = arith.constant 1 : i32
      %and3A_381 = vector.broadcast %and3A_380 : i32 to vector<16xi32>
      %and3A_382 = arith.andi %min3A_375, %and3A_381 : vector<16xi32>
      %shift_left3A_383 = arith.constant 4 : i32
      %shift_left3A_384 = vector.broadcast %shift_left3A_383 : i32 to vector<16xi32>
      %shift_left3A_385 = arith.shli %and3A_382, %shift_left3A_384 : vector<16xi32>
      %shift_right_logical3A_386 = arith.shrui %gather3A_379, %shift_left3A_385 : vector<16xi32>
      %and3A_387 = arith.constant 65535 : i32
      %and3A_388 = vector.broadcast %and3A_387 : i32 to vector<16xi32>
      %and3A_389 = arith.andi %shift_right_logical3A_386, %and3A_388 : vector<16xi32>
      %swap3A_390 = arith.constant 0 : i32
      %swap3A_391 = arith.constant 0 : i32
      %swap3A_392 = arith.index_cast %swap3A_390 : i32 to index
      %swap3A_393 = arith.index_cast %swap3A_391 : i32 to index
      %swap3A_394 = arith.constant 16 : index
      %swap3A_395 = tpu.vector_load %arg9[%swap3A_392, %swap3A_393, %swap3A_394] {strides = array<i32>} : memref<2x4x128xi32, #tpu.memory_space<vmem>>, vector<16xi32>,
      tpu.vector_store %arg9[%swap3A_392, %swap3A_393, %swap3A_394], %and3A_389 {strides = array<i32>} : memref<2x4x128xi32, #tpu.memory_space<vmem>>, vector<16xi32>,
      %get3A_396 = arith.constant 0 : i32
      %get3A_397 = arith.index_cast %get3A_396 : i32 to index
      %get3A_398 = arith.constant 32 : index
      %get3A_399 = tpu.vector_load %arg8[%get3A_397, %get3A_398] {strides = array<i32>} : memref<2x512xi32, #tpu.memory_space<vmem>>, vector<16xi32>,
      %min3A_400 = arith.minsi %get3A_399, %get3A_3 : vector<16xi32>
      %shift_right_logical3A_401 = arith.constant 1 : i32
      %shift_right_logical3A_402 = vector.broadcast %shift_right_logical3A_401 : i32 to vector<16xi32>
      %shift_right_logical3A_403 = arith.shrui %min3A_400, %shift_right_logical3A_402 : vector<16xi32>
      %gather3A_404 = tpu.vector_load_idx %arg7[%shift_right_logical3A_403] : memref<50176xi32, #tpu.memory_space<vmem>>[vector<16xi32>], vector<16xi32>,
      %and3A_405 = arith.constant 1 : i32
      %and3A_406 = vector.broadcast %and3A_405 : i32 to vector<16xi32>
      %and3A_407 = arith.andi %min3A_400, %and3A_406 : vector<16xi32>
      %shift_left3A_408 = arith.constant 4 : i32
      %shift_left3A_409 = vector.broadcast %shift_left3A_408 : i32 to vector<16xi32>
      %shift_left3A_410 = arith.shli %and3A_407, %shift_left3A_409 : vector<16xi32>
      %shift_right_logical3A_411 = arith.shrui %gather3A_404, %shift_left3A_410 : vector<16xi32>
      %and3A_412 = arith.constant 65535 : i32
      %and3A_413 = vector.broadcast %and3A_412 : i32 to vector<16xi32>
      %and3A_414 = arith.andi %shift_right_logical3A_411, %and3A_413 : vector<16xi32>
      %swap3A_415 = arith.constant 0 : i32
      %swap3A_416 = arith.constant 0 : i32
      %swap3A_417 = arith.index_cast %swap3A_415 : i32 to index
      %swap3A_418 = arith.index_cast %swap3A_416 : i32 to index
      %swap3A_419 = arith.constant 32 : index
      %swap3A_420 = tpu.vector_load %arg9[%swap3A_417, %swap3A_418, %swap3A_419] {strides = array<i32>} : memref<2x4x128xi32, #tpu.memory_space<vmem>>, vector<16xi32>,
      tpu.vector_store %arg9[%swap3A_417, %swap3A_418, %swap3A_419], %and3A_414 {strides = array<i32>} : memref<2x4x128xi32, #tpu.memory_space<vmem>>, vector<16xi32>,
      %get3A_421 = arith.constant 0 : i32
      %get3A_422 = arith.index_cast %get3A_421 : i32 to index
      %get3A_423 = arith.constant 48 : index
      %get3A_424 = tpu.vector_load %arg8[%get3A_422, %get3A_423] {strides = array<i32>} : memref<2x512xi32, #tpu.memory_space<vmem>>, vector<16xi32>,
      %min3A_425 = arith.minsi %get3A_424, %get3A_3 : vector<16xi32>
      %shift_right_logical3A_426 = arith.constant 1 : i32
      %shift_right_logical3A_427 = vector.broadcast %shift_right_logical3A_426 : i32 to vector<16xi32>
      %shift_right_logical3A_428 = arith.shrui %min3A_425, %shift_right_logical3A_427 : vector<16xi32>
      %gather3A_429 = tpu.vector_load_idx %arg7[%shift_right_logical3A_428] : memref<50176xi32, #tpu.memory_space<vmem>>[vector<16xi32>], vector<16xi32>,
      %and3A_430 = arith.constant 1 : i32
      %and3A_431 = vector.broadcast %and3A_430 : i32 to vector<16xi32>
      %and3A_432 = arith.andi %min3A_425, %and3A_431 : vector<16xi32>
      %shift_left3A_433 = arith.constant 4 : i32
      %shift_left3A_434 = vector.broadcast %shift_left3A_433 : i32 to vector<16xi32>
      %shift_left3A_435 = arith.shli %and3A_432, %shift_left3A_434 : vector<16xi32>
      %shift_right_logical3A_436 = arith.shrui %gather3A_429, %shift_left3A_435 : vector<16xi32>
      %and3A_437 = arith.constant 65535 : i32
      %and3A_438 = vector.broadcast %and3A_437 : i32 to vector<16xi32>
      %and3A_439 = arith.andi %shift_right_logical3A_436, %and3A_438 : vector<16xi32>
      %swap3A_440 = arith.constant 0 : i32
      %swap3A_441 = arith.constant 0 : i32
      %swap3A_442 = arith.index_cast %swap3A_440 : i32 to index
      %swap3A_443 = arith.index_cast %swap3A_441 : i32 to index
      %swap3A_444 = arith.constant 48 : index
      %swap3A_445 = tpu.vector_load %arg9[%swap3A_442, %swap3A_443, %swap3A_444] {strides = array<i32>} : memref<2x4x128xi32, #tpu.memory_space<vmem>>, vector<16xi32>,
      tpu.vector_store %arg9[%swap3A_442, %swap3A_443, %swap3A_444], %and3A_439 {strides = array<i32>} : memref<2x4x128xi32, #tpu.memory_space<vmem>>, vector<16xi32>,
      %get3A_446 = arith.constant 0 : i32
      %get3A_447 = arith.index_cast %get3A_446 : i32 to index
      %get3A_448 = arith.constant 64 : index
      %get3A_449 = tpu.vector_load %arg8[%get3A_447, %get3A_448] {strides = array<i32>} : memref<2x512xi32, #tpu.memory_space<vmem>>, vector<16xi32>,
      %min3A_450 = arith.minsi %get3A_449, %get3A_3 : vector<16xi32>
      %shift_right_logical3A_451 = arith.constant 1 : i32
      %shift_right_logical3A_452 = vector.broadcast %shift_right_logical3A_451 : i32 to vector<16xi32>
      %shift_right_logical3A_453 = arith.shrui %min3A_450, %shift_right_logical3A_452 : vector<16xi32>
      %gather3A_454 = tpu.vector_load_idx %arg7[%shift_right_logical3A_453] : memref<50176xi32, #tpu.memory_space<vmem>>[vector<16xi32>], vector<16xi32>,
      %and3A_455 = arith.constant 1 : i32
      %and3A_456 = vector.broadcast %and3A_455 : i32 to vector<16xi32>
      %and3A_457 = arith.andi %min3A_450, %and3A_456 : vector<16xi32>
      %shift_left3A_458 = arith.constant 4 : i32
      %shift_left3A_459 = vector.broadcast %shift_left3A_458 : i32 to vector<16xi32>
      %shift_left3A_460 = arith.shli %and3A_457, %shift_left3A_459 : vector<16xi32>
      %shift_right_logical3A_461 = arith.shrui %gather3A_454, %shift_left3A_460 : vector<16xi32>
      %and3A_462 = arith.constant 65535 : i32
      %and3A_463 = vector.broadcast %and3A_462 : i32 to vector<16xi32>
      %and3A_464 = arith.andi %shift_right_logical3A_461, %and3A_463 : vector<16xi32>
      %swap3A_465 = arith.constant 0 : i32
      %swap3A_466 = arith.constant 0 : i32
      %swap3A_467 = arith.index_cast %swap3A_465 : i32 to index
      %swap3A_468 = arith.index_cast %swap3A_466 : i32 to index
      %swap3A_469 = arith.constant 64 : index
      %swap3A_470 = tpu.vector_load %arg9[%swap3A_467, %swap3A_468, %swap3A_469] {strides = array<i32>} : memref<2x4x128xi32, #tpu.memory_space<vmem>>, vector<16xi32>,
      tpu.vector_store %arg9[%swap3A_467, %swap3A_468, %swap3A_469], %and3A_464 {strides = array<i32>} : memref<2x4x128xi32, #tpu.memory_space<vmem>>, vector<16xi32>,
      %get3A_471 = arith.constant 0 : i32
      %get3A_472 = arith.index_cast %get3A_471 : i32 to index
      %get3A_473 = arith.constant 80 : index
      %get3A_474 = tpu.vector_load %arg8[%get3A_472, %get3A_473] {strides = array<i32>} : memref<2x512xi32, #tpu.memory_space<vmem>>, vector<16xi32>,
      %min3A_475 = arith.minsi %get3A_474, %get3A_3 : vector<16xi32>
      %shift_right_logical3A_476 = arith.constant 1 : i32
      %shift_right_logical3A_477 = vector.broadcast %shift_right_logical3A_476 : i32 to vector<16xi32>
      %shift_right_logical3A_478 = arith.shrui %min3A_475, %shift_right_logical3A_477 : vector<16xi32>
      %gather3A_479 = tpu.vector_load_idx %arg7[%shift_right_logical3A_478] : memref<50176xi32, #tpu.memory_space<vmem>>[vector<16xi32>], vector<16xi32>,
      %and3A_480 = arith.constant 1 : i32
      %and3A_481 = vector.broadcast %and3A_480 : i32 to vector<16xi32>
      %and3A_482 = arith.andi %min3A_475, %and3A_481 : vector<16xi32>
      %shift_left3A_483 = arith.constant 4 : i32
      %shift_left3A_484 = vector.broadcast %shift_left3A_483 : i32 to vector<16xi32>
      %shift_left3A_485 = arith.shli %and3A_482, %shift_left3A_484 : vector<16xi32>
      %shift_right_logical3A_486 = arith.shrui %gather3A_479, %shift_left3A_485 : vector<16xi32>
      %and3A_487 = arith.constant 65535 : i32
      %and3A_488 = vector.broadcast %and3A_487 : i32 to vector<16xi32>
      %and3A_489 = arith.andi %shift_right_logical3A_486, %and3A_488 : vector<16xi32>
      %swap3A_490 = arith.constant 0 : i32
      %swap3A_491 = arith.constant 0 : i32
      %swap3A_492 = arith.index_cast %swap3A_490 : i32 to index
      %swap3A_493 = arith.index_cast %swap3A_491 : i32 to index
      %swap3A_494 = arith.constant 80 : index
      %swap3A_495 = tpu.vector_load %arg9[%swap3A_492, %swap3A_493, %swap3A_494] {strides = array<i32>} : memref<2x4x128xi32, #tpu.memory_space<vmem>>, vector<16xi32>,
      tpu.vector_store %arg9[%swap3A_492, %swap3A_493, %swap3A_494], %and3A_489 {strides = array<i32>} : memref<2x4x128xi32, #tpu.memory_space<vmem>>, vector<16xi32>,
      %get3A_496 = arith.constant 0 : i32
      %get3A_497 = arith.index_cast %get3A_496 : i32 to index
      %get3A_498 = arith.constant 96 : index
      %get3A_499 = tpu.vector_load %arg8[%get3A_497, %get3A_498] {strides = array<i32>} : memref<2x512xi32, #tpu.memory_space<vmem>>, vector<16xi32>,
      %min3A_500 = arith.minsi %get3A_499, %get3A_3 : vector<16xi32>
      %shift_right_logical3A_501 = arith.constant 1 : i32
      %shift_right_logical3A_502 = vector.broadcast %shift_right_logical3A_501 : i32 to vector<16xi32>
      %shift_right_logical3A_503 = arith.shrui %min3A_500, %shift_right_logical3A_502 : vector<16xi32>
      %gather3A_504 = tpu.vector_load_idx %arg7[%shift_right_logical3A_503] : memref<50176xi32, #tpu.memory_space<vmem>>[vector<16xi32>], vector<16xi32>,
      %and3A_505 = arith.constant 1 : i32
      %and3A_506 = vector.broadcast %and3A_505 : i32 to vector<16xi32>
      %and3A_507 = arith.andi %min3A_500, %and3A_506 : vector<16xi32>
      %shift_left3A_508 = arith.constant 4 : i32
      %shift_left3A_509 = vector.broadcast %shift_left3A_508 : i32 to vector<16xi32>
      %shift_left3A_510 = arith.shli %and3A_507, %shift_left3A_509 : vector<16xi32>
      %shift_right_logical3A_511 = arith.shrui %gather3A_504, %shift_left3A_510 : vector<16xi32>
      %and3A_512 = arith.constant 65535 : i32
      %and3A_513 = vector.broadcast %and3A_512 : i32 to vector<16xi32>
      %and3A_514 = arith.andi %shift_right_logical3A_511, %and3A_513 : vector<16xi32>
      %swap3A_515 = arith.constant 0 : i32
      %swap3A_516 = arith.constant 0 : i32
      %swap3A_517 = arith.index_cast %swap3A_515 : i32 to index
      %swap3A_518 = arith.index_cast %swap3A_516 : i32 to index
      %swap3A_519 = arith.constant 96 : index
      %swap3A_520 = tpu.vector_load %arg9[%swap3A_517, %swap3A_518, %swap3A_519] {strides = array<i32>} : memref<2x4x128xi32, #tpu.memory_space<vmem>>, vector<16xi32>,
      tpu.vector_store %arg9[%swap3A_517, %swap3A_518, %swap3A_519], %and3A_514 {strides = array<i32>} : memref<2x4x128xi32, #tpu.memory_space<vmem>>, vector<16xi32>,
      %get3A_521 = arith.constant 0 : i32
      %get3A_522 = arith.index_cast %get3A_521 : i32 to index
      %get3A_523 = arith.constant 112 : index
      %get3A_524 = tpu.vector_load %arg8[%get3A_522, %get3A_523] {strides = array<i32>} : memref<2x512xi32, #tpu.memory_space<vmem>>, vector<16xi32>,
      %min3A_525 = arith.minsi %get3A_524, %get3A_3 : vector<16xi32>
      %shift_right_logical3A_526 = arith.constant 1 : i32
      %shift_right_logical3A_527 = vector.broadcast %shift_right_logical3A_526 : i32 to vector<16xi32>
      %shift_right_logical3A_528 = arith.shrui %min3A_525, %shift_right_logical3A_527 : vector<16xi32>
      %gather3A_529 = tpu.vector_load_idx %arg7[%shift_right_logical3A_528] : memref<50176xi32, #tpu.memory_space<vmem>>[vector<16xi32>], vector<16xi32>,
      %and3A_530 = arith.constant 1 : i32
      %and3A_531 = vector.broadcast %and3A_530 : i32 to vector<16xi32>
      %and3A_532 = arith.andi %min3A_525, %and3A_531 : vector<16xi32>
      %shift_left3A_533 = arith.constant 4 : i32
      %shift_left3A_534 = vector.broadcast %shift_left3A_533 : i32 to vector<16xi32>
      %shift_left3A_535 = arith.shli %and3A_532, %shift_left3A_534 : vector<16xi32>
      %shift_right_logical3A_536 = arith.shrui %gather3A_529, %shift_left3A_535 : vector<16xi32>
      %and3A_537 = arith.constant 65535 : i32
      %and3A_538 = vector.broadcast %and3A_537 : i32 to vector<16xi32>
      %and3A_539 = arith.andi %shift_right_logical3A_536, %and3A_538 : vector<16xi32>
      %swap3A_540 = arith.constant 0 : i32
      %swap3A_541 = arith.constant 0 : i32
      %swap3A_542 = arith.index_cast %swap3A_540 : i32 to index
      %swap3A_543 = arith.index_cast %swap3A_541 : i32 to index
      %swap3A_544 = arith.constant 112 : index
      %swap3A_545 = tpu.vector_load %arg9[%swap3A_542, %swap3A_543, %swap3A_544] {strides = array<i32>} : memref<2x4x128xi32, #tpu.memory_space<vmem>>, vector<16xi32>,
      tpu.vector_store %arg9[%swap3A_542, %swap3A_543, %swap3A_544], %and3A_539 {strides = array<i32>} : memref<2x4x128xi32, #tpu.memory_space<vmem>>, vector<16xi32>,
      %get3A_546 = arith.constant 0 : i32
      %get3A_547 = arith.index_cast %get3A_546 : i32 to index
      %get3A_548 = arith.constant 128 : index
      %get3A_549 = tpu.vector_load %arg8[%get3A_547, %get3A_548] {strides = array<i32>} : memref<2x512xi32, #tpu.memory_space<vmem>>, vector<16xi32>,
      %min3A_550 = arith.minsi %get3A_549, %get3A_3 : vector<16xi32>
      %shift_right_logical3A_551 = arith.constant 1 : i32
      %shift_right_logical3A_552 = vector.broadcast %shift_right_logical3A_551 : i32 to vector<16xi32>
      %shift_right_logical3A_553 = arith.shrui %min3A_550, %shift_right_logical3A_552 : vector<16xi32>
      %gather3A_554 = tpu.vector_load_idx %arg7[%shift_right_logical3A_553] : memref<50176xi32, #tpu.memory_space<vmem>>[vector<16xi32>], vector<16xi32>,
      %and3A_555 = arith.constant 1 : i32
      %and3A_556 = vector.broadcast %and3A_555 : i32 to vector<16xi32>
      %and3A_557 = arith.andi %min3A_550, %and3A_556 : vector<16xi32>
      %shift_left3A_558 = arith.constant 4 : i32
      %shift_left3A_559 = vector.broadcast %shift_left3A_558 : i32 to vector<16xi32>
      %shift_left3A_560 = arith.shli %and3A_557, %shift_left3A_559 : vector<16xi32>
      %shift_right_logical3A_561 = arith.shrui %gather3A_554, %shift_left3A_560 : vector<16xi32>
      %and3A_562 = arith.constant 65535 : i32
      %and3A_563 = vector.broadcast %and3A_562 : i32 to vector<16xi32>
      %and3A_564 = arith.andi %shift_right_logical3A_561, %and3A_563 : vector<16xi32>
      %swap3A_565 = arith.constant 0 : i32
      %swap3A_566 = arith.constant 1 : i32
      %swap3A_567 = arith.index_cast %swap3A_565 : i32 to index
      %swap3A_568 = arith.index_cast %swap3A_566 : i32 to index
      %swap3A_569 = arith.constant 0 : index
      %swap3A_570 = tpu.vector_load %arg9[%swap3A_567, %swap3A_568, %swap3A_569] {strides = array<i32>} : memref<2x4x128xi32, #tpu.memory_space<vmem>>, vector<16xi32>,
      tpu.vector_store %arg9[%swap3A_567, %swap3A_568, %swap3A_569], %and3A_564 {strides = array<i32>} : memref<2x4x128xi32, #tpu.memory_space<vmem>>, vector<16xi32>,
      %get3A_571 = arith.constant 0 : i32
      %get3A_572 = arith.index_cast %get3A_571 : i32 to index
      %get3A_573 = arith.constant 144 : index
      %get3A_574 = tpu.vector_load %arg8[%get3A_572, %get3A_573] {strides = array<i32>} : memref<2x512xi32, #tpu.memory_space<vmem>>, vector<16xi32>,
      %min3A_575 = arith.minsi %get3A_574, %get3A_3 : vector<16xi32>
      %shift_right_logical3A_576 = arith.constant 1 : i32
      %shift_right_logical3A_577 = vector.broadcast %shift_right_logical3A_576 : i32 to vector<16xi32>
      %shift_right_logical3A_578 = arith.shrui %min3A_575, %shift_right_logical3A_577 : vector<16xi32>
      %gather3A_579 = tpu.vector_load_idx %arg7[%shift_right_logical3A_578] : memref<50176xi32, #tpu.memory_space<vmem>>[vector<16xi32>], vector<16xi32>,
      %and3A_580 = arith.constant 1 : i32
      %and3A_581 = vector.broadcast %and3A_580 : i32 to vector<16xi32>
      %and3A_582 = arith.andi %min3A_575, %and3A_581 : vector<16xi32>
      %shift_left3A_583 = arith.constant 4 : i32
      %shift_left3A_584 = vector.broadcast %shift_left3A_583 : i32 to vector<16xi32>
      %shift_left3A_585 = arith.shli %and3A_582, %shift_left3A_584 : vector<16xi32>
      %shift_right_logical3A_586 = arith.shrui %gather3A_579, %shift_left3A_585 : vector<16xi32>
      %and3A_587 = arith.constant 65535 : i32
      %and3A_588 = vector.broadcast %and3A_587 : i32 to vector<16xi32>
      %and3A_589 = arith.andi %shift_right_logical3A_586, %and3A_588 : vector<16xi32>
      %swap3A_590 = arith.constant 0 : i32
      %swap3A_591 = arith.constant 1 : i32
      %swap3A_592 = arith.index_cast %swap3A_590 : i32 to index
      %swap3A_593 = arith.index_cast %swap3A_591 : i32 to index
      %swap3A_594 = arith.constant 16 : index
      %swap3A_595 = tpu.vector_load %arg9[%swap3A_592, %swap3A_593, %swap3A_594] {strides = array<i32>} : memref<2x4x128xi32, #tpu.memory_space<vmem>>, vector<16xi32>,
      tpu.vector_store %arg9[%swap3A_592, %swap3A_593, %swap3A_594], %and3A_589 {strides = array<i32>} : memref<2x4x128xi32, #tpu.memory_space<vmem>>, vector<16xi32>,
      %get3A_596 = arith.constant 0 : i32
      %get3A_597 = arith.index_cast %get3A_596 : i32 to index
      %get3A_598 = arith.constant 160 : index
      %get3A_599 = tpu.vector_load %arg8[%get3A_597, %get3A_598] {strides = array<i32>} : memref<2x512xi32, #tpu.memory_space<vmem>>, vector<16xi32>,
      %min3A_600 = arith.minsi %get3A_599, %get3A_3 : vector<16xi32>
      %shift_right_logical3A_601 = arith.constant 1 : i32
      %shift_right_logical3A_602 = vector.broadcast %shift_right_logical3A_601 : i32 to vector<16xi32>
      %shift_right_logical3A_603 = arith.shrui %min3A_600, %shift_right_logical3A_602 : vector<16xi32>
      %gather3A_604 = tpu.vector_load_idx %arg7[%shift_right_logical3A_603] : memref<50176xi32, #tpu.memory_space<vmem>>[vector<16xi32>], vector<16xi32>,
      %and3A_605 = arith.constant 1 : i32
      %and3A_606 = vector.broadcast %and3A_605 : i32 to vector<16xi32>
      %and3A_607 = arith.andi %min3A_600, %and3A_606 : vector<16xi32>
      %shift_left3A_608 = arith.constant 4 : i32
      %shift_left3A_609 = vector.broadcast %shift_left3A_608 : i32 to vector<16xi32>
      %shift_left3A_610 = arith.shli %and3A_607, %shift_left3A_609 : vector<16xi32>
      %shift_right_logical3A_611 = arith.shrui %gather3A_604, %shift_left3A_610 : vector<16xi32>
      %and3A_612 = arith.constant 65535 : i32
      %and3A_613 = vector.broadcast %and3A_612 : i32 to vector<16xi32>
      %and3A_614 = arith.andi %shift_right_logical3A_611, %and3A_613 : vector<16xi32>
      %swap3A_615 = arith.constant 0 : i32
      %swap3A_616 = arith.constant 1 : i32
      %swap3A_617 = arith.index_cast %swap3A_615 : i32 to index
      %swap3A_618 = arith.index_cast %swap3A_616 : i32 to index
      %swap3A_619 = arith.constant 32 : index
      %swap3A_620 = tpu.vector_load %arg9[%swap3A_617, %swap3A_618, %swap3A_619] {strides = array<i32>} : memref<2x4x128xi32, #tpu.memory_space<vmem>>, vector<16xi32>,
      tpu.vector_store %arg9[%swap3A_617, %swap3A_618, %swap3A_619], %and3A_614 {strides = array<i32>} : memref<2x4x128xi32, #tpu.memory_space<vmem>>, vector<16xi32>,
      %get3A_621 = arith.constant 0 : i32
      %get3A_622 = arith.index_cast %get3A_621 : i32 to index
      %get3A_623 = arith.constant 176 : index
      %get3A_624 = tpu.vector_load %arg8[%get3A_622, %get3A_623] {strides = array<i32>} : memref<2x512xi32, #tpu.memory_space<vmem>>, vector<16xi32>,
      %min3A_625 = arith.minsi %get3A_624, %get3A_3 : vector<16xi32>
      %shift_right_logical3A_626 = arith.constant 1 : i32
      %shift_right_logical3A_627 = vector.broadcast %shift_right_logical3A_626 : i32 to vector<16xi32>
      %shift_right_logical3A_628 = arith.shrui %min3A_625, %shift_right_logical3A_627 : vector<16xi32>
      %gather3A_629 = tpu.vector_load_idx %arg7[%shift_right_logical3A_628] : memref<50176xi32, #tpu.memory_space<vmem>>[vector<16xi32>], vector<16xi32>,
      %and3A_630 = arith.constant 1 : i32
      %and3A_631 = vector.broadcast %and3A_630 : i32 to vector<16xi32>
      %and3A_632 = arith.andi %min3A_625, %and3A_631 : vector<16xi32>
      %shift_left3A_633 = arith.constant 4 : i32
      %shift_left3A_634 = vector.broadcast %shift_left3A_633 : i32 to vector<16xi32>
      %shift_left3A_635 = arith.shli %and3A_632, %shift_left3A_634 : vector<16xi32>
      %shift_right_logical3A_636 = arith.shrui %gather3A_629, %shift_left3A_635 : vector<16xi32>
      %and3A_637 = arith.constant 65535 : i32
      %and3A_638 = vector.broadcast %and3A_637 : i32 to vector<16xi32>
      %and3A_639 = arith.andi %shift_right_logical3A_636, %and3A_638 : vector<16xi32>
      %swap3A_640 = arith.constant 0 : i32
      %swap3A_641 = arith.constant 1 : i32
      %swap3A_642 = arith.index_cast %swap3A_640 : i32 to index
      %swap3A_643 = arith.index_cast %swap3A_641 : i32 to index
      %swap3A_644 = arith.constant 48 : index
      %swap3A_645 = tpu.vector_load %arg9[%swap3A_642, %swap3A_643, %swap3A_644] {strides = array<i32>} : memref<2x4x128xi32, #tpu.memory_space<vmem>>, vector<16xi32>,
      tpu.vector_store %arg9[%swap3A_642, %swap3A_643, %swap3A_644], %and3A_639 {strides = array<i32>} : memref<2x4x128xi32, #tpu.memory_space<vmem>>, vector<16xi32>,
      %get3A_646 = arith.constant 0 : i32
      %get3A_647 = arith.index_cast %get3A_646 : i32 to index
      %get3A_648 = arith.constant 192 : index
      %get3A_649 = tpu.vector_load %arg8[%get3A_647, %get3A_648] {strides = array<i32>} : memref<2x512xi32, #tpu.memory_space<vmem>>, vector<16xi32>,
      %min3A_650 = arith.minsi %get3A_649, %get3A_3 : vector<16xi32>
      %shift_right_logical3A_651 = arith.constant 1 : i32
      %shift_right_logical3A_652 = vector.broadcast %shift_right_logical3A_651 : i32 to vector<16xi32>
      %shift_right_logical3A_653 = arith.shrui %min3A_650, %shift_right_logical3A_652 : vector<16xi32>
      %gather3A_654 = tpu.vector_load_idx %arg7[%shift_right_logical3A_653] : memref<50176xi32, #tpu.memory_space<vmem>>[vector<16xi32>], vector<16xi32>,
      %and3A_655 = arith.constant 1 : i32
      %and3A_656 = vector.broadcast %and3A_655 : i32 to vector<16xi32>
      %and3A_657 = arith.andi %min3A_650, %and3A_656 : vector<16xi32>
      %shift_left3A_658 = arith.constant 4 : i32
      %shift_left3A_659 = vector.broadcast %shift_left3A_658 : i32 to vector<16xi32>
      %shift_left3A_660 = arith.shli %and3A_657, %shift_left3A_659 : vector<16xi32>
      %shift_right_logical3A_661 = arith.shrui %gather3A_654, %shift_left3A_660 : vector<16xi32>
      %and3A_662 = arith.constant 65535 : i32
      %and3A_663 = vector.broadcast %and3A_662 : i32 to vector<16xi32>
      %and3A_664 = arith.andi %shift_right_logical3A_661, %and3A_663 : vector<16xi32>
      %swap3A_665 = arith.constant 0 : i32
      %swap3A_666 = arith.constant 1 : i32
      %swap3A_667 = arith.index_cast %swap3A_665 : i32 to index
      %swap3A_668 = arith.index_cast %swap3A_666 : i32 to index
      %swap3A_669 = arith.constant 64 : index
      %swap3A_670 = tpu.vector_load %arg9[%swap3A_667, %swap3A_668, %swap3A_669] {strides = array<i32>} : memref<2x4x128xi32, #tpu.memory_space<vmem>>, vector<16xi32>,
      tpu.vector_store %arg9[%swap3A_667, %swap3A_668, %swap3A_669], %and3A_664 {strides = array<i32>} : memref<2x4x128xi32, #tpu.memory_space<vmem>>, vector<16xi32>,
      %get3A_671 = arith.constant 0 : i32
      %get3A_672 = arith.index_cast %get3A_671 : i32 to index
      %get3A_673 = arith.constant 208 : index
      %get3A_674 = tpu.vector_load %arg8[%get3A_672, %get3A_673] {strides = array<i32>} : memref<2x512xi32, #tpu.memory_space<vmem>>, vector<16xi32>,
      %min3A_675 = arith.minsi %get3A_674, %get3A_3 : vector<16xi32>
      %shift_right_logical3A_676 = arith.constant 1 : i32
      %shift_right_logical3A_677 = vector.broadcast %shift_right_logical3A_676 : i32 to vector<16xi32>
      %shift_right_logical3A_678 = arith.shrui %min3A_675, %shift_right_logical3A_677 : vector<16xi32>
      %gather3A_679 = tpu.vector_load_idx %arg7[%shift_right_logical3A_678] : memref<50176xi32, #tpu.memory_space<vmem>>[vector<16xi32>], vector<16xi32>,
      %and3A_680 = arith.constant 1 : i32
      %and3A_681 = vector.broadcast %and3A_680 : i32 to vector<16xi32>
      %and3A_682 = arith.andi %min3A_675, %and3A_681 : vector<16xi32>
      %shift_left3A_683 = arith.constant 4 : i32
      %shift_left3A_684 = vector.broadcast %shift_left3A_683 : i32 to vector<16xi32>
      %shift_left3A_685 = arith.shli %and3A_682, %shift_left3A_684 : vector<16xi32>
      %shift_right_logical3A_686 = arith.shrui %gather3A_679, %shift_left3A_685 : vector<16xi32>
      %and3A_687 = arith.constant 65535 : i32
      %and3A_688 = vector.broadcast %and3A_687 : i32 to vector<16xi32>
      %and3A_689 = arith.andi %shift_right_logical3A_686, %and3A_688 : vector<16xi32>
      %swap3A_690 = arith.constant 0 : i32
      %swap3A_691 = arith.constant 1 : i32
      %swap3A_692 = arith.index_cast %swap3A_690 : i32 to index
      %swap3A_693 = arith.index_cast %swap3A_691 : i32 to index
      %swap3A_694 = arith.constant 80 : index
      %swap3A_695 = tpu.vector_load %arg9[%swap3A_692, %swap3A_693, %swap3A_694] {strides = array<i32>} : memref<2x4x128xi32, #tpu.memory_space<vmem>>, vector<16xi32>,
      tpu.vector_store %arg9[%swap3A_692, %swap3A_693, %swap3A_694], %and3A_689 {strides = array<i32>} : memref<2x4x128xi32, #tpu.memory_space<vmem>>, vector<16xi32>,
      %get3A_696 = arith.constant 0 : i32
      %get3A_697 = arith.index_cast %get3A_696 : i32 to index
      %get3A_698 = arith.constant 224 : index
      %get3A_699 = tpu.vector_load %arg8[%get3A_697, %get3A_698] {strides = array<i32>} : memref<2x512xi32, #tpu.memory_space<vmem>>, vector<16xi32>,
      %min3A_700 = arith.minsi %get3A_699, %get3A_3 : vector<16xi32>
      %shift_right_logical3A_701 = arith.constant 1 : i32
      %shift_right_logical3A_702 = vector.broadcast %shift_right_logical3A_701 : i32 to vector<16xi32>
      %shift_right_logical3A_703 = arith.shrui %min3A_700, %shift_right_logical3A_702 : vector<16xi32>
      %gather3A_704 = tpu.vector_load_idx %arg7[%shift_right_logical3A_703] : memref<50176xi32, #tpu.memory_space<vmem>>[vector<16xi32>], vector<16xi32>,
      %and3A_705 = arith.constant 1 : i32
      %and3A_706 = vector.broadcast %and3A_705 : i32 to vector<16xi32>
      %and3A_707 = arith.andi %min3A_700, %and3A_706 : vector<16xi32>
      %shift_left3A_708 = arith.constant 4 : i32
      %shift_left3A_709 = vector.broadcast %shift_left3A_708 : i32 to vector<16xi32>
      %shift_left3A_710 = arith.shli %and3A_707, %shift_left3A_709 : vector<16xi32>
      %shift_right_logical3A_711 = arith.shrui %gather3A_704, %shift_left3A_710 : vector<16xi32>
      %and3A_712 = arith.constant 65535 : i32
      %and3A_713 = vector.broadcast %and3A_712 : i32 to vector<16xi32>
      %and3A_714 = arith.andi %shift_right_logical3A_711, %and3A_713 : vector<16xi32>
      %swap3A_715 = arith.constant 0 : i32
      %swap3A_716 = arith.constant 1 : i32
      %swap3A_717 = arith.index_cast %swap3A_715 : i32 to index
      %swap3A_718 = arith.index_cast %swap3A_716 : i32 to index
      %swap3A_719 = arith.constant 96 : index
      %swap3A_720 = tpu.vector_load %arg9[%swap3A_717, %swap3A_718, %swap3A_719] {strides = array<i32>} : memref<2x4x128xi32, #tpu.memory_space<vmem>>, vector<16xi32>,
      tpu.vector_store %arg9[%swap3A_717, %swap3A_718, %swap3A_719], %and3A_714 {strides = array<i32>} : memref<2x4x128xi32, #tpu.memory_space<vmem>>, vector<16xi32>,
      %get3A_721 = arith.constant 0 : i32
      %get3A_722 = arith.index_cast %get3A_721 : i32 to index
      %get3A_723 = arith.constant 240 : index
      %get3A_724 = tpu.vector_load %arg8[%get3A_722, %get3A_723] {strides = array<i32>} : memref<2x512xi32, #tpu.memory_space<vmem>>, vector<16xi32>,
      %min3A_725 = arith.minsi %get3A_724, %get3A_3 : vector<16xi32>
      %shift_right_logical3A_726 = arith.constant 1 : i32
      %shift_right_logical3A_727 = vector.broadcast %shift_right_logical3A_726 : i32 to vector<16xi32>
      %shift_right_logical3A_728 = arith.shrui %min3A_725, %shift_right_logical3A_727 : vector<16xi32>
      %gather3A_729 = tpu.vector_load_idx %arg7[%shift_right_logical3A_728] : memref<50176xi32, #tpu.memory_space<vmem>>[vector<16xi32>], vector<16xi32>,
      %and3A_730 = arith.constant 1 : i32
      %and3A_731 = vector.broadcast %and3A_730 : i32 to vector<16xi32>
      %and3A_732 = arith.andi %min3A_725, %and3A_731 : vector<16xi32>
      %shift_left3A_733 = arith.constant 4 : i32
      %shift_left3A_734 = vector.broadcast %shift_left3A_733 : i32 to vector<16xi32>
      %shift_left3A_735 = arith.shli %and3A_732, %shift_left3A_734 : vector<16xi32>
      %shift_right_logical3A_736 = arith.shrui %gather3A_729, %shift_left3A_735 : vector<16xi32>
      %and3A_737 = arith.constant 65535 : i32
      %and3A_738 = vector.broadcast %and3A_737 : i32 to vector<16xi32>
      %and3A_739 = arith.andi %shift_right_logical3A_736, %and3A_738 : vector<16xi32>
      %swap3A_740 = arith.constant 0 : i32
      %swap3A_741 = arith.constant 1 : i32
      %swap3A_742 = arith.index_cast %swap3A_740 : i32 to index
      %swap3A_743 = arith.index_cast %swap3A_741 : i32 to index
      %swap3A_744 = arith.constant 112 : index
      %swap3A_745 = tpu.vector_load %arg9[%swap3A_742, %swap3A_743, %swap3A_744] {strides = array<i32>} : memref<2x4x128xi32, #tpu.memory_space<vmem>>, vector<16xi32>,
      tpu.vector_store %arg9[%swap3A_742, %swap3A_743, %swap3A_744], %and3A_739 {strides = array<i32>} : memref<2x4x128xi32, #tpu.memory_space<vmem>>, vector<16xi32>,
      %get3A_746 = arith.constant 0 : i32
      %get3A_747 = arith.index_cast %get3A_746 : i32 to index
      %get3A_748 = arith.constant 256 : index
      %get3A_749 = tpu.vector_load %arg8[%get3A_747, %get3A_748] {strides = array<i32>} : memref<2x512xi32, #tpu.memory_space<vmem>>, vector<16xi32>,
      %min3A_750 = arith.minsi %get3A_749, %get3A_3 : vector<16xi32>
      %shift_right_logical3A_751 = arith.constant 1 : i32
      %shift_right_logical3A_752 = vector.broadcast %shift_right_logical3A_751 : i32 to vector<16xi32>
      %shift_right_logical3A_753 = arith.shrui %min3A_750, %shift_right_logical3A_752 : vector<16xi32>
      %gather3A_754 = tpu.vector_load_idx %arg7[%shift_right_logical3A_753] : memref<50176xi32, #tpu.memory_space<vmem>>[vector<16xi32>], vector<16xi32>,
      %and3A_755 = arith.constant 1 : i32
      %and3A_756 = vector.broadcast %and3A_755 : i32 to vector<16xi32>
      %and3A_757 = arith.andi %min3A_750, %and3A_756 : vector<16xi32>
      %shift_left3A_758 = arith.constant 4 : i32
      %shift_left3A_759 = vector.broadcast %shift_left3A_758 : i32 to vector<16xi32>
      %shift_left3A_760 = arith.shli %and3A_757, %shift_left3A_759 : vector<16xi32>
      %shift_right_logical3A_761 = arith.shrui %gather3A_754, %shift_left3A_760 : vector<16xi32>
      %and3A_762 = arith.constant 65535 : i32
      %and3A_763 = vector.broadcast %and3A_762 : i32 to vector<16xi32>
      %and3A_764 = arith.andi %shift_right_logical3A_761, %and3A_763 : vector<16xi32>
      %swap3A_765 = arith.constant 0 : i32
      %swap3A_766 = arith.constant 2 : i32
      %swap3A_767 = arith.index_cast %swap3A_765 : i32 to index
      %swap3A_768 = arith.index_cast %swap3A_766 : i32 to index
      %swap3A_769 = arith.constant 0 : index
      %swap3A_770 = tpu.vector_load %arg9[%swap3A_767, %swap3A_768, %swap3A_769] {strides = array<i32>} : memref<2x4x128xi32, #tpu.memory_space<vmem>>, vector<16xi32>,
      tpu.vector_store %arg9[%swap3A_767, %swap3A_768, %swap3A_769], %and3A_764 {strides = array<i32>} : memref<2x4x128xi32, #tpu.memory_space<vmem>>, vector<16xi32>,
      %get3A_771 = arith.constant 0 : i32
      %get3A_772 = arith.index_cast %get3A_771 : i32 to index
      %get3A_773 = arith.constant 272 : index
      %get3A_774 = tpu.vector_load %arg8[%get3A_772, %get3A_773] {strides = array<i32>} : memref<2x512xi32, #tpu.memory_space<vmem>>, vector<16xi32>,
      %min3A_775 = arith.minsi %get3A_774, %get3A_3 : vector<16xi32>
      %shift_right_logical3A_776 = arith.constant 1 : i32
      %shift_right_logical3A_777 = vector.broadcast %shift_right_logical3A_776 : i32 to vector<16xi32>
      %shift_right_logical3A_778 = arith.shrui %min3A_775, %shift_right_logical3A_777 : vector<16xi32>
      %gather3A_779 = tpu.vector_load_idx %arg7[%shift_right_logical3A_778] : memref<50176xi32, #tpu.memory_space<vmem>>[vector<16xi32>], vector<16xi32>,
      %and3A_780 = arith.constant 1 : i32
      %and3A_781 = vector.broadcast %and3A_780 : i32 to vector<16xi32>
      %and3A_782 = arith.andi %min3A_775, %and3A_781 : vector<16xi32>
      %shift_left3A_783 = arith.constant 4 : i32
      %shift_left3A_784 = vector.broadcast %shift_left3A_783 : i32 to vector<16xi32>
      %shift_left3A_785 = arith.shli %and3A_782, %shift_left3A_784 : vector<16xi32>
      %shift_right_logical3A_786 = arith.shrui %gather3A_779, %shift_left3A_785 : vector<16xi32>
      %and3A_787 = arith.constant 65535 : i32
      %and3A_788 = vector.broadcast %and3A_787 : i32 to vector<16xi32>
      %and3A_789 = arith.andi %shift_right_logical3A_786, %and3A_788 : vector<16xi32>
      %swap3A_790 = arith.constant 0 : i32
      %swap3A_791 = arith.constant 2 : i32
      %swap3A_792 = arith.index_cast %swap3A_790 : i32 to index
      %swap3A_793 = arith.index_cast %swap3A_791 : i32 to index
      %swap3A_794 = arith.constant 16 : index
      %swap3A_795 = tpu.vector_load %arg9[%swap3A_792, %swap3A_793, %swap3A_794] {strides = array<i32>} : memref<2x4x128xi32, #tpu.memory_space<vmem>>, vector<16xi32>,
      tpu.vector_store %arg9[%swap3A_792, %swap3A_793, %swap3A_794], %and3A_789 {strides = array<i32>} : memref<2x4x128xi32, #tpu.memory_space<vmem>>, vector<16xi32>,
      %get3A_796 = arith.constant 0 : i32
      %get3A_797 = arith.index_cast %get3A_796 : i32 to index
      %get3A_798 = arith.constant 288 : index
      %get3A_799 = tpu.vector_load %arg8[%get3A_797, %get3A_798] {strides = array<i32>} : memref<2x512xi32, #tpu.memory_space<vmem>>, vector<16xi32>,
      %min3A_800 = arith.minsi %get3A_799, %get3A_3 : vector<16xi32>
      %shift_right_logical3A_801 = arith.constant 1 : i32
      %shift_right_logical3A_802 = vector.broadcast %shift_right_logical3A_801 : i32 to vector<16xi32>
      %shift_right_logical3A_803 = arith.shrui %min3A_800, %shift_right_logical3A_802 : vector<16xi32>
      %gather3A_804 = tpu.vector_load_idx %arg7[%shift_right_logical3A_803] : memref<50176xi32, #tpu.memory_space<vmem>>[vector<16xi32>], vector<16xi32>,
      %and3A_805 = arith.constant 1 : i32
      %and3A_806 = vector.broadcast %and3A_805 : i32 to vector<16xi32>
      %and3A_807 = arith.andi %min3A_800, %and3A_806 : vector<16xi32>
      %shift_left3A_808 = arith.constant 4 : i32
      %shift_left3A_809 = vector.broadcast %shift_left3A_808 : i32 to vector<16xi32>
      %shift_left3A_810 = arith.shli %and3A_807, %shift_left3A_809 : vector<16xi32>
      %shift_right_logical3A_811 = arith.shrui %gather3A_804, %shift_left3A_810 : vector<16xi32>
      %and3A_812 = arith.constant 65535 : i32
      %and3A_813 = vector.broadcast %and3A_812 : i32 to vector<16xi32>
      %and3A_814 = arith.andi %shift_right_logical3A_811, %and3A_813 : vector<16xi32>
      %swap3A_815 = arith.constant 0 : i32
      %swap3A_816 = arith.constant 2 : i32
      %swap3A_817 = arith.index_cast %swap3A_815 : i32 to index
      %swap3A_818 = arith.index_cast %swap3A_816 : i32 to index
      %swap3A_819 = arith.constant 32 : index
      %swap3A_820 = tpu.vector_load %arg9[%swap3A_817, %swap3A_818, %swap3A_819] {strides = array<i32>} : memref<2x4x128xi32, #tpu.memory_space<vmem>>, vector<16xi32>,
      tpu.vector_store %arg9[%swap3A_817, %swap3A_818, %swap3A_819], %and3A_814 {strides = array<i32>} : memref<2x4x128xi32, #tpu.memory_space<vmem>>, vector<16xi32>,
      %get3A_821 = arith.constant 0 : i32
      %get3A_822 = arith.index_cast %get3A_821 : i32 to index
      %get3A_823 = arith.constant 304 : index
      %get3A_824 = tpu.vector_load %arg8[%get3A_822, %get3A_823] {strides = array<i32>} : memref<2x512xi32, #tpu.memory_space<vmem>>, vector<16xi32>,
      %min3A_825 = arith.minsi %get3A_824, %get3A_3 : vector<16xi32>
      %shift_right_logical3A_826 = arith.constant 1 : i32
      %shift_right_logical3A_827 = vector.broadcast %shift_right_logical3A_826 : i32 to vector<16xi32>
      %shift_right_logical3A_828 = arith.shrui %min3A_825, %shift_right_logical3A_827 : vector<16xi32>
      %gather3A_829 = tpu.vector_load_idx %arg7[%shift_right_logical3A_828] : memref<50176xi32, #tpu.memory_space<vmem>>[vector<16xi32>], vector<16xi32>,
      %and3A_830 = arith.constant 1 : i32
      %and3A_831 = vector.broadcast %and3A_830 : i32 to vector<16xi32>
      %and3A_832 = arith.andi %min3A_825, %and3A_831 : vector<16xi32>
      %shift_left3A_833 = arith.constant 4 : i32
      %shift_left3A_834 = vector.broadcast %shift_left3A_833 : i32 to vector<16xi32>
      %shift_left3A_835 = arith.shli %and3A_832, %shift_left3A_834 : vector<16xi32>
      %shift_right_logical3A_836 = arith.shrui %gather3A_829, %shift_left3A_835 : vector<16xi32>
      %and3A_837 = arith.constant 65535 : i32
      %and3A_838 = vector.broadcast %and3A_837 : i32 to vector<16xi32>
      %and3A_839 = arith.andi %shift_right_logical3A_836, %and3A_838 : vector<16xi32>
      %swap3A_840 = arith.constant 0 : i32
      %swap3A_841 = arith.constant 2 : i32
      %swap3A_842 = arith.index_cast %swap3A_840 : i32 to index
      %swap3A_843 = arith.index_cast %swap3A_841 : i32 to index
      %swap3A_844 = arith.constant 48 : index
      %swap3A_845 = tpu.vector_load %arg9[%swap3A_842, %swap3A_843, %swap3A_844] {strides = array<i32>} : memref<2x4x128xi32, #tpu.memory_space<vmem>>, vector<16xi32>,
      tpu.vector_store %arg9[%swap3A_842, %swap3A_843, %swap3A_844], %and3A_839 {strides = array<i32>} : memref<2x4x128xi32, #tpu.memory_space<vmem>>, vector<16xi32>,
      %get3A_846 = arith.constant 0 : i32
      %get3A_847 = arith.index_cast %get3A_846 : i32 to index
      %get3A_848 = arith.constant 320 : index
      %get3A_849 = tpu.vector_load %arg8[%get3A_847, %get3A_848] {strides = array<i32>} : memref<2x512xi32, #tpu.memory_space<vmem>>, vector<16xi32>,
      %min3A_850 = arith.minsi %get3A_849, %get3A_3 : vector<16xi32>
      %shift_right_logical3A_851 = arith.constant 1 : i32
      %shift_right_logical3A_852 = vector.broadcast %shift_right_logical3A_851 : i32 to vector<16xi32>
      %shift_right_logical3A_853 = arith.shrui %min3A_850, %shift_right_logical3A_852 : vector<16xi32>
      %gather3A_854 = tpu.vector_load_idx %arg7[%shift_right_logical3A_853] : memref<50176xi32, #tpu.memory_space<vmem>>[vector<16xi32>], vector<16xi32>,
      %and3A_855 = arith.constant 1 : i32
      %and3A_856 = vector.broadcast %and3A_855 : i32 to vector<16xi32>
      %and3A_857 = arith.andi %min3A_850, %and3A_856 : vector<16xi32>
      %shift_left3A_858 = arith.constant 4 : i32
      %shift_left3A_859 = vector.broadcast %shift_left3A_858 : i32 to vector<16xi32>
      %shift_left3A_860 = arith.shli %and3A_857, %shift_left3A_859 : vector<16xi32>
      %shift_right_logical3A_861 = arith.shrui %gather3A_854, %shift_left3A_860 : vector<16xi32>
      %and3A_862 = arith.constant 65535 : i32
      %and3A_863 = vector.broadcast %and3A_862 : i32 to vector<16xi32>
      %and3A_864 = arith.andi %shift_right_logical3A_861, %and3A_863 : vector<16xi32>
      %swap3A_865 = arith.constant 0 : i32
      %swap3A_866 = arith.constant 2 : i32
      %swap3A_867 = arith.index_cast %swap3A_865 : i32 to index
      %swap3A_868 = arith.index_cast %swap3A_866 : i32 to index
      %swap3A_869 = arith.constant 64 : index
      %swap3A_870 = tpu.vector_load %arg9[%swap3A_867, %swap3A_868, %swap3A_869] {strides = array<i32>} : memref<2x4x128xi32, #tpu.memory_space<vmem>>, vector<16xi32>,
      tpu.vector_store %arg9[%swap3A_867, %swap3A_868, %swap3A_869], %and3A_864 {strides = array<i32>} : memref<2x4x128xi32, #tpu.memory_space<vmem>>, vector<16xi32>,
      %get3A_871 = arith.constant 0 : i32
      %get3A_872 = arith.index_cast %get3A_871 : i32 to index
      %get3A_873 = arith.constant 336 : index
      %get3A_874 = tpu.vector_load %arg8[%get3A_872, %get3A_873] {strides = array<i32>} : memref<2x512xi32, #tpu.memory_space<vmem>>, vector<16xi32>,
      %min3A_875 = arith.minsi %get3A_874, %get3A_3 : vector<16xi32>
      %shift_right_logical3A_876 = arith.constant 1 : i32
      %shift_right_logical3A_877 = vector.broadcast %shift_right_logical3A_876 : i32 to vector<16xi32>
      %shift_right_logical3A_878 = arith.shrui %min3A_875, %shift_right_logical3A_877 : vector<16xi32>
      %gather3A_879 = tpu.vector_load_idx %arg7[%shift_right_logical3A_878] : memref<50176xi32, #tpu.memory_space<vmem>>[vector<16xi32>], vector<16xi32>,
      %and3A_880 = arith.constant 1 : i32
      %and3A_881 = vector.broadcast %and3A_880 : i32 to vector<16xi32>
      %and3A_882 = arith.andi %min3A_875, %and3A_881 : vector<16xi32>
      %shift_left3A_883 = arith.constant 4 : i32
      %shift_left3A_884 = vector.broadcast %shift_left3A_883 : i32 to vector<16xi32>
      %shift_left3A_885 = arith.shli %and3A_882, %shift_left3A_884 : vector<16xi32>
      %shift_right_logical3A_886 = arith.shrui %gather3A_879, %shift_left3A_885 : vector<16xi32>
      %and3A_887 = arith.constant 65535 : i32
      %and3A_888 = vector.broadcast %and3A_887 : i32 to vector<16xi32>
      %and3A_889 = arith.andi %shift_right_logical3A_886, %and3A_888 : vector<16xi32>
      %swap3A_890 = arith.constant 0 : i32
      %swap3A_891 = arith.constant 2 : i32
      %swap3A_892 = arith.index_cast %swap3A_890 : i32 to index
      %swap3A_893 = arith.index_cast %swap3A_891 : i32 to index
      %swap3A_894 = arith.constant 80 : index
      %swap3A_895 = tpu.vector_load %arg9[%swap3A_892, %swap3A_893, %swap3A_894] {strides = array<i32>} : memref<2x4x128xi32, #tpu.memory_space<vmem>>, vector<16xi32>,
      tpu.vector_store %arg9[%swap3A_892, %swap3A_893, %swap3A_894], %and3A_889 {strides = array<i32>} : memref<2x4x128xi32, #tpu.memory_space<vmem>>, vector<16xi32>,
      %get3A_896 = arith.constant 0 : i32
      %get3A_897 = arith.index_cast %get3A_896 : i32 to index
      %get3A_898 = arith.constant 352 : index
      %get3A_899 = tpu.vector_load %arg8[%get3A_897, %get3A_898] {strides = array<i32>} : memref<2x512xi32, #tpu.memory_space<vmem>>, vector<16xi32>,
      %min3A_900 = arith.minsi %get3A_899, %get3A_3 : vector<16xi32>
      %shift_right_logical3A_901 = arith.constant 1 : i32
      %shift_right_logical3A_902 = vector.broadcast %shift_right_logical3A_901 : i32 to vector<16xi32>
      %shift_right_logical3A_903 = arith.shrui %min3A_900, %shift_right_logical3A_902 : vector<16xi32>
      %gather3A_904 = tpu.vector_load_idx %arg7[%shift_right_logical3A_903] : memref<50176xi32, #tpu.memory_space<vmem>>[vector<16xi32>], vector<16xi32>,
      %and3A_905 = arith.constant 1 : i32
      %and3A_906 = vector.broadcast %and3A_905 : i32 to vector<16xi32>
      %and3A_907 = arith.andi %min3A_900, %and3A_906 : vector<16xi32>
      %shift_left3A_908 = arith.constant 4 : i32
      %shift_left3A_909 = vector.broadcast %shift_left3A_908 : i32 to vector<16xi32>
      %shift_left3A_910 = arith.shli %and3A_907, %shift_left3A_909 : vector<16xi32>
      %shift_right_logical3A_911 = arith.shrui %gather3A_904, %shift_left3A_910 : vector<16xi32>
      %and3A_912 = arith.constant 65535 : i32
      %and3A_913 = vector.broadcast %and3A_912 : i32 to vector<16xi32>
      %and3A_914 = arith.andi %shift_right_logical3A_911, %and3A_913 : vector<16xi32>
      %swap3A_915 = arith.constant 0 : i32
      %swap3A_916 = arith.constant 2 : i32
      %swap3A_917 = arith.index_cast %swap3A_915 : i32 to index
      %swap3A_918 = arith.index_cast %swap3A_916 : i32 to index
      %swap3A_919 = arith.constant 96 : index
      %swap3A_920 = tpu.vector_load %arg9[%swap3A_917, %swap3A_918, %swap3A_919] {strides = array<i32>} : memref<2x4x128xi32, #tpu.memory_space<vmem>>, vector<16xi32>,
      tpu.vector_store %arg9[%swap3A_917, %swap3A_918, %swap3A_919], %and3A_914 {strides = array<i32>} : memref<2x4x128xi32, #tpu.memory_space<vmem>>, vector<16xi32>,
      %get3A_921 = arith.constant 0 : i32
      %get3A_922 = arith.index_cast %get3A_921 : i32 to index
      %get3A_923 = arith.constant 368 : index
      %get3A_924 = tpu.vector_load %arg8[%get3A_922, %get3A_923] {strides = array<i32>} : memref<2x512xi32, #tpu.memory_space<vmem>>, vector<16xi32>,
      %min3A_925 = arith.minsi %get3A_924, %get3A_3 : vector<16xi32>
      %shift_right_logical3A_926 = arith.constant 1 : i32
      %shift_right_logical3A_927 = vector.broadcast %shift_right_logical3A_926 : i32 to vector<16xi32>
      %shift_right_logical3A_928 = arith.shrui %min3A_925, %shift_right_logical3A_927 : vector<16xi32>
      %gather3A_929 = tpu.vector_load_idx %arg7[%shift_right_logical3A_928] : memref<50176xi32, #tpu.memory_space<vmem>>[vector<16xi32>], vector<16xi32>,
      %and3A_930 = arith.constant 1 : i32
      %and3A_931 = vector.broadcast %and3A_930 : i32 to vector<16xi32>
      %and3A_932 = arith.andi %min3A_925, %and3A_931 : vector<16xi32>
      %shift_left3A_933 = arith.constant 4 : i32
      %shift_left3A_934 = vector.broadcast %shift_left3A_933 : i32 to vector<16xi32>
      %shift_left3A_935 = arith.shli %and3A_932, %shift_left3A_934 : vector<16xi32>
      %shift_right_logical3A_936 = arith.shrui %gather3A_929, %shift_left3A_935 : vector<16xi32>
      %and3A_937 = arith.constant 65535 : i32
      %and3A_938 = vector.broadcast %and3A_937 : i32 to vector<16xi32>
      %and3A_939 = arith.andi %shift_right_logical3A_936, %and3A_938 : vector<16xi32>
      %swap3A_940 = arith.constant 0 : i32
      %swap3A_941 = arith.constant 2 : i32
      %swap3A_942 = arith.index_cast %swap3A_940 : i32 to index
      %swap3A_943 = arith.index_cast %swap3A_941 : i32 to index
      %swap3A_944 = arith.constant 112 : index
      %swap3A_945 = tpu.vector_load %arg9[%swap3A_942, %swap3A_943, %swap3A_944] {strides = array<i32>} : memref<2x4x128xi32, #tpu.memory_space<vmem>>, vector<16xi32>,
      tpu.vector_store %arg9[%swap3A_942, %swap3A_943, %swap3A_944], %and3A_939 {strides = array<i32>} : memref<2x4x128xi32, #tpu.memory_space<vmem>>, vector<16xi32>,
      %get3A_946 = arith.constant 0 : i32
      %get3A_947 = arith.index_cast %get3A_946 : i32 to index
      %get3A_948 = arith.constant 384 : index
      %get3A_949 = tpu.vector_load %arg8[%get3A_947, %get3A_948] {strides = array<i32>} : memref<2x512xi32, #tpu.memory_space<vmem>>, vector<16xi32>,
      %min3A_950 = arith.minsi %get3A_949, %get3A_3 : vector<16xi32>
      %shift_right_logical3A_951 = arith.constant 1 : i32
      %shift_right_logical3A_952 = vector.broadcast %shift_right_logical3A_951 : i32 to vector<16xi32>
      %shift_right_logical3A_953 = arith.shrui %min3A_950, %shift_right_logical3A_952 : vector<16xi32>
      %gather3A_954 = tpu.vector_load_idx %arg7[%shift_right_logical3A_953] : memref<50176xi32, #tpu.memory_space<vmem>>[vector<16xi32>], vector<16xi32>,
      %and3A_955 = arith.constant 1 : i32
      %and3A_956 = vector.broadcast %and3A_955 : i32 to vector<16xi32>
      %and3A_957 = arith.andi %min3A_950, %and3A_956 : vector<16xi32>
      %shift_left3A_958 = arith.constant 4 : i32
      %shift_left3A_959 = vector.broadcast %shift_left3A_958 : i32 to vector<16xi32>
      %shift_left3A_960 = arith.shli %and3A_957, %shift_left3A_959 : vector<16xi32>
      %shift_right_logical3A_961 = arith.shrui %gather3A_954, %shift_left3A_960 : vector<16xi32>
      %and3A_962 = arith.constant 65535 : i32
      %and3A_963 = vector.broadcast %and3A_962 : i32 to vector<16xi32>
      %and3A_964 = arith.andi %shift_right_logical3A_961, %and3A_963 : vector<16xi32>
      %swap3A_965 = arith.constant 0 : i32
      %swap3A_966 = arith.constant 3 : i32
      %swap3A_967 = arith.index_cast %swap3A_965 : i32 to index
      %swap3A_968 = arith.index_cast %swap3A_966 : i32 to index
      %swap3A_969 = arith.constant 0 : index
      %swap3A_970 = tpu.vector_load %arg9[%swap3A_967, %swap3A_968, %swap3A_969] {strides = array<i32>} : memref<2x4x128xi32, #tpu.memory_space<vmem>>, vector<16xi32>,
      tpu.vector_store %arg9[%swap3A_967, %swap3A_968, %swap3A_969], %and3A_964 {strides = array<i32>} : memref<2x4x128xi32, #tpu.memory_space<vmem>>, vector<16xi32>,
      %get3A_971 = arith.constant 0 : i32
      %get3A_972 = arith.index_cast %get3A_971 : i32 to index
      %get3A_973 = arith.constant 400 : index
      %get3A_974 = tpu.vector_load %arg8[%get3A_972, %get3A_973] {strides = array<i32>} : memref<2x512xi32, #tpu.memory_space<vmem>>, vector<16xi32>,
      %min3A_975 = arith.minsi %get3A_974, %get3A_3 : vector<16xi32>
      %shift_right_logical3A_976 = arith.constant 1 : i32
      %shift_right_logical3A_977 = vector.broadcast %shift_right_logical3A_976 : i32 to vector<16xi32>
      %shift_right_logical3A_978 = arith.shrui %min3A_975, %shift_right_logical3A_977 : vector<16xi32>
      %gather3A_979 = tpu.vector_load_idx %arg7[%shift_right_logical3A_978] : memref<50176xi32, #tpu.memory_space<vmem>>[vector<16xi32>], vector<16xi32>,
      %and3A_980 = arith.constant 1 : i32
      %and3A_981 = vector.broadcast %and3A_980 : i32 to vector<16xi32>
      %and3A_982 = arith.andi %min3A_975, %and3A_981 : vector<16xi32>
      %shift_left3A_983 = arith.constant 4 : i32
      %shift_left3A_984 = vector.broadcast %shift_left3A_983 : i32 to vector<16xi32>
      %shift_left3A_985 = arith.shli %and3A_982, %shift_left3A_984 : vector<16xi32>
      %shift_right_logical3A_986 = arith.shrui %gather3A_979, %shift_left3A_985 : vector<16xi32>
      %and3A_987 = arith.constant 65535 : i32
      %and3A_988 = vector.broadcast %and3A_987 : i32 to vector<16xi32>
      %and3A_989 = arith.andi %shift_right_logical3A_986, %and3A_988 : vector<16xi32>
      %swap3A_990 = arith.constant 0 : i32
      %swap3A_991 = arith.constant 3 : i32
      %swap3A_992 = arith.index_cast %swap3A_990 : i32 to index
      %swap3A_993 = arith.index_cast %swap3A_991 : i32 to index
      %swap3A_994 = arith.constant 16 : index
      %swap3A_995 = tpu.vector_load %arg9[%swap3A_992, %swap3A_993, %swap3A_994] {strides = array<i32>} : memref<2x4x128xi32, #tpu.memory_space<vmem>>, vector<16xi32>,
      tpu.vector_store %arg9[%swap3A_992, %swap3A_993, %swap3A_994], %and3A_989 {strides = array<i32>} : memref<2x4x128xi32, #tpu.memory_space<vmem>>, vector<16xi32>,
      %get3A_996 = arith.constant 0 : i32
      %get3A_997 = arith.index_cast %get3A_996 : i32 to index
      %get3A_998 = arith.constant 416 : index
      %get3A_999 = tpu.vector_load %arg8[%get3A_997, %get3A_998] {strides = array<i32>} : memref<2x512xi32, #tpu.memory_space<vmem>>, vector<16xi32>,
      %min3A_1000 = arith.minsi %get3A_999, %get3A_3 : vector<16xi32>
      %shift_right_logical3A_1001 = arith.constant 1 : i32
      %shift_right_logical3A_1002 = vector.broadcast %shift_right_logical3A_1001 : i32 to vector<16xi32>
      %shift_right_logical3A_1003 = arith.shrui %min3A_1000, %shift_right_logical3A_1002 : vector<16xi32>
      %gather3A_1004 = tpu.vector_load_idx %arg7[%shift_right_logical3A_1003] : memref<50176xi32, #tpu.memory_space<vmem>>[vector<16xi32>], vector<16xi32>,
      %and3A_1005 = arith.constant 1 : i32
      %and3A_1006 = vector.broadcast %and3A_1005 : i32 to vector<16xi32>
      %and3A_1007 = arith.andi %min3A_1000, %and3A_1006 : vector<16xi32>
      %shift_left3A_1008 = arith.constant 4 : i32
      %shift_left3A_1009 = vector.broadcast %shift_left3A_1008 : i32 to vector<16xi32>
      %shift_left3A_1010 = arith.shli %and3A_1007, %shift_left3A_1009 : vector<16xi32>
      %shift_right_logical3A_1011 = arith.shrui %gather3A_1004, %shift_left3A_1010 : vector<16xi32>
      %and3A_1012 = arith.constant 65535 : i32
      %and3A_1013 = vector.broadcast %and3A_1012 : i32 to vector<16xi32>
      %and3A_1014 = arith.andi %shift_right_logical3A_1011, %and3A_1013 : vector<16xi32>
      %swap3A_1015 = arith.constant 0 : i32
      %swap3A_1016 = arith.constant 3 : i32
      %swap3A_1017 = arith.index_cast %swap3A_1015 : i32 to index
      %swap3A_1018 = arith.index_cast %swap3A_1016 : i32 to index
      %swap3A_1019 = arith.constant 32 : index
      %swap3A_1020 = tpu.vector_load %arg9[%swap3A_1017, %swap3A_1018, %swap3A_1019] {strides = array<i32>} : memref<2x4x128xi32, #tpu.memory_space<vmem>>, vector<16xi32>,
      tpu.vector_store %arg9[%swap3A_1017, %swap3A_1018, %swap3A_1019], %and3A_1014 {strides = array<i32>} : memref<2x4x128xi32, #tpu.memory_space<vmem>>, vector<16xi32>,
      %get3A_1021 = arith.constant 0 : i32
      %get3A_1022 = arith.index_cast %get3A_1021 : i32 to index
      %get3A_1023 = arith.constant 432 : index
      %get3A_1024 = tpu.vector_load %arg8[%get3A_1022, %get3A_1023] {strides = array<i32>} : memref<2x512xi32, #tpu.memory_space<vmem>>, vector<16xi32>,
      %min3A_1025 = arith.minsi %get3A_1024, %get3A_3 : vector<16xi32>
      %shift_right_logical3A_1026 = arith.constant 1 : i32
      %shift_right_logical3A_1027 = vector.broadcast %shift_right_logical3A_1026 : i32 to vector<16xi32>
      %shift_right_logical3A_1028 = arith.shrui %min3A_1025, %shift_right_logical3A_1027 : vector<16xi32>
      %gather3A_1029 = tpu.vector_load_idx %arg7[%shift_right_logical3A_1028] : memref<50176xi32, #tpu.memory_space<vmem>>[vector<16xi32>], vector<16xi32>,
      %and3A_1030 = arith.constant 1 : i32
      %and3A_1031 = vector.broadcast %and3A_1030 : i32 to vector<16xi32>
      %and3A_1032 = arith.andi %min3A_1025, %and3A_1031 : vector<16xi32>
      %shift_left3A_1033 = arith.constant 4 : i32
      %shift_left3A_1034 = vector.broadcast %shift_left3A_1033 : i32 to vector<16xi32>
      %shift_left3A_1035 = arith.shli %and3A_1032, %shift_left3A_1034 : vector<16xi32>
      %shift_right_logical3A_1036 = arith.shrui %gather3A_1029, %shift_left3A_1035 : vector<16xi32>
      %and3A_1037 = arith.constant 65535 : i32
      %and3A_1038 = vector.broadcast %and3A_1037 : i32 to vector<16xi32>
      %and3A_1039 = arith.andi %shift_right_logical3A_1036, %and3A_1038 : vector<16xi32>
      %swap3A_1040 = arith.constant 0 : i32
      %swap3A_1041 = arith.constant 3 : i32
      %swap3A_1042 = arith.index_cast %swap3A_1040 : i32 to index
      %swap3A_1043 = arith.index_cast %swap3A_1041 : i32 to index
      %swap3A_1044 = arith.constant 48 : index
      %swap3A_1045 = tpu.vector_load %arg9[%swap3A_1042, %swap3A_1043, %swap3A_1044] {strides = array<i32>} : memref<2x4x128xi32, #tpu.memory_space<vmem>>, vector<16xi32>,
      tpu.vector_store %arg9[%swap3A_1042, %swap3A_1043, %swap3A_1044], %and3A_1039 {strides = array<i32>} : memref<2x4x128xi32, #tpu.memory_space<vmem>>, vector<16xi32>,
      %get3A_1046 = arith.constant 0 : i32
      %get3A_1047 = arith.index_cast %get3A_1046 : i32 to index
      %get3A_1048 = arith.constant 448 : index
      %get3A_1049 = tpu.vector_load %arg8[%get3A_1047, %get3A_1048] {strides = array<i32>} : memref<2x512xi32, #tpu.memory_space<vmem>>, vector<16xi32>,
      %min3A_1050 = arith.minsi %get3A_1049, %get3A_3 : vector<16xi32>
      %shift_right_logical3A_1051 = arith.constant 1 : i32
      %shift_right_logical3A_1052 = vector.broadcast %shift_right_logical3A_1051 : i32 to vector<16xi32>
      %shift_right_logical3A_1053 = arith.shrui %min3A_1050, %shift_right_logical3A_1052 : vector<16xi32>
      %gather3A_1054 = tpu.vector_load_idx %arg7[%shift_right_logical3A_1053] : memref<50176xi32, #tpu.memory_space<vmem>>[vector<16xi32>], vector<16xi32>,
      %and3A_1055 = arith.constant 1 : i32
      %and3A_1056 = vector.broadcast %and3A_1055 : i32 to vector<16xi32>
      %and3A_1057 = arith.andi %min3A_1050, %and3A_1056 : vector<16xi32>
      %shift_left3A_1058 = arith.constant 4 : i32
      %shift_left3A_1059 = vector.broadcast %shift_left3A_1058 : i32 to vector<16xi32>
      %shift_left3A_1060 = arith.shli %and3A_1057, %shift_left3A_1059 : vector<16xi32>
      %shift_right_logical3A_1061 = arith.shrui %gather3A_1054, %shift_left3A_1060 : vector<16xi32>
      %and3A_1062 = arith.constant 65535 : i32
      %and3A_1063 = vector.broadcast %and3A_1062 : i32 to vector<16xi32>
      %and3A_1064 = arith.andi %shift_right_logical3A_1061, %and3A_1063 : vector<16xi32>
      %swap3A_1065 = arith.constant 0 : i32
      %swap3A_1066 = arith.constant 3 : i32
      %swap3A_1067 = arith.index_cast %swap3A_1065 : i32 to index
      %swap3A_1068 = arith.index_cast %swap3A_1066 : i32 to index
      %swap3A_1069 = arith.constant 64 : index
      %swap3A_1070 = tpu.vector_load %arg9[%swap3A_1067, %swap3A_1068, %swap3A_1069] {strides = array<i32>} : memref<2x4x128xi32, #tpu.memory_space<vmem>>, vector<16xi32>,
      tpu.vector_store %arg9[%swap3A_1067, %swap3A_1068, %swap3A_1069], %and3A_1064 {strides = array<i32>} : memref<2x4x128xi32, #tpu.memory_space<vmem>>, vector<16xi32>,
      %get3A_1071 = arith.constant 0 : i32
      %get3A_1072 = arith.index_cast %get3A_1071 : i32 to index
      %get3A_1073 = arith.constant 464 : index
      %get3A_1074 = tpu.vector_load %arg8[%get3A_1072, %get3A_1073] {strides = array<i32>} : memref<2x512xi32, #tpu.memory_space<vmem>>, vector<16xi32>,
      %min3A_1075 = arith.minsi %get3A_1074, %get3A_3 : vector<16xi32>
      %shift_right_logical3A_1076 = arith.constant 1 : i32
      %shift_right_logical3A_1077 = vector.broadcast %shift_right_logical3A_1076 : i32 to vector<16xi32>
      %shift_right_logical3A_1078 = arith.shrui %min3A_1075, %shift_right_logical3A_1077 : vector<16xi32>
      %gather3A_1079 = tpu.vector_load_idx %arg7[%shift_right_logical3A_1078] : memref<50176xi32, #tpu.memory_space<vmem>>[vector<16xi32>], vector<16xi32>,
      %and3A_1080 = arith.constant 1 : i32
      %and3A_1081 = vector.broadcast %and3A_1080 : i32 to vector<16xi32>
      %and3A_1082 = arith.andi %min3A_1075, %and3A_1081 : vector<16xi32>
      %shift_left3A_1083 = arith.constant 4 : i32
      %shift_left3A_1084 = vector.broadcast %shift_left3A_1083 : i32 to vector<16xi32>
      %shift_left3A_1085 = arith.shli %and3A_1082, %shift_left3A_1084 : vector<16xi32>
      %shift_right_logical3A_1086 = arith.shrui %gather3A_1079, %shift_left3A_1085 : vector<16xi32>
      %and3A_1087 = arith.constant 65535 : i32
      %and3A_1088 = vector.broadcast %and3A_1087 : i32 to vector<16xi32>
      %and3A_1089 = arith.andi %shift_right_logical3A_1086, %and3A_1088 : vector<16xi32>
      %swap3A_1090 = arith.constant 0 : i32
      %swap3A_1091 = arith.constant 3 : i32
      %swap3A_1092 = arith.index_cast %swap3A_1090 : i32 to index
      %swap3A_1093 = arith.index_cast %swap3A_1091 : i32 to index
      %swap3A_1094 = arith.constant 80 : index
      %swap3A_1095 = tpu.vector_load %arg9[%swap3A_1092, %swap3A_1093, %swap3A_1094] {strides = array<i32>} : memref<2x4x128xi32, #tpu.memory_space<vmem>>, vector<16xi32>,
      tpu.vector_store %arg9[%swap3A_1092, %swap3A_1093, %swap3A_1094], %and3A_1089 {strides = array<i32>} : memref<2x4x128xi32, #tpu.memory_space<vmem>>, vector<16xi32>,
      %get3A_1096 = arith.constant 0 : i32
      %get3A_1097 = arith.index_cast %get3A_1096 : i32 to index
      %get3A_1098 = arith.constant 480 : index
      %get3A_1099 = tpu.vector_load %arg8[%get3A_1097, %get3A_1098] {strides = array<i32>} : memref<2x512xi32, #tpu.memory_space<vmem>>, vector<16xi32>,
      %min3A_1100 = arith.minsi %get3A_1099, %get3A_3 : vector<16xi32>
      %shift_right_logical3A_1101 = arith.constant 1 : i32
      %shift_right_logical3A_1102 = vector.broadcast %shift_right_logical3A_1101 : i32 to vector<16xi32>
      %shift_right_logical3A_1103 = arith.shrui %min3A_1100, %shift_right_logical3A_1102 : vector<16xi32>
      %gather3A_1104 = tpu.vector_load_idx %arg7[%shift_right_logical3A_1103] : memref<50176xi32, #tpu.memory_space<vmem>>[vector<16xi32>], vector<16xi32>,
      %and3A_1105 = arith.constant 1 : i32
      %and3A_1106 = vector.broadcast %and3A_1105 : i32 to vector<16xi32>
      %and3A_1107 = arith.andi %min3A_1100, %and3A_1106 : vector<16xi32>
      %shift_left3A_1108 = arith.constant 4 : i32
      %shift_left3A_1109 = vector.broadcast %shift_left3A_1108 : i32 to vector<16xi32>
      %shift_left3A_1110 = arith.shli %and3A_1107, %shift_left3A_1109 : vector<16xi32>
      %shift_right_logical3A_1111 = arith.shrui %gather3A_1104, %shift_left3A_1110 : vector<16xi32>
      %and3A_1112 = arith.constant 65535 : i32
      %and3A_1113 = vector.broadcast %and3A_1112 : i32 to vector<16xi32>
      %and3A_1114 = arith.andi %shift_right_logical3A_1111, %and3A_1113 : vector<16xi32>
      %swap3A_1115 = arith.constant 0 : i32
      %swap3A_1116 = arith.constant 3 : i32
      %swap3A_1117 = arith.index_cast %swap3A_1115 : i32 to index
      %swap3A_1118 = arith.index_cast %swap3A_1116 : i32 to index
      %swap3A_1119 = arith.constant 96 : index
      %swap3A_1120 = tpu.vector_load %arg9[%swap3A_1117, %swap3A_1118, %swap3A_1119] {strides = array<i32>} : memref<2x4x128xi32, #tpu.memory_space<vmem>>, vector<16xi32>,
      tpu.vector_store %arg9[%swap3A_1117, %swap3A_1118, %swap3A_1119], %and3A_1114 {strides = array<i32>} : memref<2x4x128xi32, #tpu.memory_space<vmem>>, vector<16xi32>,
      %get3A_1121 = arith.constant 0 : i32
      %get3A_1122 = arith.index_cast %get3A_1121 : i32 to index
      %get3A_1123 = arith.constant 496 : index
      %get3A_1124 = tpu.vector_load %arg8[%get3A_1122, %get3A_1123] {strides = array<i32>} : memref<2x512xi32, #tpu.memory_space<vmem>>, vector<16xi32>,
      %min3A_1125 = arith.minsi %get3A_1124, %get3A_3 : vector<16xi32>
      %shift_right_logical3A_1126 = arith.constant 1 : i32
      %shift_right_logical3A_1127 = vector.broadcast %shift_right_logical3A_1126 : i32 to vector<16xi32>
      %shift_right_logical3A_1128 = arith.shrui %min3A_1125, %shift_right_logical3A_1127 : vector<16xi32>
      %gather3A_1129 = tpu.vector_load_idx %arg7[%shift_right_logical3A_1128] : memref<50176xi32, #tpu.memory_space<vmem>>[vector<16xi32>], vector<16xi32>,
      %and3A_1130 = arith.constant 1 : i32
      %and3A_1131 = vector.broadcast %and3A_1130 : i32 to vector<16xi32>
      %and3A_1132 = arith.andi %min3A_1125, %and3A_1131 : vector<16xi32>
      %shift_left3A_1133 = arith.constant 4 : i32
      %shift_left3A_1134 = vector.broadcast %shift_left3A_1133 : i32 to vector<16xi32>
      %shift_left3A_1135 = arith.shli %and3A_1132, %shift_left3A_1134 : vector<16xi32>
      %shift_right_logical3A_1136 = arith.shrui %gather3A_1129, %shift_left3A_1135 : vector<16xi32>
      %and3A_1137 = arith.constant 65535 : i32
      %and3A_1138 = vector.broadcast %and3A_1137 : i32 to vector<16xi32>
      %and3A_1139 = arith.andi %shift_right_logical3A_1136, %and3A_1138 : vector<16xi32>
      %swap3A_1140 = arith.constant 0 : i32
      %swap3A_1141 = arith.constant 3 : i32
      %swap3A_1142 = arith.index_cast %swap3A_1140 : i32 to index
      %swap3A_1143 = arith.index_cast %swap3A_1141 : i32 to index
      %swap3A_1144 = arith.constant 112 : index
      %swap3A_1145 = tpu.vector_load %arg9[%swap3A_1142, %swap3A_1143, %swap3A_1144] {strides = array<i32>} : memref<2x4x128xi32, #tpu.memory_space<vmem>>, vector<16xi32>,
      tpu.vector_store %arg9[%swap3A_1142, %swap3A_1143, %swap3A_1144], %and3A_1139 {strides = array<i32>} : memref<2x4x128xi32, #tpu.memory_space<vmem>>, vector<16xi32>,
      %gt3A_1146 = arith.constant 0 : i32
      %gt3A_1147 = arith.cmpi sgt, %scan3A_330, %gt3A_1146 : i32
      %convert_element_type3A_1148 = arith.extui %gt3A_1147 : i1 to i32
      %cond3A_1149 = arith.constant 0 : i32
      %cond3A_1150 = arith.cmpi ne, %convert_element_type3A_1148, %cond3A_1149 : i32
      scf.if %cond3A_1150 {
        %sub3A = arith.constant 2 : i32
        %sub3A_2123 = arith.subi %add3A_334, %sub3A : i32
        %mul3A_2124 = arith.constant 512 : i32
        %mul3A_2125 = arith.muli %sub3A_2123, %mul3A_2124 : i32
        %add3A_2126 = arith.addi %mul3A_2, %mul3A_2125 : i32
        %add3A_2127 = arith.constant 0 : i32
        %add3A_2128 = arith.addi %add3A_2126, %add3A_2127 : i32
        %dma_wait3A_2129 = arith.constant 0 : i32
        %dma_wait3A_2130 = arith.constant 0 : i32
        %dma_wait3A_2131 = arith.constant 0 : i32
        %dma_wait3A_2132 = arith.constant 0 : i32
        %dma_wait3A_2133 = tpu.memref_slice %arg10[%dma_wait3A_2129, %dma_wait3A_2130, %dma_wait3A_2131, %dma_wait3A_2132] : memref<2x4x128x64xf32, #tpu.memory_space<vmem>> -> memref<1x1x128x64xf32, #tpu.memory_space<vmem>>
        %dma_wait3A_2134 = tpu.memref_squeeze %dma_wait3A_2133 : memref<1x1x128x64xf32, #tpu.memory_space<vmem>> -> memref<128x64xf32, #tpu.memory_space<vmem>>
        %dma_wait3A_2135 = arith.constant 0 : i32
        %dma_wait3A_2136 = tpu.memref_slice %arg6[%add3A_2128, %dma_wait3A_2135] : memref<3276800x128xf32, #tpu.memory_space<hbm>> -> memref<128x64xf32, #tpu.memory_space<hbm>>
        %dma_wait3A_2137 = arith.constant 0 : i32
        %dma_wait3A_2138 = tpu.memref_slice %arg6[%add3A_2128, %dma_wait3A_2137] : memref<3276800x128xf32, #tpu.memory_space<hbm>> -> memref<128x64xf32, #tpu.memory_space<hbm>>
        %dma_wait3A_2139 = arith.constant 0 : i32
        %dma_wait3A_2140 = arith.constant 0 : i32
        %dma_wait3A_2141 = tpu.memref_slice %arg10[%dma_wait3A_2129, %dma_wait3A_2130, %dma_wait3A_2139, %dma_wait3A_2140] : memref<2x4x128x64xf32, #tpu.memory_space<vmem>> -> memref<1x1x128x64xf32, #tpu.memory_space<vmem>>
        %dma_wait3A_2142 = tpu.memref_squeeze %dma_wait3A_2141 : memref<1x1x128x64xf32, #tpu.memory_space<vmem>> -> memref<128x64xf32, #tpu.memory_space<vmem>>
        tpu.wait_dma2 semaphore(%arg16 : memref<!tpu.dma_semaphore, #tpu.memory_space<semaphore_mem>>) src(%dma_wait3A_2142 : memref<128x64xf32, #tpu.memory_space<vmem>>) dst(%dma_wait3A_2138 : memref<128x64xf32, #tpu.memory_space<hbm>>)
        %mul3A_2143 = arith.constant 512 : i32
        %mul3A_2144 = arith.muli %sub3A_2123, %mul3A_2143 : i32
        %add3A_2145 = arith.addi %mul3A_2, %mul3A_2144 : i32
        %add3A_2146 = arith.constant 128 : i32
        %add3A_2147 = arith.addi %add3A_2145, %add3A_2146 : i32
        %dma_wait3A_2148 = arith.constant 0 : i32
        %dma_wait3A_2149 = arith.constant 1 : i32
        %dma_wait3A_2150 = arith.constant 0 : i32
        %dma_wait3A_2151 = arith.constant 0 : i32
        %dma_wait3A_2152 = tpu.memref_slice %arg10[%dma_wait3A_2148, %dma_wait3A_2149, %dma_wait3A_2150, %dma_wait3A_2151] : memref<2x4x128x64xf32, #tpu.memory_space<vmem>> -> memref<1x1x128x64xf32, #tpu.memory_space<vmem>>
        %dma_wait3A_2153 = tpu.memref_squeeze %dma_wait3A_2152 : memref<1x1x128x64xf32, #tpu.memory_space<vmem>> -> memref<128x64xf32, #tpu.memory_space<vmem>>
        %dma_wait3A_2154 = arith.constant 0 : i32
        %dma_wait3A_2155 = tpu.memref_slice %arg6[%add3A_2147, %dma_wait3A_2154] : memref<3276800x128xf32, #tpu.memory_space<hbm>> -> memref<128x64xf32, #tpu.memory_space<hbm>>
        %dma_wait3A_2156 = arith.constant 0 : i32
        %dma_wait3A_2157 = tpu.memref_slice %arg6[%add3A_2147, %dma_wait3A_2156] : memref<3276800x128xf32, #tpu.memory_space<hbm>> -> memref<128x64xf32, #tpu.memory_space<hbm>>
        %dma_wait3A_2158 = arith.constant 0 : i32
        %dma_wait3A_2159 = arith.constant 0 : i32
        %dma_wait3A_2160 = tpu.memref_slice %arg10[%dma_wait3A_2148, %dma_wait3A_2149, %dma_wait3A_2158, %dma_wait3A_2159] : memref<2x4x128x64xf32, #tpu.memory_space<vmem>> -> memref<1x1x128x64xf32, #tpu.memory_space<vmem>>
        %dma_wait3A_2161 = tpu.memref_squeeze %dma_wait3A_2160 : memref<1x1x128x64xf32, #tpu.memory_space<vmem>> -> memref<128x64xf32, #tpu.memory_space<vmem>>
        tpu.wait_dma2 semaphore(%arg16 : memref<!tpu.dma_semaphore, #tpu.memory_space<semaphore_mem>>) src(%dma_wait3A_2161 : memref<128x64xf32, #tpu.memory_space<vmem>>) dst(%dma_wait3A_2157 : memref<128x64xf32, #tpu.memory_space<hbm>>)
        %mul3A_2162 = arith.constant 512 : i32
        %mul3A_2163 = arith.muli %sub3A_2123, %mul3A_2162 : i32
        %add3A_2164 = arith.addi %mul3A_2, %mul3A_2163 : i32
        %add3A_2165 = arith.constant 256 : i32
        %add3A_2166 = arith.addi %add3A_2164, %add3A_2165 : i32
        %dma_wait3A_2167 = arith.constant 0 : i32
        %dma_wait3A_2168 = arith.constant 2 : i32
        %dma_wait3A_2169 = arith.constant 0 : i32
        %dma_wait3A_2170 = arith.constant 0 : i32
        %dma_wait3A_2171 = tpu.memref_slice %arg10[%dma_wait3A_2167, %dma_wait3A_2168, %dma_wait3A_2169, %dma_wait3A_2170] : memref<2x4x128x64xf32, #tpu.memory_space<vmem>> -> memref<1x1x128x64xf32, #tpu.memory_space<vmem>>
        %dma_wait3A_2172 = tpu.memref_squeeze %dma_wait3A_2171 : memref<1x1x128x64xf32, #tpu.memory_space<vmem>> -> memref<128x64xf32, #tpu.memory_space<vmem>>
        %dma_wait3A_2173 = arith.constant 0 : i32
        %dma_wait3A_2174 = tpu.memref_slice %arg6[%add3A_2166, %dma_wait3A_2173] : memref<3276800x128xf32, #tpu.memory_space<hbm>> -> memref<128x64xf32, #tpu.memory_space<hbm>>
        %dma_wait3A_2175 = arith.constant 0 : i32
        %dma_wait3A_2176 = tpu.memref_slice %arg6[%add3A_2166, %dma_wait3A_2175] : memref<3276800x128xf32, #tpu.memory_space<hbm>> -> memref<128x64xf32, #tpu.memory_space<hbm>>
        %dma_wait3A_2177 = arith.constant 0 : i32
        %dma_wait3A_2178 = arith.constant 0 : i32
        %dma_wait3A_2179 = tpu.memref_slice %arg10[%dma_wait3A_2167, %dma_wait3A_2168, %dma_wait3A_2177, %dma_wait3A_2178] : memref<2x4x128x64xf32, #tpu.memory_space<vmem>> -> memref<1x1x128x64xf32, #tpu.memory_space<vmem>>
        %dma_wait3A_2180 = tpu.memref_squeeze %dma_wait3A_2179 : memref<1x1x128x64xf32, #tpu.memory_space<vmem>> -> memref<128x64xf32, #tpu.memory_space<vmem>>
        tpu.wait_dma2 semaphore(%arg16 : memref<!tpu.dma_semaphore, #tpu.memory_space<semaphore_mem>>) src(%dma_wait3A_2180 : memref<128x64xf32, #tpu.memory_space<vmem>>) dst(%dma_wait3A_2176 : memref<128x64xf32, #tpu.memory_space<hbm>>)
        %mul3A_2181 = arith.constant 512 : i32
        %mul3A_2182 = arith.muli %sub3A_2123, %mul3A_2181 : i32
        %add3A_2183 = arith.addi %mul3A_2, %mul3A_2182 : i32
        %add3A_2184 = arith.constant 384 : i32
        %add3A_2185 = arith.addi %add3A_2183, %add3A_2184 : i32
        %dma_wait3A_2186 = arith.constant 0 : i32
        %dma_wait3A_2187 = arith.constant 3 : i32
        %dma_wait3A_2188 = arith.constant 0 : i32
        %dma_wait3A_2189 = arith.constant 0 : i32
        %dma_wait3A_2190 = tpu.memref_slice %arg10[%dma_wait3A_2186, %dma_wait3A_2187, %dma_wait3A_2188, %dma_wait3A_2189] : memref<2x4x128x64xf32, #tpu.memory_space<vmem>> -> memref<1x1x128x64xf32, #tpu.memory_space<vmem>>
        %dma_wait3A_2191 = tpu.memref_squeeze %dma_wait3A_2190 : memref<1x1x128x64xf32, #tpu.memory_space<vmem>> -> memref<128x64xf32, #tpu.memory_space<vmem>>
        %dma_wait3A_2192 = arith.constant 0 : i32
        %dma_wait3A_2193 = tpu.memref_slice %arg6[%add3A_2185, %dma_wait3A_2192] : memref<3276800x128xf32, #tpu.memory_space<hbm>> -> memref<128x64xf32, #tpu.memory_space<hbm>>
        %dma_wait3A_2194 = arith.constant 0 : i32
        %dma_wait3A_2195 = tpu.memref_slice %arg6[%add3A_2185, %dma_wait3A_2194] : memref<3276800x128xf32, #tpu.memory_space<hbm>> -> memref<128x64xf32, #tpu.memory_space<hbm>>
        %dma_wait3A_2196 = arith.constant 0 : i32
        %dma_wait3A_2197 = arith.constant 0 : i32
        %dma_wait3A_2198 = tpu.memref_slice %arg10[%dma_wait3A_2186, %dma_wait3A_2187, %dma_wait3A_2196, %dma_wait3A_2197] : memref<2x4x128x64xf32, #tpu.memory_space<vmem>> -> memref<1x1x128x64xf32, #tpu.memory_space<vmem>>
        %dma_wait3A_2199 = tpu.memref_squeeze %dma_wait3A_2198 : memref<1x1x128x64xf32, #tpu.memory_space<vmem>> -> memref<128x64xf32, #tpu.memory_space<vmem>>
        tpu.wait_dma2 semaphore(%arg16 : memref<!tpu.dma_semaphore, #tpu.memory_space<semaphore_mem>>) src(%dma_wait3A_2199 : memref<128x64xf32, #tpu.memory_space<vmem>>) dst(%dma_wait3A_2195 : memref<128x64xf32, #tpu.memory_space<hbm>>)
      } else {
      }
      %dma_start3A_1151 = arith.constant 0 : i32
      %dma_start3A_1152 = arith.constant 0 : i32
      %dma_start3A_1153 = arith.constant 0 : i32
      %dma_start3A_1154 = arith.constant 0 : i32
      %dma_start3A_1155 = arith.constant 0 : i32
      %dma_start3A_1156 = arith.constant 0 : i32
      %dma_start3A_1157 = tpu.memref_slice %arg10[%dma_start3A_1153, %dma_start3A_1154, %dma_start3A_1155, %dma_start3A_1156] : memref<2x4x128x64xf32, #tpu.memory_space<vmem>> -> memref<1x1x128x64xf32, #tpu.memory_space<vmem>>
      %dma_start3A_1158 = tpu.memref_squeeze %dma_start3A_1157 : memref<1x1x128x64xf32, #tpu.memory_space<vmem>> -> memref<128x64xf32, #tpu.memory_space<vmem>>
      %dma_start3A_1159 = arith.constant 0 : i32
      %dma_start3A_1160 = tpu.memref_slice %arg9[%dma_start3A_1151, %dma_start3A_1152, %dma_start3A_1159] : memref<2x4x128xi32, #tpu.memory_space<vmem>> -> memref<1x1x128xi32, #tpu.memory_space<vmem>>
      %dma_start3A_1161 = tpu.memref_squeeze %dma_start3A_1160 : memref<1x1x128xi32, #tpu.memory_space<vmem>> -> memref<128xi32, #tpu.memory_space<vmem>>
      %dma_start3A_1162 = arith.constant 0 : i32
      %dma_start3A_1163 = arith.constant 0 : i32
      %dma_start3A_1164 = tpu.memref_slice %arg5[%dma_start3A_1162, %dma_start3A_1163] : memref<4096x64xf32, #tpu.memory_space<hbm>> -> memref<4096x64xf32, #tpu.memory_space<hbm>>
      tpu.enqueue_indirect_dma source(%dma_start3A_1164 : memref<4096x64xf32, #tpu.memory_space<hbm>>) target(%dma_start3A_1158 : memref<128x64xf32, #tpu.memory_space<vmem>>) offsets(%dma_start3A_1161 : memref<128xi32, #tpu.memory_space<vmem>>) semaphore(%arg14 : memref<!tpu.dma_semaphore, #tpu.memory_space<semaphore_mem>>)
      %dma_start3A_1165 = arith.constant 0 : i32
      %dma_start3A_1166 = arith.constant 1 : i32
      %dma_start3A_1167 = arith.constant 0 : i32
      %dma_start3A_1168 = arith.constant 1 : i32
      %dma_start3A_1169 = arith.constant 0 : i32
      %dma_start3A_1170 = arith.constant 0 : i32
      %dma_start3A_1171 = tpu.memref_slice %arg10[%dma_start3A_1167, %dma_start3A_1168, %dma_start3A_1169, %dma_start3A_1170] : memref<2x4x128x64xf32, #tpu.memory_space<vmem>> -> memref<1x1x128x64xf32, #tpu.memory_space<vmem>>
      %dma_start3A_1172 = tpu.memref_squeeze %dma_start3A_1171 : memref<1x1x128x64xf32, #tpu.memory_space<vmem>> -> memref<128x64xf32, #tpu.memory_space<vmem>>
      %dma_start3A_1173 = arith.constant 0 : i32
      %dma_start3A_1174 = tpu.memref_slice %arg9[%dma_start3A_1165, %dma_start3A_1166, %dma_start3A_1173] : memref<2x4x128xi32, #tpu.memory_space<vmem>> -> memref<1x1x128xi32, #tpu.memory_space<vmem>>
      %dma_start3A_1175 = tpu.memref_squeeze %dma_start3A_1174 : memref<1x1x128xi32, #tpu.memory_space<vmem>> -> memref<128xi32, #tpu.memory_space<vmem>>
      %dma_start3A_1176 = arith.constant 0 : i32
      %dma_start3A_1177 = arith.constant 0 : i32
      %dma_start3A_1178 = tpu.memref_slice %arg5[%dma_start3A_1176, %dma_start3A_1177] : memref<4096x64xf32, #tpu.memory_space<hbm>> -> memref<4096x64xf32, #tpu.memory_space<hbm>>
      tpu.enqueue_indirect_dma source(%dma_start3A_1178 : memref<4096x64xf32, #tpu.memory_space<hbm>>) target(%dma_start3A_1172 : memref<128x64xf32, #tpu.memory_space<vmem>>) offsets(%dma_start3A_1175 : memref<128xi32, #tpu.memory_space<vmem>>) semaphore(%arg14 : memref<!tpu.dma_semaphore, #tpu.memory_space<semaphore_mem>>)
      %dma_start3A_1179 = arith.constant 0 : i32
      %dma_start3A_1180 = arith.constant 2 : i32
      %dma_start3A_1181 = arith.constant 0 : i32
      %dma_start3A_1182 = arith.constant 2 : i32
      %dma_start3A_1183 = arith.constant 0 : i32
      %dma_start3A_1184 = arith.constant 0 : i32
      %dma_start3A_1185 = tpu.memref_slice %arg10[%dma_start3A_1181, %dma_start3A_1182, %dma_start3A_1183, %dma_start3A_1184] : memref<2x4x128x64xf32, #tpu.memory_space<vmem>> -> memref<1x1x128x64xf32, #tpu.memory_space<vmem>>
      %dma_start3A_1186 = tpu.memref_squeeze %dma_start3A_1185 : memref<1x1x128x64xf32, #tpu.memory_space<vmem>> -> memref<128x64xf32, #tpu.memory_space<vmem>>
      %dma_start3A_1187 = arith.constant 0 : i32
      %dma_start3A_1188 = tpu.memref_slice %arg9[%dma_start3A_1179, %dma_start3A_1180, %dma_start3A_1187] : memref<2x4x128xi32, #tpu.memory_space<vmem>> -> memref<1x1x128xi32, #tpu.memory_space<vmem>>
      %dma_start3A_1189 = tpu.memref_squeeze %dma_start3A_1188 : memref<1x1x128xi32, #tpu.memory_space<vmem>> -> memref<128xi32, #tpu.memory_space<vmem>>
      %dma_start3A_1190 = arith.constant 0 : i32
      %dma_start3A_1191 = arith.constant 0 : i32
      %dma_start3A_1192 = tpu.memref_slice %arg5[%dma_start3A_1190, %dma_start3A_1191] : memref<4096x64xf32, #tpu.memory_space<hbm>> -> memref<4096x64xf32, #tpu.memory_space<hbm>>
      tpu.enqueue_indirect_dma source(%dma_start3A_1192 : memref<4096x64xf32, #tpu.memory_space<hbm>>) target(%dma_start3A_1186 : memref<128x64xf32, #tpu.memory_space<vmem>>) offsets(%dma_start3A_1189 : memref<128xi32, #tpu.memory_space<vmem>>) semaphore(%arg14 : memref<!tpu.dma_semaphore, #tpu.memory_space<semaphore_mem>>)
      %dma_start3A_1193 = arith.constant 0 : i32
      %dma_start3A_1194 = arith.constant 3 : i32
      %dma_start3A_1195 = arith.constant 0 : i32
      %dma_start3A_1196 = arith.constant 3 : i32
      %dma_start3A_1197 = arith.constant 0 : i32
      %dma_start3A_1198 = arith.constant 0 : i32
      %dma_start3A_1199 = tpu.memref_slice %arg10[%dma_start3A_1195, %dma_start3A_1196, %dma_start3A_1197, %dma_start3A_1198] : memref<2x4x128x64xf32, #tpu.memory_space<vmem>> -> memref<1x1x128x64xf32, #tpu.memory_space<vmem>>
      %dma_start3A_1200 = tpu.memref_squeeze %dma_start3A_1199 : memref<1x1x128x64xf32, #tpu.memory_space<vmem>> -> memref<128x64xf32, #tpu.memory_space<vmem>>
      %dma_start3A_1201 = arith.constant 0 : i32
      %dma_start3A_1202 = tpu.memref_slice %arg9[%dma_start3A_1193, %dma_start3A_1194, %dma_start3A_1201] : memref<2x4x128xi32, #tpu.memory_space<vmem>> -> memref<1x1x128xi32, #tpu.memory_space<vmem>>
      %dma_start3A_1203 = tpu.memref_squeeze %dma_start3A_1202 : memref<1x1x128xi32, #tpu.memory_space<vmem>> -> memref<128xi32, #tpu.memory_space<vmem>>
      %dma_start3A_1204 = arith.constant 0 : i32
      %dma_start3A_1205 = arith.constant 0 : i32
      %dma_start3A_1206 = tpu.memref_slice %arg5[%dma_start3A_1204, %dma_start3A_1205] : memref<4096x64xf32, #tpu.memory_space<hbm>> -> memref<4096x64xf32, #tpu.memory_space<hbm>>
      tpu.enqueue_indirect_dma source(%dma_start3A_1206 : memref<4096x64xf32, #tpu.memory_space<hbm>>) target(%dma_start3A_1200 : memref<128x64xf32, #tpu.memory_space<vmem>>) offsets(%dma_start3A_1203 : memref<128xi32, #tpu.memory_space<vmem>>) semaphore(%arg14 : memref<!tpu.dma_semaphore, #tpu.memory_space<semaphore_mem>>)
      %add3A_1207 = arith.constant 2 : i32
      %add3A_1208 = arith.addi %add3A_334, %add3A_1207 : i32
      %mul3A_1209 = arith.constant 512 : i32
      %mul3A_1210 = arith.muli %add3A_1208, %mul3A_1209 : i32
      %add3A_1211 = arith.addi %mul3A_2, %mul3A_1210 : i32
      %min3A_1212 = arith.constant 3276288 : i32
      %min3A_1213 = arith.minsi %add3A_1211, %min3A_1212 : i32
      %dma_start3A_1214 = arith.constant 0 : i32
      %dma_start3A_1215 = arith.constant 0 : i32
      %dma_start3A_1216 = tpu.memref_slice %arg8[%dma_start3A_1214, %dma_start3A_1215] : memref<2x512xi32, #tpu.memory_space<vmem>> -> memref<1x512xi32, #tpu.memory_space<vmem>>
      %dma_start3A_1217 = tpu.memref_squeeze %dma_start3A_1216 : memref<1x512xi32, #tpu.memory_space<vmem>> -> memref<512xi32, #tpu.memory_space<vmem>>
      %dma_start3A_1218 = tpu.memref_slice %arg2[%min3A_1213] : memref<3276800xi32, #tpu.memory_space<hbm>> -> memref<512xi32, #tpu.memory_space<hbm>>
      %dma_start3A_1219 = arith.constant 0 : i32
      %dma_start3A_1220 = tpu.memref_slice %arg8[%dma_start3A_1214, %dma_start3A_1219] : memref<2x512xi32, #tpu.memory_space<vmem>> -> memref<1x512xi32, #tpu.memory_space<vmem>>
      %dma_start3A_1221 = tpu.memref_squeeze %dma_start3A_1220 : memref<1x512xi32, #tpu.memory_space<vmem>> -> memref<512xi32, #tpu.memory_space<vmem>>
      %dma_start3A_1222 = tpu.memref_slice %arg2[%min3A_1213] : memref<3276800xi32, #tpu.memory_space<hbm>> -> memref<512xi32, #tpu.memory_space<hbm>>
      tpu.enqueue_dma source(%dma_start3A_1222 : memref<512xi32, #tpu.memory_space<hbm>>) target(%dma_start3A_1221 : memref<512xi32, #tpu.memory_space<vmem>>) target_semaphore(%arg12 : memref<!tpu.dma_semaphore, #tpu.memory_space<semaphore_mem>>)
      %mul3A_1223 = arith.constant 2 : i32
      %mul3A_1224 = arith.muli %mul3A_1223, %scan3A_330 : i32
      %add3A_1225 = arith.constant 1 : i32
      %add3A_1226 = arith.addi %mul3A_1224, %add3A_1225 : i32
      %gt3A_1227 = arith.constant 0 : i32
      %gt3A_1228 = arith.cmpi sgt, %add3A_1226, %gt3A_1227 : i32
      %convert_element_type3A_1229 = arith.extui %gt3A_1228 : i1 to i32
      %cond3A_1230 = arith.constant 0 : i32
      %cond3A_1231 = arith.cmpi ne, %convert_element_type3A_1229, %cond3A_1230 : i32
      scf.if %cond3A_1231 {
        %dma_wait3A_2123 = arith.constant 0 : i32
        %dma_wait3A_2124 = arith.constant 0 : i32
        %dma_wait3A_2125 = arith.constant 0 : i32
        %dma_wait3A_2126 = arith.constant 0 : i32
        %dma_wait3A_2127 = arith.constant 0 : i32
        %dma_wait3A_2128 = arith.constant 0 : i32
        %dma_wait3A_2129 = tpu.memref_slice %arg10[%dma_wait3A_2125, %dma_wait3A_2126, %dma_wait3A_2127, %dma_wait3A_2128] : memref<2x4x128x64xf32, #tpu.memory_space<vmem>> -> memref<1x1x128x64xf32, #tpu.memory_space<vmem>>
        %dma_wait3A_2130 = tpu.memref_squeeze %dma_wait3A_2129 : memref<1x1x128x64xf32, #tpu.memory_space<vmem>> -> memref<128x64xf32, #tpu.memory_space<vmem>>
        %dma_wait3A_2131 = arith.constant 0 : i32
        %dma_wait3A_2132 = tpu.memref_slice %arg9[%dma_wait3A_2123, %dma_wait3A_2124, %dma_wait3A_2131] : memref<2x4x128xi32, #tpu.memory_space<vmem>> -> memref<1x1x128xi32, #tpu.memory_space<vmem>>
        %dma_wait3A_2133 = tpu.memref_squeeze %dma_wait3A_2132 : memref<1x1x128xi32, #tpu.memory_space<vmem>> -> memref<128xi32, #tpu.memory_space<vmem>>
        %dma_wait3A_2134 = arith.constant 0 : i32
        %dma_wait3A_2135 = arith.constant 0 : i32
        %dma_wait3A_2136 = tpu.memref_slice %arg5[%dma_wait3A_2134, %dma_wait3A_2135] : memref<4096x64xf32, #tpu.memory_space<hbm>> -> memref<4096x64xf32, #tpu.memory_space<hbm>>
        tpu.wait_indirect_dma semaphore(%arg14 : memref<!tpu.dma_semaphore, #tpu.memory_space<semaphore_mem>>) src(%dma_wait3A_2136 : memref<4096x64xf32, #tpu.memory_space<hbm>>) dst(%dma_wait3A_2130 : memref<128x64xf32, #tpu.memory_space<vmem>>)
        %dma_wait3A_2137 = arith.constant 0 : i32
        %dma_wait3A_2138 = arith.constant 1 : i32
        %dma_wait3A_2139 = arith.constant 0 : i32
        %dma_wait3A_2140 = arith.constant 1 : i32
        %dma_wait3A_2141 = arith.constant 0 : i32
        %dma_wait3A_2142 = arith.constant 0 : i32
        %dma_wait3A_2143 = tpu.memref_slice %arg10[%dma_wait3A_2139, %dma_wait3A_2140, %dma_wait3A_2141, %dma_wait3A_2142] : memref<2x4x128x64xf32, #tpu.memory_space<vmem>> -> memref<1x1x128x64xf32, #tpu.memory_space<vmem>>
        %dma_wait3A_2144 = tpu.memref_squeeze %dma_wait3A_2143 : memref<1x1x128x64xf32, #tpu.memory_space<vmem>> -> memref<128x64xf32, #tpu.memory_space<vmem>>
        %dma_wait3A_2145 = arith.constant 0 : i32
        %dma_wait3A_2146 = tpu.memref_slice %arg9[%dma_wait3A_2137, %dma_wait3A_2138, %dma_wait3A_2145] : memref<2x4x128xi32, #tpu.memory_space<vmem>> -> memref<1x1x128xi32, #tpu.memory_space<vmem>>
        %dma_wait3A_2147 = tpu.memref_squeeze %dma_wait3A_2146 : memref<1x1x128xi32, #tpu.memory_space<vmem>> -> memref<128xi32, #tpu.memory_space<vmem>>
        %dma_wait3A_2148 = arith.constant 0 : i32
        %dma_wait3A_2149 = arith.constant 0 : i32
        %dma_wait3A_2150 = tpu.memref_slice %arg5[%dma_wait3A_2148, %dma_wait3A_2149] : memref<4096x64xf32, #tpu.memory_space<hbm>> -> memref<4096x64xf32, #tpu.memory_space<hbm>>
        tpu.wait_indirect_dma semaphore(%arg14 : memref<!tpu.dma_semaphore, #tpu.memory_space<semaphore_mem>>) src(%dma_wait3A_2150 : memref<4096x64xf32, #tpu.memory_space<hbm>>) dst(%dma_wait3A_2144 : memref<128x64xf32, #tpu.memory_space<vmem>>)
        %dma_wait3A_2151 = arith.constant 0 : i32
        %dma_wait3A_2152 = arith.constant 2 : i32
        %dma_wait3A_2153 = arith.constant 0 : i32
        %dma_wait3A_2154 = arith.constant 2 : i32
        %dma_wait3A_2155 = arith.constant 0 : i32
        %dma_wait3A_2156 = arith.constant 0 : i32
        %dma_wait3A_2157 = tpu.memref_slice %arg10[%dma_wait3A_2153, %dma_wait3A_2154, %dma_wait3A_2155, %dma_wait3A_2156] : memref<2x4x128x64xf32, #tpu.memory_space<vmem>> -> memref<1x1x128x64xf32, #tpu.memory_space<vmem>>
        %dma_wait3A_2158 = tpu.memref_squeeze %dma_wait3A_2157 : memref<1x1x128x64xf32, #tpu.memory_space<vmem>> -> memref<128x64xf32, #tpu.memory_space<vmem>>
        %dma_wait3A_2159 = arith.constant 0 : i32
        %dma_wait3A_2160 = tpu.memref_slice %arg9[%dma_wait3A_2151, %dma_wait3A_2152, %dma_wait3A_2159] : memref<2x4x128xi32, #tpu.memory_space<vmem>> -> memref<1x1x128xi32, #tpu.memory_space<vmem>>
        %dma_wait3A_2161 = tpu.memref_squeeze %dma_wait3A_2160 : memref<1x1x128xi32, #tpu.memory_space<vmem>> -> memref<128xi32, #tpu.memory_space<vmem>>
        %dma_wait3A_2162 = arith.constant 0 : i32
        %dma_wait3A_2163 = arith.constant 0 : i32
        %dma_wait3A_2164 = tpu.memref_slice %arg5[%dma_wait3A_2162, %dma_wait3A_2163] : memref<4096x64xf32, #tpu.memory_space<hbm>> -> memref<4096x64xf32, #tpu.memory_space<hbm>>
        tpu.wait_indirect_dma semaphore(%arg14 : memref<!tpu.dma_semaphore, #tpu.memory_space<semaphore_mem>>) src(%dma_wait3A_2164 : memref<4096x64xf32, #tpu.memory_space<hbm>>) dst(%dma_wait3A_2158 : memref<128x64xf32, #tpu.memory_space<vmem>>)
        %dma_wait3A_2165 = arith.constant 0 : i32
        %dma_wait3A_2166 = arith.constant 3 : i32
        %dma_wait3A_2167 = arith.constant 0 : i32
        %dma_wait3A_2168 = arith.constant 3 : i32
        %dma_wait3A_2169 = arith.constant 0 : i32
        %dma_wait3A_2170 = arith.constant 0 : i32
        %dma_wait3A_2171 = tpu.memref_slice %arg10[%dma_wait3A_2167, %dma_wait3A_2168, %dma_wait3A_2169, %dma_wait3A_2170] : memref<2x4x128x64xf32, #tpu.memory_space<vmem>> -> memref<1x1x128x64xf32, #tpu.memory_space<vmem>>
        %dma_wait3A_2172 = tpu.memref_squeeze %dma_wait3A_2171 : memref<1x1x128x64xf32, #tpu.memory_space<vmem>> -> memref<128x64xf32, #tpu.memory_space<vmem>>
        %dma_wait3A_2173 = arith.constant 0 : i32
        %dma_wait3A_2174 = tpu.memref_slice %arg9[%dma_wait3A_2165, %dma_wait3A_2166, %dma_wait3A_2173] : memref<2x4x128xi32, #tpu.memory_space<vmem>> -> memref<1x1x128xi32, #tpu.memory_space<vmem>>
        %dma_wait3A_2175 = tpu.memref_squeeze %dma_wait3A_2174 : memref<1x1x128xi32, #tpu.memory_space<vmem>> -> memref<128xi32, #tpu.memory_space<vmem>>
        %dma_wait3A_2176 = arith.constant 0 : i32
        %dma_wait3A_2177 = arith.constant 0 : i32
        %dma_wait3A_2178 = tpu.memref_slice %arg5[%dma_wait3A_2176, %dma_wait3A_2177] : memref<4096x64xf32, #tpu.memory_space<hbm>> -> memref<4096x64xf32, #tpu.memory_space<hbm>>
        tpu.wait_indirect_dma semaphore(%arg14 : memref<!tpu.dma_semaphore, #tpu.memory_space<semaphore_mem>>) src(%dma_wait3A_2178 : memref<4096x64xf32, #tpu.memory_space<hbm>>) dst(%dma_wait3A_2172 : memref<128x64xf32, #tpu.memory_space<vmem>>)
        %sub3A = arith.constant 1 : i32
        %sub3A_2179 = arith.subi %add3A_1226, %sub3A : i32
        %mul3A_2180 = arith.constant 512 : i32
        %mul3A_2181 = arith.muli %sub3A_2179, %mul3A_2180 : i32
        %add3A_2182 = arith.addi %mul3A_2, %mul3A_2181 : i32
        %add3A_2183 = arith.constant 0 : i32
        %add3A_2184 = arith.addi %add3A_2182, %add3A_2183 : i32
        %dma_start3A_2185 = arith.constant 0 : i32
        %dma_start3A_2186 = arith.constant 0 : i32
        %dma_start3A_2187 = arith.constant 0 : i32
        %dma_start3A_2188 = arith.constant 0 : i32
        %dma_start3A_2189 = tpu.memref_slice %arg10[%dma_start3A_2185, %dma_start3A_2186, %dma_start3A_2187, %dma_start3A_2188] : memref<2x4x128x64xf32, #tpu.memory_space<vmem>> -> memref<1x1x128x64xf32, #tpu.memory_space<vmem>>
        %dma_start3A_2190 = tpu.memref_squeeze %dma_start3A_2189 : memref<1x1x128x64xf32, #tpu.memory_space<vmem>> -> memref<128x64xf32, #tpu.memory_space<vmem>>
        %dma_start3A_2191 = arith.constant 0 : i32
        %dma_start3A_2192 = tpu.memref_slice %arg6[%add3A_2184, %dma_start3A_2191] : memref<3276800x128xf32, #tpu.memory_space<hbm>> -> memref<128x64xf32, #tpu.memory_space<hbm>>
        %dma_start3A_2193 = arith.constant 0 : i32
        %dma_start3A_2194 = tpu.memref_slice %arg6[%add3A_2184, %dma_start3A_2193] : memref<3276800x128xf32, #tpu.memory_space<hbm>> -> memref<128x64xf32, #tpu.memory_space<hbm>>
        %dma_start3A_2195 = arith.constant 0 : i32
        %dma_start3A_2196 = arith.constant 0 : i32
        %dma_start3A_2197 = tpu.memref_slice %arg10[%dma_start3A_2185, %dma_start3A_2186, %dma_start3A_2195, %dma_start3A_2196] : memref<2x4x128x64xf32, #tpu.memory_space<vmem>> -> memref<1x1x128x64xf32, #tpu.memory_space<vmem>>
        %dma_start3A_2198 = tpu.memref_squeeze %dma_start3A_2197 : memref<1x1x128x64xf32, #tpu.memory_space<vmem>> -> memref<128x64xf32, #tpu.memory_space<vmem>>
        tpu.enqueue_dma source(%dma_start3A_2198 : memref<128x64xf32, #tpu.memory_space<vmem>>) target(%dma_start3A_2194 : memref<128x64xf32, #tpu.memory_space<hbm>>) target_semaphore(%arg16 : memref<!tpu.dma_semaphore, #tpu.memory_space<semaphore_mem>>)
        %mul3A_2199 = arith.constant 512 : i32
        %mul3A_2200 = arith.muli %sub3A_2179, %mul3A_2199 : i32
        %add3A_2201 = arith.addi %mul3A_2, %mul3A_2200 : i32
        %add3A_2202 = arith.constant 128 : i32
        %add3A_2203 = arith.addi %add3A_2201, %add3A_2202 : i32
        %dma_start3A_2204 = arith.constant 0 : i32
        %dma_start3A_2205 = arith.constant 1 : i32
        %dma_start3A_2206 = arith.constant 0 : i32
        %dma_start3A_2207 = arith.constant 0 : i32
        %dma_start3A_2208 = tpu.memref_slice %arg10[%dma_start3A_2204, %dma_start3A_2205, %dma_start3A_2206, %dma_start3A_2207] : memref<2x4x128x64xf32, #tpu.memory_space<vmem>> -> memref<1x1x128x64xf32, #tpu.memory_space<vmem>>
        %dma_start3A_2209 = tpu.memref_squeeze %dma_start3A_2208 : memref<1x1x128x64xf32, #tpu.memory_space<vmem>> -> memref<128x64xf32, #tpu.memory_space<vmem>>
        %dma_start3A_2210 = arith.constant 0 : i32
        %dma_start3A_2211 = tpu.memref_slice %arg6[%add3A_2203, %dma_start3A_2210] : memref<3276800x128xf32, #tpu.memory_space<hbm>> -> memref<128x64xf32, #tpu.memory_space<hbm>>
        %dma_start3A_2212 = arith.constant 0 : i32
        %dma_start3A_2213 = tpu.memref_slice %arg6[%add3A_2203, %dma_start3A_2212] : memref<3276800x128xf32, #tpu.memory_space<hbm>> -> memref<128x64xf32, #tpu.memory_space<hbm>>
        %dma_start3A_2214 = arith.constant 0 : i32
        %dma_start3A_2215 = arith.constant 0 : i32
        %dma_start3A_2216 = tpu.memref_slice %arg10[%dma_start3A_2204, %dma_start3A_2205, %dma_start3A_2214, %dma_start3A_2215] : memref<2x4x128x64xf32, #tpu.memory_space<vmem>> -> memref<1x1x128x64xf32, #tpu.memory_space<vmem>>
        %dma_start3A_2217 = tpu.memref_squeeze %dma_start3A_2216 : memref<1x1x128x64xf32, #tpu.memory_space<vmem>> -> memref<128x64xf32, #tpu.memory_space<vmem>>
        tpu.enqueue_dma source(%dma_start3A_2217 : memref<128x64xf32, #tpu.memory_space<vmem>>) target(%dma_start3A_2213 : memref<128x64xf32, #tpu.memory_space<hbm>>) target_semaphore(%arg16 : memref<!tpu.dma_semaphore, #tpu.memory_space<semaphore_mem>>)
        %mul3A_2218 = arith.constant 512 : i32
        %mul3A_2219 = arith.muli %sub3A_2179, %mul3A_2218 : i32
        %add3A_2220 = arith.addi %mul3A_2, %mul3A_2219 : i32
        %add3A_2221 = arith.constant 256 : i32
        %add3A_2222 = arith.addi %add3A_2220, %add3A_2221 : i32
        %dma_start3A_2223 = arith.constant 0 : i32
        %dma_start3A_2224 = arith.constant 2 : i32
        %dma_start3A_2225 = arith.constant 0 : i32
        %dma_start3A_2226 = arith.constant 0 : i32
        %dma_start3A_2227 = tpu.memref_slice %arg10[%dma_start3A_2223, %dma_start3A_2224, %dma_start3A_2225, %dma_start3A_2226] : memref<2x4x128x64xf32, #tpu.memory_space<vmem>> -> memref<1x1x128x64xf32, #tpu.memory_space<vmem>>
        %dma_start3A_2228 = tpu.memref_squeeze %dma_start3A_2227 : memref<1x1x128x64xf32, #tpu.memory_space<vmem>> -> memref<128x64xf32, #tpu.memory_space<vmem>>
        %dma_start3A_2229 = arith.constant 0 : i32
        %dma_start3A_2230 = tpu.memref_slice %arg6[%add3A_2222, %dma_start3A_2229] : memref<3276800x128xf32, #tpu.memory_space<hbm>> -> memref<128x64xf32, #tpu.memory_space<hbm>>
        %dma_start3A_2231 = arith.constant 0 : i32
        %dma_start3A_2232 = tpu.memref_slice %arg6[%add3A_2222, %dma_start3A_2231] : memref<3276800x128xf32, #tpu.memory_space<hbm>> -> memref<128x64xf32, #tpu.memory_space<hbm>>
        %dma_start3A_2233 = arith.constant 0 : i32
        %dma_start3A_2234 = arith.constant 0 : i32
        %dma_start3A_2235 = tpu.memref_slice %arg10[%dma_start3A_2223, %dma_start3A_2224, %dma_start3A_2233, %dma_start3A_2234] : memref<2x4x128x64xf32, #tpu.memory_space<vmem>> -> memref<1x1x128x64xf32, #tpu.memory_space<vmem>>
        %dma_start3A_2236 = tpu.memref_squeeze %dma_start3A_2235 : memref<1x1x128x64xf32, #tpu.memory_space<vmem>> -> memref<128x64xf32, #tpu.memory_space<vmem>>
        tpu.enqueue_dma source(%dma_start3A_2236 : memref<128x64xf32, #tpu.memory_space<vmem>>) target(%dma_start3A_2232 : memref<128x64xf32, #tpu.memory_space<hbm>>) target_semaphore(%arg16 : memref<!tpu.dma_semaphore, #tpu.memory_space<semaphore_mem>>)
        %mul3A_2237 = arith.constant 512 : i32
        %mul3A_2238 = arith.muli %sub3A_2179, %mul3A_2237 : i32
        %add3A_2239 = arith.addi %mul3A_2, %mul3A_2238 : i32
        %add3A_2240 = arith.constant 384 : i32
        %add3A_2241 = arith.addi %add3A_2239, %add3A_2240 : i32
        %dma_start3A_2242 = arith.constant 0 : i32
        %dma_start3A_2243 = arith.constant 3 : i32
        %dma_start3A_2244 = arith.constant 0 : i32
        %dma_start3A_2245 = arith.constant 0 : i32
        %dma_start3A_2246 = tpu.memref_slice %arg10[%dma_start3A_2242, %dma_start3A_2243, %dma_start3A_2244, %dma_start3A_2245] : memref<2x4x128x64xf32, #tpu.memory_space<vmem>> -> memref<1x1x128x64xf32, #tpu.memory_space<vmem>>
        %dma_start3A_2247 = tpu.memref_squeeze %dma_start3A_2246 : memref<1x1x128x64xf32, #tpu.memory_space<vmem>> -> memref<128x64xf32, #tpu.memory_space<vmem>>
        %dma_start3A_2248 = arith.constant 0 : i32
        %dma_start3A_2249 = tpu.memref_slice %arg6[%add3A_2241, %dma_start3A_2248] : memref<3276800x128xf32, #tpu.memory_space<hbm>> -> memref<128x64xf32, #tpu.memory_space<hbm>>
        %dma_start3A_2250 = arith.constant 0 : i32
        %dma_start3A_2251 = tpu.memref_slice %arg6[%add3A_2241, %dma_start3A_2250] : memref<3276800x128xf32, #tpu.memory_space<hbm>> -> memref<128x64xf32, #tpu.memory_space<hbm>>
        %dma_start3A_2252 = arith.constant 0 : i32
        %dma_start3A_2253 = arith.constant 0 : i32
        %dma_start3A_2254 = tpu.memref_slice %arg10[%dma_start3A_2242, %dma_start3A_2243, %dma_start3A_2252, %dma_start3A_2253] : memref<2x4x128x64xf32, #tpu.memory_space<vmem>> -> memref<1x1x128x64xf32, #tpu.memory_space<vmem>>
        %dma_start3A_2255 = tpu.memref_squeeze %dma_start3A_2254 : memref<1x1x128x64xf32, #tpu.memory_space<vmem>> -> memref<128x64xf32, #tpu.memory_space<vmem>>
        tpu.enqueue_dma source(%dma_start3A_2255 : memref<128x64xf32, #tpu.memory_space<vmem>>) target(%dma_start3A_2251 : memref<128x64xf32, #tpu.memory_space<hbm>>) target_semaphore(%arg16 : memref<!tpu.dma_semaphore, #tpu.memory_space<semaphore_mem>>)
      } else {
      }
      %mul3A_1232 = arith.constant 512 : i32
      %mul3A_1233 = arith.muli %add3A_1226, %mul3A_1232 : i32
      %add3A_1234 = arith.addi %mul3A_2, %mul3A_1233 : i32
      %min3A_1235 = arith.constant 3276288 : i32
      %min3A_1236 = arith.minsi %add3A_1234, %min3A_1235 : i32
      %dma_wait3A_1237 = arith.constant 1 : i32
      %dma_wait3A_1238 = arith.constant 0 : i32
      %dma_wait3A_1239 = tpu.memref_slice %arg8[%dma_wait3A_1237, %dma_wait3A_1238] : memref<2x512xi32, #tpu.memory_space<vmem>> -> memref<1x512xi32, #tpu.memory_space<vmem>>
      %dma_wait3A_1240 = tpu.memref_squeeze %dma_wait3A_1239 : memref<1x512xi32, #tpu.memory_space<vmem>> -> memref<512xi32, #tpu.memory_space<vmem>>
      %dma_wait3A_1241 = tpu.memref_slice %arg2[%min3A_1236] : memref<3276800xi32, #tpu.memory_space<hbm>> -> memref<512xi32, #tpu.memory_space<hbm>>
      %dma_wait3A_1242 = arith.constant 0 : i32
      %dma_wait3A_1243 = tpu.memref_slice %arg8[%dma_wait3A_1237, %dma_wait3A_1242] : memref<2x512xi32, #tpu.memory_space<vmem>> -> memref<1x512xi32, #tpu.memory_space<vmem>>
      %dma_wait3A_1244 = tpu.memref_squeeze %dma_wait3A_1243 : memref<1x512xi32, #tpu.memory_space<vmem>> -> memref<512xi32, #tpu.memory_space<vmem>>
      %dma_wait3A_1245 = tpu.memref_slice %arg2[%min3A_1236] : memref<3276800xi32, #tpu.memory_space<hbm>> -> memref<512xi32, #tpu.memory_space<hbm>>
      tpu.wait_dma2 semaphore(%arg13 : memref<!tpu.dma_semaphore, #tpu.memory_space<semaphore_mem>>) src(%dma_wait3A_1245 : memref<512xi32, #tpu.memory_space<hbm>>) dst(%dma_wait3A_1244 : memref<512xi32, #tpu.memory_space<vmem>>)
      %get3A_1246 = arith.constant 1 : i32
      %get3A_1247 = arith.index_cast %get3A_1246 : i32 to index
      %get3A_1248 = arith.constant 0 : index
      %get3A_1249 = tpu.vector_load %arg8[%get3A_1247, %get3A_1248] {strides = array<i32>} : memref<2x512xi32, #tpu.memory_space<vmem>>, vector<16xi32>,
      %min3A_1250 = arith.minsi %get3A_1249, %get3A_3 : vector<16xi32>
      %shift_right_logical3A_1251 = arith.constant 1 : i32
      %shift_right_logical3A_1252 = vector.broadcast %shift_right_logical3A_1251 : i32 to vector<16xi32>
      %shift_right_logical3A_1253 = arith.shrui %min3A_1250, %shift_right_logical3A_1252 : vector<16xi32>
      %gather3A_1254 = tpu.vector_load_idx %arg7[%shift_right_logical3A_1253] : memref<50176xi32, #tpu.memory_space<vmem>>[vector<16xi32>], vector<16xi32>,
      %and3A_1255 = arith.constant 1 : i32
      %and3A_1256 = vector.broadcast %and3A_1255 : i32 to vector<16xi32>
      %and3A_1257 = arith.andi %min3A_1250, %and3A_1256 : vector<16xi32>
      %shift_left3A_1258 = arith.constant 4 : i32
      %shift_left3A_1259 = vector.broadcast %shift_left3A_1258 : i32 to vector<16xi32>
      %shift_left3A_1260 = arith.shli %and3A_1257, %shift_left3A_1259 : vector<16xi32>
      %shift_right_logical3A_1261 = arith.shrui %gather3A_1254, %shift_left3A_1260 : vector<16xi32>
      %and3A_1262 = arith.constant 65535 : i32
      %and3A_1263 = vector.broadcast %and3A_1262 : i32 to vector<16xi32>
      %and3A_1264 = arith.andi %shift_right_logical3A_1261, %and3A_1263 : vector<16xi32>
      %swap3A_1265 = arith.constant 1 : i32
      %swap3A_1266 = arith.constant 0 : i32
      %swap3A_1267 = arith.index_cast %swap3A_1265 : i32 to index
      %swap3A_1268 = arith.index_cast %swap3A_1266 : i32 to index
      %swap3A_1269 = arith.constant 0 : index
      %swap3A_1270 = tpu.vector_load %arg9[%swap3A_1267, %swap3A_1268, %swap3A_1269] {strides = array<i32>} : memref<2x4x128xi32, #tpu.memory_space<vmem>>, vector<16xi32>,
      tpu.vector_store %arg9[%swap3A_1267, %swap3A_1268, %swap3A_1269], %and3A_1264 {strides = array<i32>} : memref<2x4x128xi32, #tpu.memory_space<vmem>>, vector<16xi32>,
      %get3A_1271 = arith.constant 1 : i32
      %get3A_1272 = arith.index_cast %get3A_1271 : i32 to index
      %get3A_1273 = arith.constant 16 : index
      %get3A_1274 = tpu.vector_load %arg8[%get3A_1272, %get3A_1273] {strides = array<i32>} : memref<2x512xi32, #tpu.memory_space<vmem>>, vector<16xi32>,
      %min3A_1275 = arith.minsi %get3A_1274, %get3A_3 : vector<16xi32>
      %shift_right_logical3A_1276 = arith.constant 1 : i32
      %shift_right_logical3A_1277 = vector.broadcast %shift_right_logical3A_1276 : i32 to vector<16xi32>
      %shift_right_logical3A_1278 = arith.shrui %min3A_1275, %shift_right_logical3A_1277 : vector<16xi32>
      %gather3A_1279 = tpu.vector_load_idx %arg7[%shift_right_logical3A_1278] : memref<50176xi32, #tpu.memory_space<vmem>>[vector<16xi32>], vector<16xi32>,
      %and3A_1280 = arith.constant 1 : i32
      %and3A_1281 = vector.broadcast %and3A_1280 : i32 to vector<16xi32>
      %and3A_1282 = arith.andi %min3A_1275, %and3A_1281 : vector<16xi32>
      %shift_left3A_1283 = arith.constant 4 : i32
      %shift_left3A_1284 = vector.broadcast %shift_left3A_1283 : i32 to vector<16xi32>
      %shift_left3A_1285 = arith.shli %and3A_1282, %shift_left3A_1284 : vector<16xi32>
      %shift_right_logical3A_1286 = arith.shrui %gather3A_1279, %shift_left3A_1285 : vector<16xi32>
      %and3A_1287 = arith.constant 65535 : i32
      %and3A_1288 = vector.broadcast %and3A_1287 : i32 to vector<16xi32>
      %and3A_1289 = arith.andi %shift_right_logical3A_1286, %and3A_1288 : vector<16xi32>
      %swap3A_1290 = arith.constant 1 : i32
      %swap3A_1291 = arith.constant 0 : i32
      %swap3A_1292 = arith.index_cast %swap3A_1290 : i32 to index
      %swap3A_1293 = arith.index_cast %swap3A_1291 : i32 to index
      %swap3A_1294 = arith.constant 16 : index
      %swap3A_1295 = tpu.vector_load %arg9[%swap3A_1292, %swap3A_1293, %swap3A_1294] {strides = array<i32>} : memref<2x4x128xi32, #tpu.memory_space<vmem>>, vector<16xi32>,
      tpu.vector_store %arg9[%swap3A_1292, %swap3A_1293, %swap3A_1294], %and3A_1289 {strides = array<i32>} : memref<2x4x128xi32, #tpu.memory_space<vmem>>, vector<16xi32>,
      %get3A_1296 = arith.constant 1 : i32
      %get3A_1297 = arith.index_cast %get3A_1296 : i32 to index
      %get3A_1298 = arith.constant 32 : index
      %get3A_1299 = tpu.vector_load %arg8[%get3A_1297, %get3A_1298] {strides = array<i32>} : memref<2x512xi32, #tpu.memory_space<vmem>>, vector<16xi32>,
      %min3A_1300 = arith.minsi %get3A_1299, %get3A_3 : vector<16xi32>
      %shift_right_logical3A_1301 = arith.constant 1 : i32
      %shift_right_logical3A_1302 = vector.broadcast %shift_right_logical3A_1301 : i32 to vector<16xi32>
      %shift_right_logical3A_1303 = arith.shrui %min3A_1300, %shift_right_logical3A_1302 : vector<16xi32>
      %gather3A_1304 = tpu.vector_load_idx %arg7[%shift_right_logical3A_1303] : memref<50176xi32, #tpu.memory_space<vmem>>[vector<16xi32>], vector<16xi32>,
      %and3A_1305 = arith.constant 1 : i32
      %and3A_1306 = vector.broadcast %and3A_1305 : i32 to vector<16xi32>
      %and3A_1307 = arith.andi %min3A_1300, %and3A_1306 : vector<16xi32>
      %shift_left3A_1308 = arith.constant 4 : i32
      %shift_left3A_1309 = vector.broadcast %shift_left3A_1308 : i32 to vector<16xi32>
      %shift_left3A_1310 = arith.shli %and3A_1307, %shift_left3A_1309 : vector<16xi32>
      %shift_right_logical3A_1311 = arith.shrui %gather3A_1304, %shift_left3A_1310 : vector<16xi32>
      %and3A_1312 = arith.constant 65535 : i32
      %and3A_1313 = vector.broadcast %and3A_1312 : i32 to vector<16xi32>
      %and3A_1314 = arith.andi %shift_right_logical3A_1311, %and3A_1313 : vector<16xi32>
      %swap3A_1315 = arith.constant 1 : i32
      %swap3A_1316 = arith.constant 0 : i32
      %swap3A_1317 = arith.index_cast %swap3A_1315 : i32 to index
      %swap3A_1318 = arith.index_cast %swap3A_1316 : i32 to index
      %swap3A_1319 = arith.constant 32 : index
      %swap3A_1320 = tpu.vector_load %arg9[%swap3A_1317, %swap3A_1318, %swap3A_1319] {strides = array<i32>} : memref<2x4x128xi32, #tpu.memory_space<vmem>>, vector<16xi32>,
      tpu.vector_store %arg9[%swap3A_1317, %swap3A_1318, %swap3A_1319], %and3A_1314 {strides = array<i32>} : memref<2x4x128xi32, #tpu.memory_space<vmem>>, vector<16xi32>,
      %get3A_1321 = arith.constant 1 : i32
      %get3A_1322 = arith.index_cast %get3A_1321 : i32 to index
      %get3A_1323 = arith.constant 48 : index
      %get3A_1324 = tpu.vector_load %arg8[%get3A_1322, %get3A_1323] {strides = array<i32>} : memref<2x512xi32, #tpu.memory_space<vmem>>, vector<16xi32>,
      %min3A_1325 = arith.minsi %get3A_1324, %get3A_3 : vector<16xi32>
      %shift_right_logical3A_1326 = arith.constant 1 : i32
      %shift_right_logical3A_1327 = vector.broadcast %shift_right_logical3A_1326 : i32 to vector<16xi32>
      %shift_right_logical3A_1328 = arith.shrui %min3A_1325, %shift_right_logical3A_1327 : vector<16xi32>
      %gather3A_1329 = tpu.vector_load_idx %arg7[%shift_right_logical3A_1328] : memref<50176xi32, #tpu.memory_space<vmem>>[vector<16xi32>], vector<16xi32>,
      %and3A_1330 = arith.constant 1 : i32
      %and3A_1331 = vector.broadcast %and3A_1330 : i32 to vector<16xi32>
      %and3A_1332 = arith.andi %min3A_1325, %and3A_1331 : vector<16xi32>
      %shift_left3A_1333 = arith.constant 4 : i32
      %shift_left3A_1334 = vector.broadcast %shift_left3A_1333 : i32 to vector<16xi32>
      %shift_left3A_1335 = arith.shli %and3A_1332, %shift_left3A_1334 : vector<16xi32>
      %shift_right_logical3A_1336 = arith.shrui %gather3A_1329, %shift_left3A_1335 : vector<16xi32>
      %and3A_1337 = arith.constant 65535 : i32
      %and3A_1338 = vector.broadcast %and3A_1337 : i32 to vector<16xi32>
      %and3A_1339 = arith.andi %shift_right_logical3A_1336, %and3A_1338 : vector<16xi32>
      %swap3A_1340 = arith.constant 1 : i32
      %swap3A_1341 = arith.constant 0 : i32
      %swap3A_1342 = arith.index_cast %swap3A_1340 : i32 to index
      %swap3A_1343 = arith.index_cast %swap3A_1341 : i32 to index
      %swap3A_1344 = arith.constant 48 : index
      %swap3A_1345 = tpu.vector_load %arg9[%swap3A_1342, %swap3A_1343, %swap3A_1344] {strides = array<i32>} : memref<2x4x128xi32, #tpu.memory_space<vmem>>, vector<16xi32>,
      tpu.vector_store %arg9[%swap3A_1342, %swap3A_1343, %swap3A_1344], %and3A_1339 {strides = array<i32>} : memref<2x4x128xi32, #tpu.memory_space<vmem>>, vector<16xi32>,
      %get3A_1346 = arith.constant 1 : i32
      %get3A_1347 = arith.index_cast %get3A_1346 : i32 to index
      %get3A_1348 = arith.constant 64 : index
      %get3A_1349 = tpu.vector_load %arg8[%get3A_1347, %get3A_1348] {strides = array<i32>} : memref<2x512xi32, #tpu.memory_space<vmem>>, vector<16xi32>,
      %min3A_1350 = arith.minsi %get3A_1349, %get3A_3 : vector<16xi32>
      %shift_right_logical3A_1351 = arith.constant 1 : i32
      %shift_right_logical3A_1352 = vector.broadcast %shift_right_logical3A_1351 : i32 to vector<16xi32>
      %shift_right_logical3A_1353 = arith.shrui %min3A_1350, %shift_right_logical3A_1352 : vector<16xi32>
      %gather3A_1354 = tpu.vector_load_idx %arg7[%shift_right_logical3A_1353] : memref<50176xi32, #tpu.memory_space<vmem>>[vector<16xi32>], vector<16xi32>,
      %and3A_1355 = arith.constant 1 : i32
      %and3A_1356 = vector.broadcast %and3A_1355 : i32 to vector<16xi32>
      %and3A_1357 = arith.andi %min3A_1350, %and3A_1356 : vector<16xi32>
      %shift_left3A_1358 = arith.constant 4 : i32
      %shift_left3A_1359 = vector.broadcast %shift_left3A_1358 : i32 to vector<16xi32>
      %shift_left3A_1360 = arith.shli %and3A_1357, %shift_left3A_1359 : vector<16xi32>
      %shift_right_logical3A_1361 = arith.shrui %gather3A_1354, %shift_left3A_1360 : vector<16xi32>
      %and3A_1362 = arith.constant 65535 : i32
      %and3A_1363 = vector.broadcast %and3A_1362 : i32 to vector<16xi32>
      %and3A_1364 = arith.andi %shift_right_logical3A_1361, %and3A_1363 : vector<16xi32>
      %swap3A_1365 = arith.constant 1 : i32
      %swap3A_1366 = arith.constant 0 : i32
      %swap3A_1367 = arith.index_cast %swap3A_1365 : i32 to index
      %swap3A_1368 = arith.index_cast %swap3A_1366 : i32 to index
      %swap3A_1369 = arith.constant 64 : index
      %swap3A_1370 = tpu.vector_load %arg9[%swap3A_1367, %swap3A_1368, %swap3A_1369] {strides = array<i32>} : memref<2x4x128xi32, #tpu.memory_space<vmem>>, vector<16xi32>,
      tpu.vector_store %arg9[%swap3A_1367, %swap3A_1368, %swap3A_1369], %and3A_1364 {strides = array<i32>} : memref<2x4x128xi32, #tpu.memory_space<vmem>>, vector<16xi32>,
      %get3A_1371 = arith.constant 1 : i32
      %get3A_1372 = arith.index_cast %get3A_1371 : i32 to index
      %get3A_1373 = arith.constant 80 : index
      %get3A_1374 = tpu.vector_load %arg8[%get3A_1372, %get3A_1373] {strides = array<i32>} : memref<2x512xi32, #tpu.memory_space<vmem>>, vector<16xi32>,
      %min3A_1375 = arith.minsi %get3A_1374, %get3A_3 : vector<16xi32>
      %shift_right_logical3A_1376 = arith.constant 1 : i32
      %shift_right_logical3A_1377 = vector.broadcast %shift_right_logical3A_1376 : i32 to vector<16xi32>
      %shift_right_logical3A_1378 = arith.shrui %min3A_1375, %shift_right_logical3A_1377 : vector<16xi32>
      %gather3A_1379 = tpu.vector_load_idx %arg7[%shift_right_logical3A_1378] : memref<50176xi32, #tpu.memory_space<vmem>>[vector<16xi32>], vector<16xi32>,
      %and3A_1380 = arith.constant 1 : i32
      %and3A_1381 = vector.broadcast %and3A_1380 : i32 to vector<16xi32>
      %and3A_1382 = arith.andi %min3A_1375, %and3A_1381 : vector<16xi32>
      %shift_left3A_1383 = arith.constant 4 : i32
      %shift_left3A_1384 = vector.broadcast %shift_left3A_1383 : i32 to vector<16xi32>
      %shift_left3A_1385 = arith.shli %and3A_1382, %shift_left3A_1384 : vector<16xi32>
      %shift_right_logical3A_1386 = arith.shrui %gather3A_1379, %shift_left3A_1385 : vector<16xi32>
      %and3A_1387 = arith.constant 65535 : i32
      %and3A_1388 = vector.broadcast %and3A_1387 : i32 to vector<16xi32>
      %and3A_1389 = arith.andi %shift_right_logical3A_1386, %and3A_1388 : vector<16xi32>
      %swap3A_1390 = arith.constant 1 : i32
      %swap3A_1391 = arith.constant 0 : i32
      %swap3A_1392 = arith.index_cast %swap3A_1390 : i32 to index
      %swap3A_1393 = arith.index_cast %swap3A_1391 : i32 to index
      %swap3A_1394 = arith.constant 80 : index
      %swap3A_1395 = tpu.vector_load %arg9[%swap3A_1392, %swap3A_1393, %swap3A_1394] {strides = array<i32>} : memref<2x4x128xi32, #tpu.memory_space<vmem>>, vector<16xi32>,
      tpu.vector_store %arg9[%swap3A_1392, %swap3A_1393, %swap3A_1394], %and3A_1389 {strides = array<i32>} : memref<2x4x128xi32, #tpu.memory_space<vmem>>, vector<16xi32>,
      %get3A_1396 = arith.constant 1 : i32
      %get3A_1397 = arith.index_cast %get3A_1396 : i32 to index
      %get3A_1398 = arith.constant 96 : index
      %get3A_1399 = tpu.vector_load %arg8[%get3A_1397, %get3A_1398] {strides = array<i32>} : memref<2x512xi32, #tpu.memory_space<vmem>>, vector<16xi32>,
      %min3A_1400 = arith.minsi %get3A_1399, %get3A_3 : vector<16xi32>
      %shift_right_logical3A_1401 = arith.constant 1 : i32
      %shift_right_logical3A_1402 = vector.broadcast %shift_right_logical3A_1401 : i32 to vector<16xi32>
      %shift_right_logical3A_1403 = arith.shrui %min3A_1400, %shift_right_logical3A_1402 : vector<16xi32>
      %gather3A_1404 = tpu.vector_load_idx %arg7[%shift_right_logical3A_1403] : memref<50176xi32, #tpu.memory_space<vmem>>[vector<16xi32>], vector<16xi32>,
      %and3A_1405 = arith.constant 1 : i32
      %and3A_1406 = vector.broadcast %and3A_1405 : i32 to vector<16xi32>
      %and3A_1407 = arith.andi %min3A_1400, %and3A_1406 : vector<16xi32>
      %shift_left3A_1408 = arith.constant 4 : i32
      %shift_left3A_1409 = vector.broadcast %shift_left3A_1408 : i32 to vector<16xi32>
      %shift_left3A_1410 = arith.shli %and3A_1407, %shift_left3A_1409 : vector<16xi32>
      %shift_right_logical3A_1411 = arith.shrui %gather3A_1404, %shift_left3A_1410 : vector<16xi32>
      %and3A_1412 = arith.constant 65535 : i32
      %and3A_1413 = vector.broadcast %and3A_1412 : i32 to vector<16xi32>
      %and3A_1414 = arith.andi %shift_right_logical3A_1411, %and3A_1413 : vector<16xi32>
      %swap3A_1415 = arith.constant 1 : i32
      %swap3A_1416 = arith.constant 0 : i32
      %swap3A_1417 = arith.index_cast %swap3A_1415 : i32 to index
      %swap3A_1418 = arith.index_cast %swap3A_1416 : i32 to index
      %swap3A_1419 = arith.constant 96 : index
      %swap3A_1420 = tpu.vector_load %arg9[%swap3A_1417, %swap3A_1418, %swap3A_1419] {strides = array<i32>} : memref<2x4x128xi32, #tpu.memory_space<vmem>>, vector<16xi32>,
      tpu.vector_store %arg9[%swap3A_1417, %swap3A_1418, %swap3A_1419], %and3A_1414 {strides = array<i32>} : memref<2x4x128xi32, #tpu.memory_space<vmem>>, vector<16xi32>,
      %get3A_1421 = arith.constant 1 : i32
      %get3A_1422 = arith.index_cast %get3A_1421 : i32 to index
      %get3A_1423 = arith.constant 112 : index
      %get3A_1424 = tpu.vector_load %arg8[%get3A_1422, %get3A_1423] {strides = array<i32>} : memref<2x512xi32, #tpu.memory_space<vmem>>, vector<16xi32>,
      %min3A_1425 = arith.minsi %get3A_1424, %get3A_3 : vector<16xi32>
      %shift_right_logical3A_1426 = arith.constant 1 : i32
      %shift_right_logical3A_1427 = vector.broadcast %shift_right_logical3A_1426 : i32 to vector<16xi32>
      %shift_right_logical3A_1428 = arith.shrui %min3A_1425, %shift_right_logical3A_1427 : vector<16xi32>
      %gather3A_1429 = tpu.vector_load_idx %arg7[%shift_right_logical3A_1428] : memref<50176xi32, #tpu.memory_space<vmem>>[vector<16xi32>], vector<16xi32>,
      %and3A_1430 = arith.constant 1 : i32
      %and3A_1431 = vector.broadcast %and3A_1430 : i32 to vector<16xi32>
      %and3A_1432 = arith.andi %min3A_1425, %and3A_1431 : vector<16xi32>
      %shift_left3A_1433 = arith.constant 4 : i32
      %shift_left3A_1434 = vector.broadcast %shift_left3A_1433 : i32 to vector<16xi32>
      %shift_left3A_1435 = arith.shli %and3A_1432, %shift_left3A_1434 : vector<16xi32>
      %shift_right_logical3A_1436 = arith.shrui %gather3A_1429, %shift_left3A_1435 : vector<16xi32>
      %and3A_1437 = arith.constant 65535 : i32
      %and3A_1438 = vector.broadcast %and3A_1437 : i32 to vector<16xi32>
      %and3A_1439 = arith.andi %shift_right_logical3A_1436, %and3A_1438 : vector<16xi32>
      %swap3A_1440 = arith.constant 1 : i32
      %swap3A_1441 = arith.constant 0 : i32
      %swap3A_1442 = arith.index_cast %swap3A_1440 : i32 to index
      %swap3A_1443 = arith.index_cast %swap3A_1441 : i32 to index
      %swap3A_1444 = arith.constant 112 : index
      %swap3A_1445 = tpu.vector_load %arg9[%swap3A_1442, %swap3A_1443, %swap3A_1444] {strides = array<i32>} : memref<2x4x128xi32, #tpu.memory_space<vmem>>, vector<16xi32>,
      tpu.vector_store %arg9[%swap3A_1442, %swap3A_1443, %swap3A_1444], %and3A_1439 {strides = array<i32>} : memref<2x4x128xi32, #tpu.memory_space<vmem>>, vector<16xi32>,
      %get3A_1446 = arith.constant 1 : i32
      %get3A_1447 = arith.index_cast %get3A_1446 : i32 to index
      %get3A_1448 = arith.constant 128 : index
      %get3A_1449 = tpu.vector_load %arg8[%get3A_1447, %get3A_1448] {strides = array<i32>} : memref<2x512xi32, #tpu.memory_space<vmem>>, vector<16xi32>,
      %min3A_1450 = arith.minsi %get3A_1449, %get3A_3 : vector<16xi32>
      %shift_right_logical3A_1451 = arith.constant 1 : i32
      %shift_right_logical3A_1452 = vector.broadcast %shift_right_logical3A_1451 : i32 to vector<16xi32>
      %shift_right_logical3A_1453 = arith.shrui %min3A_1450, %shift_right_logical3A_1452 : vector<16xi32>
      %gather3A_1454 = tpu.vector_load_idx %arg7[%shift_right_logical3A_1453] : memref<50176xi32, #tpu.memory_space<vmem>>[vector<16xi32>], vector<16xi32>,
      %and3A_1455 = arith.constant 1 : i32
      %and3A_1456 = vector.broadcast %and3A_1455 : i32 to vector<16xi32>
      %and3A_1457 = arith.andi %min3A_1450, %and3A_1456 : vector<16xi32>
      %shift_left3A_1458 = arith.constant 4 : i32
      %shift_left3A_1459 = vector.broadcast %shift_left3A_1458 : i32 to vector<16xi32>
      %shift_left3A_1460 = arith.shli %and3A_1457, %shift_left3A_1459 : vector<16xi32>
      %shift_right_logical3A_1461 = arith.shrui %gather3A_1454, %shift_left3A_1460 : vector<16xi32>
      %and3A_1462 = arith.constant 65535 : i32
      %and3A_1463 = vector.broadcast %and3A_1462 : i32 to vector<16xi32>
      %and3A_1464 = arith.andi %shift_right_logical3A_1461, %and3A_1463 : vector<16xi32>
      %swap3A_1465 = arith.constant 1 : i32
      %swap3A_1466 = arith.constant 1 : i32
      %swap3A_1467 = arith.index_cast %swap3A_1465 : i32 to index
      %swap3A_1468 = arith.index_cast %swap3A_1466 : i32 to index
      %swap3A_1469 = arith.constant 0 : index
      %swap3A_1470 = tpu.vector_load %arg9[%swap3A_1467, %swap3A_1468, %swap3A_1469] {strides = array<i32>} : memref<2x4x128xi32, #tpu.memory_space<vmem>>, vector<16xi32>,
      tpu.vector_store %arg9[%swap3A_1467, %swap3A_1468, %swap3A_1469], %and3A_1464 {strides = array<i32>} : memref<2x4x128xi32, #tpu.memory_space<vmem>>, vector<16xi32>,
      %get3A_1471 = arith.constant 1 : i32
      %get3A_1472 = arith.index_cast %get3A_1471 : i32 to index
      %get3A_1473 = arith.constant 144 : index
      %get3A_1474 = tpu.vector_load %arg8[%get3A_1472, %get3A_1473] {strides = array<i32>} : memref<2x512xi32, #tpu.memory_space<vmem>>, vector<16xi32>,
      %min3A_1475 = arith.minsi %get3A_1474, %get3A_3 : vector<16xi32>
      %shift_right_logical3A_1476 = arith.constant 1 : i32
      %shift_right_logical3A_1477 = vector.broadcast %shift_right_logical3A_1476 : i32 to vector<16xi32>
      %shift_right_logical3A_1478 = arith.shrui %min3A_1475, %shift_right_logical3A_1477 : vector<16xi32>
      %gather3A_1479 = tpu.vector_load_idx %arg7[%shift_right_logical3A_1478] : memref<50176xi32, #tpu.memory_space<vmem>>[vector<16xi32>], vector<16xi32>,
      %and3A_1480 = arith.constant 1 : i32
      %and3A_1481 = vector.broadcast %and3A_1480 : i32 to vector<16xi32>
      %and3A_1482 = arith.andi %min3A_1475, %and3A_1481 : vector<16xi32>
      %shift_left3A_1483 = arith.constant 4 : i32
      %shift_left3A_1484 = vector.broadcast %shift_left3A_1483 : i32 to vector<16xi32>
      %shift_left3A_1485 = arith.shli %and3A_1482, %shift_left3A_1484 : vector<16xi32>
      %shift_right_logical3A_1486 = arith.shrui %gather3A_1479, %shift_left3A_1485 : vector<16xi32>
      %and3A_1487 = arith.constant 65535 : i32
      %and3A_1488 = vector.broadcast %and3A_1487 : i32 to vector<16xi32>
      %and3A_1489 = arith.andi %shift_right_logical3A_1486, %and3A_1488 : vector<16xi32>
      %swap3A_1490 = arith.constant 1 : i32
      %swap3A_1491 = arith.constant 1 : i32
      %swap3A_1492 = arith.index_cast %swap3A_1490 : i32 to index
      %swap3A_1493 = arith.index_cast %swap3A_1491 : i32 to index
      %swap3A_1494 = arith.constant 16 : index
      %swap3A_1495 = tpu.vector_load %arg9[%swap3A_1492, %swap3A_1493, %swap3A_1494] {strides = array<i32>} : memref<2x4x128xi32, #tpu.memory_space<vmem>>, vector<16xi32>,
      tpu.vector_store %arg9[%swap3A_1492, %swap3A_1493, %swap3A_1494], %and3A_1489 {strides = array<i32>} : memref<2x4x128xi32, #tpu.memory_space<vmem>>, vector<16xi32>,
      %get3A_1496 = arith.constant 1 : i32
      %get3A_1497 = arith.index_cast %get3A_1496 : i32 to index
      %get3A_1498 = arith.constant 160 : index
      %get3A_1499 = tpu.vector_load %arg8[%get3A_1497, %get3A_1498] {strides = array<i32>} : memref<2x512xi32, #tpu.memory_space<vmem>>, vector<16xi32>,
      %min3A_1500 = arith.minsi %get3A_1499, %get3A_3 : vector<16xi32>
      %shift_right_logical3A_1501 = arith.constant 1 : i32
      %shift_right_logical3A_1502 = vector.broadcast %shift_right_logical3A_1501 : i32 to vector<16xi32>
      %shift_right_logical3A_1503 = arith.shrui %min3A_1500, %shift_right_logical3A_1502 : vector<16xi32>
      %gather3A_1504 = tpu.vector_load_idx %arg7[%shift_right_logical3A_1503] : memref<50176xi32, #tpu.memory_space<vmem>>[vector<16xi32>], vector<16xi32>,
      %and3A_1505 = arith.constant 1 : i32
      %and3A_1506 = vector.broadcast %and3A_1505 : i32 to vector<16xi32>
      %and3A_1507 = arith.andi %min3A_1500, %and3A_1506 : vector<16xi32>
      %shift_left3A_1508 = arith.constant 4 : i32
      %shift_left3A_1509 = vector.broadcast %shift_left3A_1508 : i32 to vector<16xi32>
      %shift_left3A_1510 = arith.shli %and3A_1507, %shift_left3A_1509 : vector<16xi32>
      %shift_right_logical3A_1511 = arith.shrui %gather3A_1504, %shift_left3A_1510 : vector<16xi32>
      %and3A_1512 = arith.constant 65535 : i32
      %and3A_1513 = vector.broadcast %and3A_1512 : i32 to vector<16xi32>
      %and3A_1514 = arith.andi %shift_right_logical3A_1511, %and3A_1513 : vector<16xi32>
      %swap3A_1515 = arith.constant 1 : i32
      %swap3A_1516 = arith.constant 1 : i32
      %swap3A_1517 = arith.index_cast %swap3A_1515 : i32 to index
      %swap3A_1518 = arith.index_cast %swap3A_1516 : i32 to index
      %swap3A_1519 = arith.constant 32 : index
      %swap3A_1520 = tpu.vector_load %arg9[%swap3A_1517, %swap3A_1518, %swap3A_1519] {strides = array<i32>} : memref<2x4x128xi32, #tpu.memory_space<vmem>>, vector<16xi32>,
      tpu.vector_store %arg9[%swap3A_1517, %swap3A_1518, %swap3A_1519], %and3A_1514 {strides = array<i32>} : memref<2x4x128xi32, #tpu.memory_space<vmem>>, vector<16xi32>,
      %get3A_1521 = arith.constant 1 : i32
      %get3A_1522 = arith.index_cast %get3A_1521 : i32 to index
      %get3A_1523 = arith.constant 176 : index
      %get3A_1524 = tpu.vector_load %arg8[%get3A_1522, %get3A_1523] {strides = array<i32>} : memref<2x512xi32, #tpu.memory_space<vmem>>, vector<16xi32>,
      %min3A_1525 = arith.minsi %get3A_1524, %get3A_3 : vector<16xi32>
      %shift_right_logical3A_1526 = arith.constant 1 : i32
      %shift_right_logical3A_1527 = vector.broadcast %shift_right_logical3A_1526 : i32 to vector<16xi32>
      %shift_right_logical3A_1528 = arith.shrui %min3A_1525, %shift_right_logical3A_1527 : vector<16xi32>
      %gather3A_1529 = tpu.vector_load_idx %arg7[%shift_right_logical3A_1528] : memref<50176xi32, #tpu.memory_space<vmem>>[vector<16xi32>], vector<16xi32>,
      %and3A_1530 = arith.constant 1 : i32
      %and3A_1531 = vector.broadcast %and3A_1530 : i32 to vector<16xi32>
      %and3A_1532 = arith.andi %min3A_1525, %and3A_1531 : vector<16xi32>
      %shift_left3A_1533 = arith.constant 4 : i32
      %shift_left3A_1534 = vector.broadcast %shift_left3A_1533 : i32 to vector<16xi32>
      %shift_left3A_1535 = arith.shli %and3A_1532, %shift_left3A_1534 : vector<16xi32>
      %shift_right_logical3A_1536 = arith.shrui %gather3A_1529, %shift_left3A_1535 : vector<16xi32>
      %and3A_1537 = arith.constant 65535 : i32
      %and3A_1538 = vector.broadcast %and3A_1537 : i32 to vector<16xi32>
      %and3A_1539 = arith.andi %shift_right_logical3A_1536, %and3A_1538 : vector<16xi32>
      %swap3A_1540 = arith.constant 1 : i32
      %swap3A_1541 = arith.constant 1 : i32
      %swap3A_1542 = arith.index_cast %swap3A_1540 : i32 to index
      %swap3A_1543 = arith.index_cast %swap3A_1541 : i32 to index
      %swap3A_1544 = arith.constant 48 : index
      %swap3A_1545 = tpu.vector_load %arg9[%swap3A_1542, %swap3A_1543, %swap3A_1544] {strides = array<i32>} : memref<2x4x128xi32, #tpu.memory_space<vmem>>, vector<16xi32>,
      tpu.vector_store %arg9[%swap3A_1542, %swap3A_1543, %swap3A_1544], %and3A_1539 {strides = array<i32>} : memref<2x4x128xi32, #tpu.memory_space<vmem>>, vector<16xi32>,
      %get3A_1546 = arith.constant 1 : i32
      %get3A_1547 = arith.index_cast %get3A_1546 : i32 to index
      %get3A_1548 = arith.constant 192 : index
      %get3A_1549 = tpu.vector_load %arg8[%get3A_1547, %get3A_1548] {strides = array<i32>} : memref<2x512xi32, #tpu.memory_space<vmem>>, vector<16xi32>,
      %min3A_1550 = arith.minsi %get3A_1549, %get3A_3 : vector<16xi32>
      %shift_right_logical3A_1551 = arith.constant 1 : i32
      %shift_right_logical3A_1552 = vector.broadcast %shift_right_logical3A_1551 : i32 to vector<16xi32>
      %shift_right_logical3A_1553 = arith.shrui %min3A_1550, %shift_right_logical3A_1552 : vector<16xi32>
      %gather3A_1554 = tpu.vector_load_idx %arg7[%shift_right_logical3A_1553] : memref<50176xi32, #tpu.memory_space<vmem>>[vector<16xi32>], vector<16xi32>,
      %and3A_1555 = arith.constant 1 : i32
      %and3A_1556 = vector.broadcast %and3A_1555 : i32 to vector<16xi32>
      %and3A_1557 = arith.andi %min3A_1550, %and3A_1556 : vector<16xi32>
      %shift_left3A_1558 = arith.constant 4 : i32
      %shift_left3A_1559 = vector.broadcast %shift_left3A_1558 : i32 to vector<16xi32>
      %shift_left3A_1560 = arith.shli %and3A_1557, %shift_left3A_1559 : vector<16xi32>
      %shift_right_logical3A_1561 = arith.shrui %gather3A_1554, %shift_left3A_1560 : vector<16xi32>
      %and3A_1562 = arith.constant 65535 : i32
      %and3A_1563 = vector.broadcast %and3A_1562 : i32 to vector<16xi32>
      %and3A_1564 = arith.andi %shift_right_logical3A_1561, %and3A_1563 : vector<16xi32>
      %swap3A_1565 = arith.constant 1 : i32
      %swap3A_1566 = arith.constant 1 : i32
      %swap3A_1567 = arith.index_cast %swap3A_1565 : i32 to index
      %swap3A_1568 = arith.index_cast %swap3A_1566 : i32 to index
      %swap3A_1569 = arith.constant 64 : index
      %swap3A_1570 = tpu.vector_load %arg9[%swap3A_1567, %swap3A_1568, %swap3A_1569] {strides = array<i32>} : memref<2x4x128xi32, #tpu.memory_space<vmem>>, vector<16xi32>,
      tpu.vector_store %arg9[%swap3A_1567, %swap3A_1568, %swap3A_1569], %and3A_1564 {strides = array<i32>} : memref<2x4x128xi32, #tpu.memory_space<vmem>>, vector<16xi32>,
      %get3A_1571 = arith.constant 1 : i32
      %get3A_1572 = arith.index_cast %get3A_1571 : i32 to index
      %get3A_1573 = arith.constant 208 : index
      %get3A_1574 = tpu.vector_load %arg8[%get3A_1572, %get3A_1573] {strides = array<i32>} : memref<2x512xi32, #tpu.memory_space<vmem>>, vector<16xi32>,
      %min3A_1575 = arith.minsi %get3A_1574, %get3A_3 : vector<16xi32>
      %shift_right_logical3A_1576 = arith.constant 1 : i32
      %shift_right_logical3A_1577 = vector.broadcast %shift_right_logical3A_1576 : i32 to vector<16xi32>
      %shift_right_logical3A_1578 = arith.shrui %min3A_1575, %shift_right_logical3A_1577 : vector<16xi32>
      %gather3A_1579 = tpu.vector_load_idx %arg7[%shift_right_logical3A_1578] : memref<50176xi32, #tpu.memory_space<vmem>>[vector<16xi32>], vector<16xi32>,
      %and3A_1580 = arith.constant 1 : i32
      %and3A_1581 = vector.broadcast %and3A_1580 : i32 to vector<16xi32>
      %and3A_1582 = arith.andi %min3A_1575, %and3A_1581 : vector<16xi32>
      %shift_left3A_1583 = arith.constant 4 : i32
      %shift_left3A_1584 = vector.broadcast %shift_left3A_1583 : i32 to vector<16xi32>
      %shift_left3A_1585 = arith.shli %and3A_1582, %shift_left3A_1584 : vector<16xi32>
      %shift_right_logical3A_1586 = arith.shrui %gather3A_1579, %shift_left3A_1585 : vector<16xi32>
      %and3A_1587 = arith.constant 65535 : i32
      %and3A_1588 = vector.broadcast %and3A_1587 : i32 to vector<16xi32>
      %and3A_1589 = arith.andi %shift_right_logical3A_1586, %and3A_1588 : vector<16xi32>
      %swap3A_1590 = arith.constant 1 : i32
      %swap3A_1591 = arith.constant 1 : i32
      %swap3A_1592 = arith.index_cast %swap3A_1590 : i32 to index
      %swap3A_1593 = arith.index_cast %swap3A_1591 : i32 to index
      %swap3A_1594 = arith.constant 80 : index
      %swap3A_1595 = tpu.vector_load %arg9[%swap3A_1592, %swap3A_1593, %swap3A_1594] {strides = array<i32>} : memref<2x4x128xi32, #tpu.memory_space<vmem>>, vector<16xi32>,
      tpu.vector_store %arg9[%swap3A_1592, %swap3A_1593, %swap3A_1594], %and3A_1589 {strides = array<i32>} : memref<2x4x128xi32, #tpu.memory_space<vmem>>, vector<16xi32>,
      %get3A_1596 = arith.constant 1 : i32
      %get3A_1597 = arith.index_cast %get3A_1596 : i32 to index
      %get3A_1598 = arith.constant 224 : index
      %get3A_1599 = tpu.vector_load %arg8[%get3A_1597, %get3A_1598] {strides = array<i32>} : memref<2x512xi32, #tpu.memory_space<vmem>>, vector<16xi32>,
      %min3A_1600 = arith.minsi %get3A_1599, %get3A_3 : vector<16xi32>
      %shift_right_logical3A_1601 = arith.constant 1 : i32
      %shift_right_logical3A_1602 = vector.broadcast %shift_right_logical3A_1601 : i32 to vector<16xi32>
      %shift_right_logical3A_1603 = arith.shrui %min3A_1600, %shift_right_logical3A_1602 : vector<16xi32>
      %gather3A_1604 = tpu.vector_load_idx %arg7[%shift_right_logical3A_1603] : memref<50176xi32, #tpu.memory_space<vmem>>[vector<16xi32>], vector<16xi32>,
      %and3A_1605 = arith.constant 1 : i32
      %and3A_1606 = vector.broadcast %and3A_1605 : i32 to vector<16xi32>
      %and3A_1607 = arith.andi %min3A_1600, %and3A_1606 : vector<16xi32>
      %shift_left3A_1608 = arith.constant 4 : i32
      %shift_left3A_1609 = vector.broadcast %shift_left3A_1608 : i32 to vector<16xi32>
      %shift_left3A_1610 = arith.shli %and3A_1607, %shift_left3A_1609 : vector<16xi32>
      %shift_right_logical3A_1611 = arith.shrui %gather3A_1604, %shift_left3A_1610 : vector<16xi32>
      %and3A_1612 = arith.constant 65535 : i32
      %and3A_1613 = vector.broadcast %and3A_1612 : i32 to vector<16xi32>
      %and3A_1614 = arith.andi %shift_right_logical3A_1611, %and3A_1613 : vector<16xi32>
      %swap3A_1615 = arith.constant 1 : i32
      %swap3A_1616 = arith.constant 1 : i32
      %swap3A_1617 = arith.index_cast %swap3A_1615 : i32 to index
      %swap3A_1618 = arith.index_cast %swap3A_1616 : i32 to index
      %swap3A_1619 = arith.constant 96 : index
      %swap3A_1620 = tpu.vector_load %arg9[%swap3A_1617, %swap3A_1618, %swap3A_1619] {strides = array<i32>} : memref<2x4x128xi32, #tpu.memory_space<vmem>>, vector<16xi32>,
      tpu.vector_store %arg9[%swap3A_1617, %swap3A_1618, %swap3A_1619], %and3A_1614 {strides = array<i32>} : memref<2x4x128xi32, #tpu.memory_space<vmem>>, vector<16xi32>,
      %get3A_1621 = arith.constant 1 : i32
      %get3A_1622 = arith.index_cast %get3A_1621 : i32 to index
      %get3A_1623 = arith.constant 240 : index
      %get3A_1624 = tpu.vector_load %arg8[%get3A_1622, %get3A_1623] {strides = array<i32>} : memref<2x512xi32, #tpu.memory_space<vmem>>, vector<16xi32>,
      %min3A_1625 = arith.minsi %get3A_1624, %get3A_3 : vector<16xi32>
      %shift_right_logical3A_1626 = arith.constant 1 : i32
      %shift_right_logical3A_1627 = vector.broadcast %shift_right_logical3A_1626 : i32 to vector<16xi32>
      %shift_right_logical3A_1628 = arith.shrui %min3A_1625, %shift_right_logical3A_1627 : vector<16xi32>
      %gather3A_1629 = tpu.vector_load_idx %arg7[%shift_right_logical3A_1628] : memref<50176xi32, #tpu.memory_space<vmem>>[vector<16xi32>], vector<16xi32>,
      %and3A_1630 = arith.constant 1 : i32
      %and3A_1631 = vector.broadcast %and3A_1630 : i32 to vector<16xi32>
      %and3A_1632 = arith.andi %min3A_1625, %and3A_1631 : vector<16xi32>
      %shift_left3A_1633 = arith.constant 4 : i32
      %shift_left3A_1634 = vector.broadcast %shift_left3A_1633 : i32 to vector<16xi32>
      %shift_left3A_1635 = arith.shli %and3A_1632, %shift_left3A_1634 : vector<16xi32>
      %shift_right_logical3A_1636 = arith.shrui %gather3A_1629, %shift_left3A_1635 : vector<16xi32>
      %and3A_1637 = arith.constant 65535 : i32
      %and3A_1638 = vector.broadcast %and3A_1637 : i32 to vector<16xi32>
      %and3A_1639 = arith.andi %shift_right_logical3A_1636, %and3A_1638 : vector<16xi32>
      %swap3A_1640 = arith.constant 1 : i32
      %swap3A_1641 = arith.constant 1 : i32
      %swap3A_1642 = arith.index_cast %swap3A_1640 : i32 to index
      %swap3A_1643 = arith.index_cast %swap3A_1641 : i32 to index
      %swap3A_1644 = arith.constant 112 : index
      %swap3A_1645 = tpu.vector_load %arg9[%swap3A_1642, %swap3A_1643, %swap3A_1644] {strides = array<i32>} : memref<2x4x128xi32, #tpu.memory_space<vmem>>, vector<16xi32>,
      tpu.vector_store %arg9[%swap3A_1642, %swap3A_1643, %swap3A_1644], %and3A_1639 {strides = array<i32>} : memref<2x4x128xi32, #tpu.memory_space<vmem>>, vector<16xi32>,
      %get3A_1646 = arith.constant 1 : i32
      %get3A_1647 = arith.index_cast %get3A_1646 : i32 to index
      %get3A_1648 = arith.constant 256 : index
      %get3A_1649 = tpu.vector_load %arg8[%get3A_1647, %get3A_1648] {strides = array<i32>} : memref<2x512xi32, #tpu.memory_space<vmem>>, vector<16xi32>,
      %min3A_1650 = arith.minsi %get3A_1649, %get3A_3 : vector<16xi32>
      %shift_right_logical3A_1651 = arith.constant 1 : i32
      %shift_right_logical3A_1652 = vector.broadcast %shift_right_logical3A_1651 : i32 to vector<16xi32>
      %shift_right_logical3A_1653 = arith.shrui %min3A_1650, %shift_right_logical3A_1652 : vector<16xi32>
      %gather3A_1654 = tpu.vector_load_idx %arg7[%shift_right_logical3A_1653] : memref<50176xi32, #tpu.memory_space<vmem>>[vector<16xi32>], vector<16xi32>,
      %and3A_1655 = arith.constant 1 : i32
      %and3A_1656 = vector.broadcast %and3A_1655 : i32 to vector<16xi32>
      %and3A_1657 = arith.andi %min3A_1650, %and3A_1656 : vector<16xi32>
      %shift_left3A_1658 = arith.constant 4 : i32
      %shift_left3A_1659 = vector.broadcast %shift_left3A_1658 : i32 to vector<16xi32>
      %shift_left3A_1660 = arith.shli %and3A_1657, %shift_left3A_1659 : vector<16xi32>
      %shift_right_logical3A_1661 = arith.shrui %gather3A_1654, %shift_left3A_1660 : vector<16xi32>
      %and3A_1662 = arith.constant 65535 : i32
      %and3A_1663 = vector.broadcast %and3A_1662 : i32 to vector<16xi32>
      %and3A_1664 = arith.andi %shift_right_logical3A_1661, %and3A_1663 : vector<16xi32>
      %swap3A_1665 = arith.constant 1 : i32
      %swap3A_1666 = arith.constant 2 : i32
      %swap3A_1667 = arith.index_cast %swap3A_1665 : i32 to index
      %swap3A_1668 = arith.index_cast %swap3A_1666 : i32 to index
      %swap3A_1669 = arith.constant 0 : index
      %swap3A_1670 = tpu.vector_load %arg9[%swap3A_1667, %swap3A_1668, %swap3A_1669] {strides = array<i32>} : memref<2x4x128xi32, #tpu.memory_space<vmem>>, vector<16xi32>,
      tpu.vector_store %arg9[%swap3A_1667, %swap3A_1668, %swap3A_1669], %and3A_1664 {strides = array<i32>} : memref<2x4x128xi32, #tpu.memory_space<vmem>>, vector<16xi32>,
      %get3A_1671 = arith.constant 1 : i32
      %get3A_1672 = arith.index_cast %get3A_1671 : i32 to index
      %get3A_1673 = arith.constant 272 : index
      %get3A_1674 = tpu.vector_load %arg8[%get3A_1672, %get3A_1673] {strides = array<i32>} : memref<2x512xi32, #tpu.memory_space<vmem>>, vector<16xi32>,
      %min3A_1675 = arith.minsi %get3A_1674, %get3A_3 : vector<16xi32>
      %shift_right_logical3A_1676 = arith.constant 1 : i32
      %shift_right_logical3A_1677 = vector.broadcast %shift_right_logical3A_1676 : i32 to vector<16xi32>
      %shift_right_logical3A_1678 = arith.shrui %min3A_1675, %shift_right_logical3A_1677 : vector<16xi32>
      %gather3A_1679 = tpu.vector_load_idx %arg7[%shift_right_logical3A_1678] : memref<50176xi32, #tpu.memory_space<vmem>>[vector<16xi32>], vector<16xi32>,
      %and3A_1680 = arith.constant 1 : i32
      %and3A_1681 = vector.broadcast %and3A_1680 : i32 to vector<16xi32>
      %and3A_1682 = arith.andi %min3A_1675, %and3A_1681 : vector<16xi32>
      %shift_left3A_1683 = arith.constant 4 : i32
      %shift_left3A_1684 = vector.broadcast %shift_left3A_1683 : i32 to vector<16xi32>
      %shift_left3A_1685 = arith.shli %and3A_1682, %shift_left3A_1684 : vector<16xi32>
      %shift_right_logical3A_1686 = arith.shrui %gather3A_1679, %shift_left3A_1685 : vector<16xi32>
      %and3A_1687 = arith.constant 65535 : i32
      %and3A_1688 = vector.broadcast %and3A_1687 : i32 to vector<16xi32>
      %and3A_1689 = arith.andi %shift_right_logical3A_1686, %and3A_1688 : vector<16xi32>
      %swap3A_1690 = arith.constant 1 : i32
      %swap3A_1691 = arith.constant 2 : i32
      %swap3A_1692 = arith.index_cast %swap3A_1690 : i32 to index
      %swap3A_1693 = arith.index_cast %swap3A_1691 : i32 to index
      %swap3A_1694 = arith.constant 16 : index
      %swap3A_1695 = tpu.vector_load %arg9[%swap3A_1692, %swap3A_1693, %swap3A_1694] {strides = array<i32>} : memref<2x4x128xi32, #tpu.memory_space<vmem>>, vector<16xi32>,
      tpu.vector_store %arg9[%swap3A_1692, %swap3A_1693, %swap3A_1694], %and3A_1689 {strides = array<i32>} : memref<2x4x128xi32, #tpu.memory_space<vmem>>, vector<16xi32>,
      %get3A_1696 = arith.constant 1 : i32
      %get3A_1697 = arith.index_cast %get3A_1696 : i32 to index
      %get3A_1698 = arith.constant 288 : index
      %get3A_1699 = tpu.vector_load %arg8[%get3A_1697, %get3A_1698] {strides = array<i32>} : memref<2x512xi32, #tpu.memory_space<vmem>>, vector<16xi32>,
      %min3A_1700 = arith.minsi %get3A_1699, %get3A_3 : vector<16xi32>
      %shift_right_logical3A_1701 = arith.constant 1 : i32
      %shift_right_logical3A_1702 = vector.broadcast %shift_right_logical3A_1701 : i32 to vector<16xi32>
      %shift_right_logical3A_1703 = arith.shrui %min3A_1700, %shift_right_logical3A_1702 : vector<16xi32>
      %gather3A_1704 = tpu.vector_load_idx %arg7[%shift_right_logical3A_1703] : memref<50176xi32, #tpu.memory_space<vmem>>[vector<16xi32>], vector<16xi32>,
      %and3A_1705 = arith.constant 1 : i32
      %and3A_1706 = vector.broadcast %and3A_1705 : i32 to vector<16xi32>
      %and3A_1707 = arith.andi %min3A_1700, %and3A_1706 : vector<16xi32>
      %shift_left3A_1708 = arith.constant 4 : i32
      %shift_left3A_1709 = vector.broadcast %shift_left3A_1708 : i32 to vector<16xi32>
      %shift_left3A_1710 = arith.shli %and3A_1707, %shift_left3A_1709 : vector<16xi32>
      %shift_right_logical3A_1711 = arith.shrui %gather3A_1704, %shift_left3A_1710 : vector<16xi32>
      %and3A_1712 = arith.constant 65535 : i32
      %and3A_1713 = vector.broadcast %and3A_1712 : i32 to vector<16xi32>
      %and3A_1714 = arith.andi %shift_right_logical3A_1711, %and3A_1713 : vector<16xi32>
      %swap3A_1715 = arith.constant 1 : i32
      %swap3A_1716 = arith.constant 2 : i32
      %swap3A_1717 = arith.index_cast %swap3A_1715 : i32 to index
      %swap3A_1718 = arith.index_cast %swap3A_1716 : i32 to index
      %swap3A_1719 = arith.constant 32 : index
      %swap3A_1720 = tpu.vector_load %arg9[%swap3A_1717, %swap3A_1718, %swap3A_1719] {strides = array<i32>} : memref<2x4x128xi32, #tpu.memory_space<vmem>>, vector<16xi32>,
      tpu.vector_store %arg9[%swap3A_1717, %swap3A_1718, %swap3A_1719], %and3A_1714 {strides = array<i32>} : memref<2x4x128xi32, #tpu.memory_space<vmem>>, vector<16xi32>,
      %get3A_1721 = arith.constant 1 : i32
      %get3A_1722 = arith.index_cast %get3A_1721 : i32 to index
      %get3A_1723 = arith.constant 304 : index
      %get3A_1724 = tpu.vector_load %arg8[%get3A_1722, %get3A_1723] {strides = array<i32>} : memref<2x512xi32, #tpu.memory_space<vmem>>, vector<16xi32>,
      %min3A_1725 = arith.minsi %get3A_1724, %get3A_3 : vector<16xi32>
      %shift_right_logical3A_1726 = arith.constant 1 : i32
      %shift_right_logical3A_1727 = vector.broadcast %shift_right_logical3A_1726 : i32 to vector<16xi32>
      %shift_right_logical3A_1728 = arith.shrui %min3A_1725, %shift_right_logical3A_1727 : vector<16xi32>
      %gather3A_1729 = tpu.vector_load_idx %arg7[%shift_right_logical3A_1728] : memref<50176xi32, #tpu.memory_space<vmem>>[vector<16xi32>], vector<16xi32>,
      %and3A_1730 = arith.constant 1 : i32
      %and3A_1731 = vector.broadcast %and3A_1730 : i32 to vector<16xi32>
      %and3A_1732 = arith.andi %min3A_1725, %and3A_1731 : vector<16xi32>
      %shift_left3A_1733 = arith.constant 4 : i32
      %shift_left3A_1734 = vector.broadcast %shift_left3A_1733 : i32 to vector<16xi32>
      %shift_left3A_1735 = arith.shli %and3A_1732, %shift_left3A_1734 : vector<16xi32>
      %shift_right_logical3A_1736 = arith.shrui %gather3A_1729, %shift_left3A_1735 : vector<16xi32>
      %and3A_1737 = arith.constant 65535 : i32
      %and3A_1738 = vector.broadcast %and3A_1737 : i32 to vector<16xi32>
      %and3A_1739 = arith.andi %shift_right_logical3A_1736, %and3A_1738 : vector<16xi32>
      %swap3A_1740 = arith.constant 1 : i32
      %swap3A_1741 = arith.constant 2 : i32
      %swap3A_1742 = arith.index_cast %swap3A_1740 : i32 to index
      %swap3A_1743 = arith.index_cast %swap3A_1741 : i32 to index
      %swap3A_1744 = arith.constant 48 : index
      %swap3A_1745 = tpu.vector_load %arg9[%swap3A_1742, %swap3A_1743, %swap3A_1744] {strides = array<i32>} : memref<2x4x128xi32, #tpu.memory_space<vmem>>, vector<16xi32>,
      tpu.vector_store %arg9[%swap3A_1742, %swap3A_1743, %swap3A_1744], %and3A_1739 {strides = array<i32>} : memref<2x4x128xi32, #tpu.memory_space<vmem>>, vector<16xi32>,
      %get3A_1746 = arith.constant 1 : i32
      %get3A_1747 = arith.index_cast %get3A_1746 : i32 to index
      %get3A_1748 = arith.constant 320 : index
      %get3A_1749 = tpu.vector_load %arg8[%get3A_1747, %get3A_1748] {strides = array<i32>} : memref<2x512xi32, #tpu.memory_space<vmem>>, vector<16xi32>,
      %min3A_1750 = arith.minsi %get3A_1749, %get3A_3 : vector<16xi32>
      %shift_right_logical3A_1751 = arith.constant 1 : i32
      %shift_right_logical3A_1752 = vector.broadcast %shift_right_logical3A_1751 : i32 to vector<16xi32>
      %shift_right_logical3A_1753 = arith.shrui %min3A_1750, %shift_right_logical3A_1752 : vector<16xi32>
      %gather3A_1754 = tpu.vector_load_idx %arg7[%shift_right_logical3A_1753] : memref<50176xi32, #tpu.memory_space<vmem>>[vector<16xi32>], vector<16xi32>,
      %and3A_1755 = arith.constant 1 : i32
      %and3A_1756 = vector.broadcast %and3A_1755 : i32 to vector<16xi32>
      %and3A_1757 = arith.andi %min3A_1750, %and3A_1756 : vector<16xi32>
      %shift_left3A_1758 = arith.constant 4 : i32
      %shift_left3A_1759 = vector.broadcast %shift_left3A_1758 : i32 to vector<16xi32>
      %shift_left3A_1760 = arith.shli %and3A_1757, %shift_left3A_1759 : vector<16xi32>
      %shift_right_logical3A_1761 = arith.shrui %gather3A_1754, %shift_left3A_1760 : vector<16xi32>
      %and3A_1762 = arith.constant 65535 : i32
      %and3A_1763 = vector.broadcast %and3A_1762 : i32 to vector<16xi32>
      %and3A_1764 = arith.andi %shift_right_logical3A_1761, %and3A_1763 : vector<16xi32>
      %swap3A_1765 = arith.constant 1 : i32
      %swap3A_1766 = arith.constant 2 : i32
      %swap3A_1767 = arith.index_cast %swap3A_1765 : i32 to index
      %swap3A_1768 = arith.index_cast %swap3A_1766 : i32 to index
      %swap3A_1769 = arith.constant 64 : index
      %swap3A_1770 = tpu.vector_load %arg9[%swap3A_1767, %swap3A_1768, %swap3A_1769] {strides = array<i32>} : memref<2x4x128xi32, #tpu.memory_space<vmem>>, vector<16xi32>,
      tpu.vector_store %arg9[%swap3A_1767, %swap3A_1768, %swap3A_1769], %and3A_1764 {strides = array<i32>} : memref<2x4x128xi32, #tpu.memory_space<vmem>>, vector<16xi32>,
      %get3A_1771 = arith.constant 1 : i32
      %get3A_1772 = arith.index_cast %get3A_1771 : i32 to index
      %get3A_1773 = arith.constant 336 : index
      %get3A_1774 = tpu.vector_load %arg8[%get3A_1772, %get3A_1773] {strides = array<i32>} : memref<2x512xi32, #tpu.memory_space<vmem>>, vector<16xi32>,
      %min3A_1775 = arith.minsi %get3A_1774, %get3A_3 : vector<16xi32>
      %shift_right_logical3A_1776 = arith.constant 1 : i32
      %shift_right_logical3A_1777 = vector.broadcast %shift_right_logical3A_1776 : i32 to vector<16xi32>
      %shift_right_logical3A_1778 = arith.shrui %min3A_1775, %shift_right_logical3A_1777 : vector<16xi32>
      %gather3A_1779 = tpu.vector_load_idx %arg7[%shift_right_logical3A_1778] : memref<50176xi32, #tpu.memory_space<vmem>>[vector<16xi32>], vector<16xi32>,
      %and3A_1780 = arith.constant 1 : i32
      %and3A_1781 = vector.broadcast %and3A_1780 : i32 to vector<16xi32>
      %and3A_1782 = arith.andi %min3A_1775, %and3A_1781 : vector<16xi32>
      %shift_left3A_1783 = arith.constant 4 : i32
      %shift_left3A_1784 = vector.broadcast %shift_left3A_1783 : i32 to vector<16xi32>
      %shift_left3A_1785 = arith.shli %and3A_1782, %shift_left3A_1784 : vector<16xi32>
      %shift_right_logical3A_1786 = arith.shrui %gather3A_1779, %shift_left3A_1785 : vector<16xi32>
      %and3A_1787 = arith.constant 65535 : i32
      %and3A_1788 = vector.broadcast %and3A_1787 : i32 to vector<16xi32>
      %and3A_1789 = arith.andi %shift_right_logical3A_1786, %and3A_1788 : vector<16xi32>
      %swap3A_1790 = arith.constant 1 : i32
      %swap3A_1791 = arith.constant 2 : i32
      %swap3A_1792 = arith.index_cast %swap3A_1790 : i32 to index
      %swap3A_1793 = arith.index_cast %swap3A_1791 : i32 to index
      %swap3A_1794 = arith.constant 80 : index
      %swap3A_1795 = tpu.vector_load %arg9[%swap3A_1792, %swap3A_1793, %swap3A_1794] {strides = array<i32>} : memref<2x4x128xi32, #tpu.memory_space<vmem>>, vector<16xi32>,
      tpu.vector_store %arg9[%swap3A_1792, %swap3A_1793, %swap3A_1794], %and3A_1789 {strides = array<i32>} : memref<2x4x128xi32, #tpu.memory_space<vmem>>, vector<16xi32>,
      %get3A_1796 = arith.constant 1 : i32
      %get3A_1797 = arith.index_cast %get3A_1796 : i32 to index
      %get3A_1798 = arith.constant 352 : index
      %get3A_1799 = tpu.vector_load %arg8[%get3A_1797, %get3A_1798] {strides = array<i32>} : memref<2x512xi32, #tpu.memory_space<vmem>>, vector<16xi32>,
      %min3A_1800 = arith.minsi %get3A_1799, %get3A_3 : vector<16xi32>
      %shift_right_logical3A_1801 = arith.constant 1 : i32
      %shift_right_logical3A_1802 = vector.broadcast %shift_right_logical3A_1801 : i32 to vector<16xi32>
      %shift_right_logical3A_1803 = arith.shrui %min3A_1800, %shift_right_logical3A_1802 : vector<16xi32>
      %gather3A_1804 = tpu.vector_load_idx %arg7[%shift_right_logical3A_1803] : memref<50176xi32, #tpu.memory_space<vmem>>[vector<16xi32>], vector<16xi32>,
      %and3A_1805 = arith.constant 1 : i32
      %and3A_1806 = vector.broadcast %and3A_1805 : i32 to vector<16xi32>
      %and3A_1807 = arith.andi %min3A_1800, %and3A_1806 : vector<16xi32>
      %shift_left3A_1808 = arith.constant 4 : i32
      %shift_left3A_1809 = vector.broadcast %shift_left3A_1808 : i32 to vector<16xi32>
      %shift_left3A_1810 = arith.shli %and3A_1807, %shift_left3A_1809 : vector<16xi32>
      %shift_right_logical3A_1811 = arith.shrui %gather3A_1804, %shift_left3A_1810 : vector<16xi32>
      %and3A_1812 = arith.constant 65535 : i32
      %and3A_1813 = vector.broadcast %and3A_1812 : i32 to vector<16xi32>
      %and3A_1814 = arith.andi %shift_right_logical3A_1811, %and3A_1813 : vector<16xi32>
      %swap3A_1815 = arith.constant 1 : i32
      %swap3A_1816 = arith.constant 2 : i32
      %swap3A_1817 = arith.index_cast %swap3A_1815 : i32 to index
      %swap3A_1818 = arith.index_cast %swap3A_1816 : i32 to index
      %swap3A_1819 = arith.constant 96 : index
      %swap3A_1820 = tpu.vector_load %arg9[%swap3A_1817, %swap3A_1818, %swap3A_1819] {strides = array<i32>} : memref<2x4x128xi32, #tpu.memory_space<vmem>>, vector<16xi32>,
      tpu.vector_store %arg9[%swap3A_1817, %swap3A_1818, %swap3A_1819], %and3A_1814 {strides = array<i32>} : memref<2x4x128xi32, #tpu.memory_space<vmem>>, vector<16xi32>,
      %get3A_1821 = arith.constant 1 : i32
      %get3A_1822 = arith.index_cast %get3A_1821 : i32 to index
      %get3A_1823 = arith.constant 368 : index
      %get3A_1824 = tpu.vector_load %arg8[%get3A_1822, %get3A_1823] {strides = array<i32>} : memref<2x512xi32, #tpu.memory_space<vmem>>, vector<16xi32>,
      %min3A_1825 = arith.minsi %get3A_1824, %get3A_3 : vector<16xi32>
      %shift_right_logical3A_1826 = arith.constant 1 : i32
      %shift_right_logical3A_1827 = vector.broadcast %shift_right_logical3A_1826 : i32 to vector<16xi32>
      %shift_right_logical3A_1828 = arith.shrui %min3A_1825, %shift_right_logical3A_1827 : vector<16xi32>
      %gather3A_1829 = tpu.vector_load_idx %arg7[%shift_right_logical3A_1828] : memref<50176xi32, #tpu.memory_space<vmem>>[vector<16xi32>], vector<16xi32>,
      %and3A_1830 = arith.constant 1 : i32
      %and3A_1831 = vector.broadcast %and3A_1830 : i32 to vector<16xi32>
      %and3A_1832 = arith.andi %min3A_1825, %and3A_1831 : vector<16xi32>
      %shift_left3A_1833 = arith.constant 4 : i32
      %shift_left3A_1834 = vector.broadcast %shift_left3A_1833 : i32 to vector<16xi32>
      %shift_left3A_1835 = arith.shli %and3A_1832, %shift_left3A_1834 : vector<16xi32>
      %shift_right_logical3A_1836 = arith.shrui %gather3A_1829, %shift_left3A_1835 : vector<16xi32>
      %and3A_1837 = arith.constant 65535 : i32
      %and3A_1838 = vector.broadcast %and3A_1837 : i32 to vector<16xi32>
      %and3A_1839 = arith.andi %shift_right_logical3A_1836, %and3A_1838 : vector<16xi32>
      %swap3A_1840 = arith.constant 1 : i32
      %swap3A_1841 = arith.constant 2 : i32
      %swap3A_1842 = arith.index_cast %swap3A_1840 : i32 to index
      %swap3A_1843 = arith.index_cast %swap3A_1841 : i32 to index
      %swap3A_1844 = arith.constant 112 : index
      %swap3A_1845 = tpu.vector_load %arg9[%swap3A_1842, %swap3A_1843, %swap3A_1844] {strides = array<i32>} : memref<2x4x128xi32, #tpu.memory_space<vmem>>, vector<16xi32>,
      tpu.vector_store %arg9[%swap3A_1842, %swap3A_1843, %swap3A_1844], %and3A_1839 {strides = array<i32>} : memref<2x4x128xi32, #tpu.memory_space<vmem>>, vector<16xi32>,
      %get3A_1846 = arith.constant 1 : i32
      %get3A_1847 = arith.index_cast %get3A_1846 : i32 to index
      %get3A_1848 = arith.constant 384 : index
      %get3A_1849 = tpu.vector_load %arg8[%get3A_1847, %get3A_1848] {strides = array<i32>} : memref<2x512xi32, #tpu.memory_space<vmem>>, vector<16xi32>,
      %min3A_1850 = arith.minsi %get3A_1849, %get3A_3 : vector<16xi32>
      %shift_right_logical3A_1851 = arith.constant 1 : i32
      %shift_right_logical3A_1852 = vector.broadcast %shift_right_logical3A_1851 : i32 to vector<16xi32>
      %shift_right_logical3A_1853 = arith.shrui %min3A_1850, %shift_right_logical3A_1852 : vector<16xi32>
      %gather3A_1854 = tpu.vector_load_idx %arg7[%shift_right_logical3A_1853] : memref<50176xi32, #tpu.memory_space<vmem>>[vector<16xi32>], vector<16xi32>,
      %and3A_1855 = arith.constant 1 : i32
      %and3A_1856 = vector.broadcast %and3A_1855 : i32 to vector<16xi32>
      %and3A_1857 = arith.andi %min3A_1850, %and3A_1856 : vector<16xi32>
      %shift_left3A_1858 = arith.constant 4 : i32
      %shift_left3A_1859 = vector.broadcast %shift_left3A_1858 : i32 to vector<16xi32>
      %shift_left3A_1860 = arith.shli %and3A_1857, %shift_left3A_1859 : vector<16xi32>
      %shift_right_logical3A_1861 = arith.shrui %gather3A_1854, %shift_left3A_1860 : vector<16xi32>
      %and3A_1862 = arith.constant 65535 : i32
      %and3A_1863 = vector.broadcast %and3A_1862 : i32 to vector<16xi32>
      %and3A_1864 = arith.andi %shift_right_logical3A_1861, %and3A_1863 : vector<16xi32>
      %swap3A_1865 = arith.constant 1 : i32
      %swap3A_1866 = arith.constant 3 : i32
      %swap3A_1867 = arith.index_cast %swap3A_1865 : i32 to index
      %swap3A_1868 = arith.index_cast %swap3A_1866 : i32 to index
      %swap3A_1869 = arith.constant 0 : index
      %swap3A_1870 = tpu.vector_load %arg9[%swap3A_1867, %swap3A_1868, %swap3A_1869] {strides = array<i32>} : memref<2x4x128xi32, #tpu.memory_space<vmem>>, vector<16xi32>,
      tpu.vector_store %arg9[%swap3A_1867, %swap3A_1868, %swap3A_1869], %and3A_1864 {strides = array<i32>} : memref<2x4x128xi32, #tpu.memory_space<vmem>>, vector<16xi32>,
      %get3A_1871 = arith.constant 1 : i32
      %get3A_1872 = arith.index_cast %get3A_1871 : i32 to index
      %get3A_1873 = arith.constant 400 : index
      %get3A_1874 = tpu.vector_load %arg8[%get3A_1872, %get3A_1873] {strides = array<i32>} : memref<2x512xi32, #tpu.memory_space<vmem>>, vector<16xi32>,
      %min3A_1875 = arith.minsi %get3A_1874, %get3A_3 : vector<16xi32>
      %shift_right_logical3A_1876 = arith.constant 1 : i32
      %shift_right_logical3A_1877 = vector.broadcast %shift_right_logical3A_1876 : i32 to vector<16xi32>
      %shift_right_logical3A_1878 = arith.shrui %min3A_1875, %shift_right_logical3A_1877 : vector<16xi32>
      %gather3A_1879 = tpu.vector_load_idx %arg7[%shift_right_logical3A_1878] : memref<50176xi32, #tpu.memory_space<vmem>>[vector<16xi32>], vector<16xi32>,
      %and3A_1880 = arith.constant 1 : i32
      %and3A_1881 = vector.broadcast %and3A_1880 : i32 to vector<16xi32>
      %and3A_1882 = arith.andi %min3A_1875, %and3A_1881 : vector<16xi32>
      %shift_left3A_1883 = arith.constant 4 : i32
      %shift_left3A_1884 = vector.broadcast %shift_left3A_1883 : i32 to vector<16xi32>
      %shift_left3A_1885 = arith.shli %and3A_1882, %shift_left3A_1884 : vector<16xi32>
      %shift_right_logical3A_1886 = arith.shrui %gather3A_1879, %shift_left3A_1885 : vector<16xi32>
      %and3A_1887 = arith.constant 65535 : i32
      %and3A_1888 = vector.broadcast %and3A_1887 : i32 to vector<16xi32>
      %and3A_1889 = arith.andi %shift_right_logical3A_1886, %and3A_1888 : vector<16xi32>
      %swap3A_1890 = arith.constant 1 : i32
      %swap3A_1891 = arith.constant 3 : i32
      %swap3A_1892 = arith.index_cast %swap3A_1890 : i32 to index
      %swap3A_1893 = arith.index_cast %swap3A_1891 : i32 to index
      %swap3A_1894 = arith.constant 16 : index
      %swap3A_1895 = tpu.vector_load %arg9[%swap3A_1892, %swap3A_1893, %swap3A_1894] {strides = array<i32>} : memref<2x4x128xi32, #tpu.memory_space<vmem>>, vector<16xi32>,
      tpu.vector_store %arg9[%swap3A_1892, %swap3A_1893, %swap3A_1894], %and3A_1889 {strides = array<i32>} : memref<2x4x128xi32, #tpu.memory_space<vmem>>, vector<16xi32>,
      %get3A_1896 = arith.constant 1 : i32
      %get3A_1897 = arith.index_cast %get3A_1896 : i32 to index
      %get3A_1898 = arith.constant 416 : index
      %get3A_1899 = tpu.vector_load %arg8[%get3A_1897, %get3A_1898] {strides = array<i32>} : memref<2x512xi32, #tpu.memory_space<vmem>>, vector<16xi32>,
      %min3A_1900 = arith.minsi %get3A_1899, %get3A_3 : vector<16xi32>
      %shift_right_logical3A_1901 = arith.constant 1 : i32
      %shift_right_logical3A_1902 = vector.broadcast %shift_right_logical3A_1901 : i32 to vector<16xi32>
      %shift_right_logical3A_1903 = arith.shrui %min3A_1900, %shift_right_logical3A_1902 : vector<16xi32>
      %gather3A_1904 = tpu.vector_load_idx %arg7[%shift_right_logical3A_1903] : memref<50176xi32, #tpu.memory_space<vmem>>[vector<16xi32>], vector<16xi32>,
      %and3A_1905 = arith.constant 1 : i32
      %and3A_1906 = vector.broadcast %and3A_1905 : i32 to vector<16xi32>
      %and3A_1907 = arith.andi %min3A_1900, %and3A_1906 : vector<16xi32>
      %shift_left3A_1908 = arith.constant 4 : i32
      %shift_left3A_1909 = vector.broadcast %shift_left3A_1908 : i32 to vector<16xi32>
      %shift_left3A_1910 = arith.shli %and3A_1907, %shift_left3A_1909 : vector<16xi32>
      %shift_right_logical3A_1911 = arith.shrui %gather3A_1904, %shift_left3A_1910 : vector<16xi32>
      %and3A_1912 = arith.constant 65535 : i32
      %and3A_1913 = vector.broadcast %and3A_1912 : i32 to vector<16xi32>
      %and3A_1914 = arith.andi %shift_right_logical3A_1911, %and3A_1913 : vector<16xi32>
      %swap3A_1915 = arith.constant 1 : i32
      %swap3A_1916 = arith.constant 3 : i32
      %swap3A_1917 = arith.index_cast %swap3A_1915 : i32 to index
      %swap3A_1918 = arith.index_cast %swap3A_1916 : i32 to index
      %swap3A_1919 = arith.constant 32 : index
      %swap3A_1920 = tpu.vector_load %arg9[%swap3A_1917, %swap3A_1918, %swap3A_1919] {strides = array<i32>} : memref<2x4x128xi32, #tpu.memory_space<vmem>>, vector<16xi32>,
      tpu.vector_store %arg9[%swap3A_1917, %swap3A_1918, %swap3A_1919], %and3A_1914 {strides = array<i32>} : memref<2x4x128xi32, #tpu.memory_space<vmem>>, vector<16xi32>,
      %get3A_1921 = arith.constant 1 : i32
      %get3A_1922 = arith.index_cast %get3A_1921 : i32 to index
      %get3A_1923 = arith.constant 432 : index
      %get3A_1924 = tpu.vector_load %arg8[%get3A_1922, %get3A_1923] {strides = array<i32>} : memref<2x512xi32, #tpu.memory_space<vmem>>, vector<16xi32>,
      %min3A_1925 = arith.minsi %get3A_1924, %get3A_3 : vector<16xi32>
      %shift_right_logical3A_1926 = arith.constant 1 : i32
      %shift_right_logical3A_1927 = vector.broadcast %shift_right_logical3A_1926 : i32 to vector<16xi32>
      %shift_right_logical3A_1928 = arith.shrui %min3A_1925, %shift_right_logical3A_1927 : vector<16xi32>
      %gather3A_1929 = tpu.vector_load_idx %arg7[%shift_right_logical3A_1928] : memref<50176xi32, #tpu.memory_space<vmem>>[vector<16xi32>], vector<16xi32>,
      %and3A_1930 = arith.constant 1 : i32
      %and3A_1931 = vector.broadcast %and3A_1930 : i32 to vector<16xi32>
      %and3A_1932 = arith.andi %min3A_1925, %and3A_1931 : vector<16xi32>
      %shift_left3A_1933 = arith.constant 4 : i32
      %shift_left3A_1934 = vector.broadcast %shift_left3A_1933 : i32 to vector<16xi32>
      %shift_left3A_1935 = arith.shli %and3A_1932, %shift_left3A_1934 : vector<16xi32>
      %shift_right_logical3A_1936 = arith.shrui %gather3A_1929, %shift_left3A_1935 : vector<16xi32>
      %and3A_1937 = arith.constant 65535 : i32
      %and3A_1938 = vector.broadcast %and3A_1937 : i32 to vector<16xi32>
      %and3A_1939 = arith.andi %shift_right_logical3A_1936, %and3A_1938 : vector<16xi32>
      %swap3A_1940 = arith.constant 1 : i32
      %swap3A_1941 = arith.constant 3 : i32
      %swap3A_1942 = arith.index_cast %swap3A_1940 : i32 to index
      %swap3A_1943 = arith.index_cast %swap3A_1941 : i32 to index
      %swap3A_1944 = arith.constant 48 : index
      %swap3A_1945 = tpu.vector_load %arg9[%swap3A_1942, %swap3A_1943, %swap3A_1944] {strides = array<i32>} : memref<2x4x128xi32, #tpu.memory_space<vmem>>, vector<16xi32>,
      tpu.vector_store %arg9[%swap3A_1942, %swap3A_1943, %swap3A_1944], %and3A_1939 {strides = array<i32>} : memref<2x4x128xi32, #tpu.memory_space<vmem>>, vector<16xi32>,
      %get3A_1946 = arith.constant 1 : i32
      %get3A_1947 = arith.index_cast %get3A_1946 : i32 to index
      %get3A_1948 = arith.constant 448 : index
      %get3A_1949 = tpu.vector_load %arg8[%get3A_1947, %get3A_1948] {strides = array<i32>} : memref<2x512xi32, #tpu.memory_space<vmem>>, vector<16xi32>,
      %min3A_1950 = arith.minsi %get3A_1949, %get3A_3 : vector<16xi32>
      %shift_right_logical3A_1951 = arith.constant 1 : i32
      %shift_right_logical3A_1952 = vector.broadcast %shift_right_logical3A_1951 : i32 to vector<16xi32>
      %shift_right_logical3A_1953 = arith.shrui %min3A_1950, %shift_right_logical3A_1952 : vector<16xi32>
      %gather3A_1954 = tpu.vector_load_idx %arg7[%shift_right_logical3A_1953] : memref<50176xi32, #tpu.memory_space<vmem>>[vector<16xi32>], vector<16xi32>,
      %and3A_1955 = arith.constant 1 : i32
      %and3A_1956 = vector.broadcast %and3A_1955 : i32 to vector<16xi32>
      %and3A_1957 = arith.andi %min3A_1950, %and3A_1956 : vector<16xi32>
      %shift_left3A_1958 = arith.constant 4 : i32
      %shift_left3A_1959 = vector.broadcast %shift_left3A_1958 : i32 to vector<16xi32>
      %shift_left3A_1960 = arith.shli %and3A_1957, %shift_left3A_1959 : vector<16xi32>
      %shift_right_logical3A_1961 = arith.shrui %gather3A_1954, %shift_left3A_1960 : vector<16xi32>
      %and3A_1962 = arith.constant 65535 : i32
      %and3A_1963 = vector.broadcast %and3A_1962 : i32 to vector<16xi32>
      %and3A_1964 = arith.andi %shift_right_logical3A_1961, %and3A_1963 : vector<16xi32>
      %swap3A_1965 = arith.constant 1 : i32
      %swap3A_1966 = arith.constant 3 : i32
      %swap3A_1967 = arith.index_cast %swap3A_1965 : i32 to index
      %swap3A_1968 = arith.index_cast %swap3A_1966 : i32 to index
      %swap3A_1969 = arith.constant 64 : index
      %swap3A_1970 = tpu.vector_load %arg9[%swap3A_1967, %swap3A_1968, %swap3A_1969] {strides = array<i32>} : memref<2x4x128xi32, #tpu.memory_space<vmem>>, vector<16xi32>,
      tpu.vector_store %arg9[%swap3A_1967, %swap3A_1968, %swap3A_1969], %and3A_1964 {strides = array<i32>} : memref<2x4x128xi32, #tpu.memory_space<vmem>>, vector<16xi32>,
      %get3A_1971 = arith.constant 1 : i32
      %get3A_1972 = arith.index_cast %get3A_1971 : i32 to index
      %get3A_1973 = arith.constant 464 : index
      %get3A_1974 = tpu.vector_load %arg8[%get3A_1972, %get3A_1973] {strides = array<i32>} : memref<2x512xi32, #tpu.memory_space<vmem>>, vector<16xi32>,
      %min3A_1975 = arith.minsi %get3A_1974, %get3A_3 : vector<16xi32>
      %shift_right_logical3A_1976 = arith.constant 1 : i32
      %shift_right_logical3A_1977 = vector.broadcast %shift_right_logical3A_1976 : i32 to vector<16xi32>
      %shift_right_logical3A_1978 = arith.shrui %min3A_1975, %shift_right_logical3A_1977 : vector<16xi32>
      %gather3A_1979 = tpu.vector_load_idx %arg7[%shift_right_logical3A_1978] : memref<50176xi32, #tpu.memory_space<vmem>>[vector<16xi32>], vector<16xi32>,
      %and3A_1980 = arith.constant 1 : i32
      %and3A_1981 = vector.broadcast %and3A_1980 : i32 to vector<16xi32>
      %and3A_1982 = arith.andi %min3A_1975, %and3A_1981 : vector<16xi32>
      %shift_left3A_1983 = arith.constant 4 : i32
      %shift_left3A_1984 = vector.broadcast %shift_left3A_1983 : i32 to vector<16xi32>
      %shift_left3A_1985 = arith.shli %and3A_1982, %shift_left3A_1984 : vector<16xi32>
      %shift_right_logical3A_1986 = arith.shrui %gather3A_1979, %shift_left3A_1985 : vector<16xi32>
      %and3A_1987 = arith.constant 65535 : i32
      %and3A_1988 = vector.broadcast %and3A_1987 : i32 to vector<16xi32>
      %and3A_1989 = arith.andi %shift_right_logical3A_1986, %and3A_1988 : vector<16xi32>
      %swap3A_1990 = arith.constant 1 : i32
      %swap3A_1991 = arith.constant 3 : i32
      %swap3A_1992 = arith.index_cast %swap3A_1990 : i32 to index
      %swap3A_1993 = arith.index_cast %swap3A_1991 : i32 to index
      %swap3A_1994 = arith.constant 80 : index
      %swap3A_1995 = tpu.vector_load %arg9[%swap3A_1992, %swap3A_1993, %swap3A_1994] {strides = array<i32>} : memref<2x4x128xi32, #tpu.memory_space<vmem>>, vector<16xi32>,
      tpu.vector_store %arg9[%swap3A_1992, %swap3A_1993, %swap3A_1994], %and3A_1989 {strides = array<i32>} : memref<2x4x128xi32, #tpu.memory_space<vmem>>, vector<16xi32>,
      %get3A_1996 = arith.constant 1 : i32
      %get3A_1997 = arith.index_cast %get3A_1996 : i32 to index
      %get3A_1998 = arith.constant 480 : index
      %get3A_1999 = tpu.vector_load %arg8[%get3A_1997, %get3A_1998] {strides = array<i32>} : memref<2x512xi32, #tpu.memory_space<vmem>>, vector<16xi32>,
      %min3A_2000 = arith.minsi %get3A_1999, %get3A_3 : vector<16xi32>
      %shift_right_logical3A_2001 = arith.constant 1 : i32
      %shift_right_logical3A_2002 = vector.broadcast %shift_right_logical3A_2001 : i32 to vector<16xi32>
      %shift_right_logical3A_2003 = arith.shrui %min3A_2000, %shift_right_logical3A_2002 : vector<16xi32>
      %gather3A_2004 = tpu.vector_load_idx %arg7[%shift_right_logical3A_2003] : memref<50176xi32, #tpu.memory_space<vmem>>[vector<16xi32>], vector<16xi32>,
      %and3A_2005 = arith.constant 1 : i32
      %and3A_2006 = vector.broadcast %and3A_2005 : i32 to vector<16xi32>
      %and3A_2007 = arith.andi %min3A_2000, %and3A_2006 : vector<16xi32>
      %shift_left3A_2008 = arith.constant 4 : i32
      %shift_left3A_2009 = vector.broadcast %shift_left3A_2008 : i32 to vector<16xi32>
      %shift_left3A_2010 = arith.shli %and3A_2007, %shift_left3A_2009 : vector<16xi32>
      %shift_right_logical3A_2011 = arith.shrui %gather3A_2004, %shift_left3A_2010 : vector<16xi32>
      %and3A_2012 = arith.constant 65535 : i32
      %and3A_2013 = vector.broadcast %and3A_2012 : i32 to vector<16xi32>
      %and3A_2014 = arith.andi %shift_right_logical3A_2011, %and3A_2013 : vector<16xi32>
      %swap3A_2015 = arith.constant 1 : i32
      %swap3A_2016 = arith.constant 3 : i32
      %swap3A_2017 = arith.index_cast %swap3A_2015 : i32 to index
      %swap3A_2018 = arith.index_cast %swap3A_2016 : i32 to index
      %swap3A_2019 = arith.constant 96 : index
      %swap3A_2020 = tpu.vector_load %arg9[%swap3A_2017, %swap3A_2018, %swap3A_2019] {strides = array<i32>} : memref<2x4x128xi32, #tpu.memory_space<vmem>>, vector<16xi32>,
      tpu.vector_store %arg9[%swap3A_2017, %swap3A_2018, %swap3A_2019], %and3A_2014 {strides = array<i32>} : memref<2x4x128xi32, #tpu.memory_space<vmem>>, vector<16xi32>,
      %get3A_2021 = arith.constant 1 : i32
      %get3A_2022 = arith.index_cast %get3A_2021 : i32 to index
      %get3A_2023 = arith.constant 496 : index
      %get3A_2024 = tpu.vector_load %arg8[%get3A_2022, %get3A_2023] {strides = array<i32>} : memref<2x512xi32, #tpu.memory_space<vmem>>, vector<16xi32>,
      %min3A_2025 = arith.minsi %get3A_2024, %get3A_3 : vector<16xi32>
      %shift_right_logical3A_2026 = arith.constant 1 : i32
      %shift_right_logical3A_2027 = vector.broadcast %shift_right_logical3A_2026 : i32 to vector<16xi32>
      %shift_right_logical3A_2028 = arith.shrui %min3A_2025, %shift_right_logical3A_2027 : vector<16xi32>
      %gather3A_2029 = tpu.vector_load_idx %arg7[%shift_right_logical3A_2028] : memref<50176xi32, #tpu.memory_space<vmem>>[vector<16xi32>], vector<16xi32>,
      %and3A_2030 = arith.constant 1 : i32
      %and3A_2031 = vector.broadcast %and3A_2030 : i32 to vector<16xi32>
      %and3A_2032 = arith.andi %min3A_2025, %and3A_2031 : vector<16xi32>
      %shift_left3A_2033 = arith.constant 4 : i32
      %shift_left3A_2034 = vector.broadcast %shift_left3A_2033 : i32 to vector<16xi32>
      %shift_left3A_2035 = arith.shli %and3A_2032, %shift_left3A_2034 : vector<16xi32>
      %shift_right_logical3A_2036 = arith.shrui %gather3A_2029, %shift_left3A_2035 : vector<16xi32>
      %and3A_2037 = arith.constant 65535 : i32
      %and3A_2038 = vector.broadcast %and3A_2037 : i32 to vector<16xi32>
      %and3A_2039 = arith.andi %shift_right_logical3A_2036, %and3A_2038 : vector<16xi32>
      %swap3A_2040 = arith.constant 1 : i32
      %swap3A_2041 = arith.constant 3 : i32
      %swap3A_2042 = arith.index_cast %swap3A_2040 : i32 to index
      %swap3A_2043 = arith.index_cast %swap3A_2041 : i32 to index
      %swap3A_2044 = arith.constant 112 : index
      %swap3A_2045 = tpu.vector_load %arg9[%swap3A_2042, %swap3A_2043, %swap3A_2044] {strides = array<i32>} : memref<2x4x128xi32, #tpu.memory_space<vmem>>, vector<16xi32>,
      tpu.vector_store %arg9[%swap3A_2042, %swap3A_2043, %swap3A_2044], %and3A_2039 {strides = array<i32>} : memref<2x4x128xi32, #tpu.memory_space<vmem>>, vector<16xi32>,
      %gt3A_2046 = arith.constant 0 : i32
      %gt3A_2047 = arith.cmpi sgt, %scan3A_330, %gt3A_2046 : i32
      %convert_element_type3A_2048 = arith.extui %gt3A_2047 : i1 to i32
      %cond3A_2049 = arith.constant 0 : i32
      %cond3A_2050 = arith.cmpi ne, %convert_element_type3A_2048, %cond3A_2049 : i32
      scf.if %cond3A_2050 {
        %sub3A = arith.constant 2 : i32
        %sub3A_2123 = arith.subi %add3A_1226, %sub3A : i32
        %mul3A_2124 = arith.constant 512 : i32
        %mul3A_2125 = arith.muli %sub3A_2123, %mul3A_2124 : i32
        %add3A_2126 = arith.addi %mul3A_2, %mul3A_2125 : i32
        %add3A_2127 = arith.constant 0 : i32
        %add3A_2128 = arith.addi %add3A_2126, %add3A_2127 : i32
        %dma_wait3A_2129 = arith.constant 1 : i32
        %dma_wait3A_2130 = arith.constant 0 : i32
        %dma_wait3A_2131 = arith.constant 0 : i32
        %dma_wait3A_2132 = arith.constant 0 : i32
        %dma_wait3A_2133 = tpu.memref_slice %arg10[%dma_wait3A_2129, %dma_wait3A_2130, %dma_wait3A_2131, %dma_wait3A_2132] : memref<2x4x128x64xf32, #tpu.memory_space<vmem>> -> memref<1x1x128x64xf32, #tpu.memory_space<vmem>>
        %dma_wait3A_2134 = tpu.memref_squeeze %dma_wait3A_2133 : memref<1x1x128x64xf32, #tpu.memory_space<vmem>> -> memref<128x64xf32, #tpu.memory_space<vmem>>
        %dma_wait3A_2135 = arith.constant 0 : i32
        %dma_wait3A_2136 = tpu.memref_slice %arg6[%add3A_2128, %dma_wait3A_2135] : memref<3276800x128xf32, #tpu.memory_space<hbm>> -> memref<128x64xf32, #tpu.memory_space<hbm>>
        %dma_wait3A_2137 = arith.constant 0 : i32
        %dma_wait3A_2138 = tpu.memref_slice %arg6[%add3A_2128, %dma_wait3A_2137] : memref<3276800x128xf32, #tpu.memory_space<hbm>> -> memref<128x64xf32, #tpu.memory_space<hbm>>
        %dma_wait3A_2139 = arith.constant 0 : i32
        %dma_wait3A_2140 = arith.constant 0 : i32
        %dma_wait3A_2141 = tpu.memref_slice %arg10[%dma_wait3A_2129, %dma_wait3A_2130, %dma_wait3A_2139, %dma_wait3A_2140] : memref<2x4x128x64xf32, #tpu.memory_space<vmem>> -> memref<1x1x128x64xf32, #tpu.memory_space<vmem>>
        %dma_wait3A_2142 = tpu.memref_squeeze %dma_wait3A_2141 : memref<1x1x128x64xf32, #tpu.memory_space<vmem>> -> memref<128x64xf32, #tpu.memory_space<vmem>>
        tpu.wait_dma2 semaphore(%arg17 : memref<!tpu.dma_semaphore, #tpu.memory_space<semaphore_mem>>) src(%dma_wait3A_2142 : memref<128x64xf32, #tpu.memory_space<vmem>>) dst(%dma_wait3A_2138 : memref<128x64xf32, #tpu.memory_space<hbm>>)
        %mul3A_2143 = arith.constant 512 : i32
        %mul3A_2144 = arith.muli %sub3A_2123, %mul3A_2143 : i32
        %add3A_2145 = arith.addi %mul3A_2, %mul3A_2144 : i32
        %add3A_2146 = arith.constant 128 : i32
        %add3A_2147 = arith.addi %add3A_2145, %add3A_2146 : i32
        %dma_wait3A_2148 = arith.constant 1 : i32
        %dma_wait3A_2149 = arith.constant 1 : i32
        %dma_wait3A_2150 = arith.constant 0 : i32
        %dma_wait3A_2151 = arith.constant 0 : i32
        %dma_wait3A_2152 = tpu.memref_slice %arg10[%dma_wait3A_2148, %dma_wait3A_2149, %dma_wait3A_2150, %dma_wait3A_2151] : memref<2x4x128x64xf32, #tpu.memory_space<vmem>> -> memref<1x1x128x64xf32, #tpu.memory_space<vmem>>
        %dma_wait3A_2153 = tpu.memref_squeeze %dma_wait3A_2152 : memref<1x1x128x64xf32, #tpu.memory_space<vmem>> -> memref<128x64xf32, #tpu.memory_space<vmem>>
        %dma_wait3A_2154 = arith.constant 0 : i32
        %dma_wait3A_2155 = tpu.memref_slice %arg6[%add3A_2147, %dma_wait3A_2154] : memref<3276800x128xf32, #tpu.memory_space<hbm>> -> memref<128x64xf32, #tpu.memory_space<hbm>>
        %dma_wait3A_2156 = arith.constant 0 : i32
        %dma_wait3A_2157 = tpu.memref_slice %arg6[%add3A_2147, %dma_wait3A_2156] : memref<3276800x128xf32, #tpu.memory_space<hbm>> -> memref<128x64xf32, #tpu.memory_space<hbm>>
        %dma_wait3A_2158 = arith.constant 0 : i32
        %dma_wait3A_2159 = arith.constant 0 : i32
        %dma_wait3A_2160 = tpu.memref_slice %arg10[%dma_wait3A_2148, %dma_wait3A_2149, %dma_wait3A_2158, %dma_wait3A_2159] : memref<2x4x128x64xf32, #tpu.memory_space<vmem>> -> memref<1x1x128x64xf32, #tpu.memory_space<vmem>>
        %dma_wait3A_2161 = tpu.memref_squeeze %dma_wait3A_2160 : memref<1x1x128x64xf32, #tpu.memory_space<vmem>> -> memref<128x64xf32, #tpu.memory_space<vmem>>
        tpu.wait_dma2 semaphore(%arg17 : memref<!tpu.dma_semaphore, #tpu.memory_space<semaphore_mem>>) src(%dma_wait3A_2161 : memref<128x64xf32, #tpu.memory_space<vmem>>) dst(%dma_wait3A_2157 : memref<128x64xf32, #tpu.memory_space<hbm>>)
        %mul3A_2162 = arith.constant 512 : i32
        %mul3A_2163 = arith.muli %sub3A_2123, %mul3A_2162 : i32
        %add3A_2164 = arith.addi %mul3A_2, %mul3A_2163 : i32
        %add3A_2165 = arith.constant 256 : i32
        %add3A_2166 = arith.addi %add3A_2164, %add3A_2165 : i32
        %dma_wait3A_2167 = arith.constant 1 : i32
        %dma_wait3A_2168 = arith.constant 2 : i32
        %dma_wait3A_2169 = arith.constant 0 : i32
        %dma_wait3A_2170 = arith.constant 0 : i32
        %dma_wait3A_2171 = tpu.memref_slice %arg10[%dma_wait3A_2167, %dma_wait3A_2168, %dma_wait3A_2169, %dma_wait3A_2170] : memref<2x4x128x64xf32, #tpu.memory_space<vmem>> -> memref<1x1x128x64xf32, #tpu.memory_space<vmem>>
        %dma_wait3A_2172 = tpu.memref_squeeze %dma_wait3A_2171 : memref<1x1x128x64xf32, #tpu.memory_space<vmem>> -> memref<128x64xf32, #tpu.memory_space<vmem>>
        %dma_wait3A_2173 = arith.constant 0 : i32
        %dma_wait3A_2174 = tpu.memref_slice %arg6[%add3A_2166, %dma_wait3A_2173] : memref<3276800x128xf32, #tpu.memory_space<hbm>> -> memref<128x64xf32, #tpu.memory_space<hbm>>
        %dma_wait3A_2175 = arith.constant 0 : i32
        %dma_wait3A_2176 = tpu.memref_slice %arg6[%add3A_2166, %dma_wait3A_2175] : memref<3276800x128xf32, #tpu.memory_space<hbm>> -> memref<128x64xf32, #tpu.memory_space<hbm>>
        %dma_wait3A_2177 = arith.constant 0 : i32
        %dma_wait3A_2178 = arith.constant 0 : i32
        %dma_wait3A_2179 = tpu.memref_slice %arg10[%dma_wait3A_2167, %dma_wait3A_2168, %dma_wait3A_2177, %dma_wait3A_2178] : memref<2x4x128x64xf32, #tpu.memory_space<vmem>> -> memref<1x1x128x64xf32, #tpu.memory_space<vmem>>
        %dma_wait3A_2180 = tpu.memref_squeeze %dma_wait3A_2179 : memref<1x1x128x64xf32, #tpu.memory_space<vmem>> -> memref<128x64xf32, #tpu.memory_space<vmem>>
        tpu.wait_dma2 semaphore(%arg17 : memref<!tpu.dma_semaphore, #tpu.memory_space<semaphore_mem>>) src(%dma_wait3A_2180 : memref<128x64xf32, #tpu.memory_space<vmem>>) dst(%dma_wait3A_2176 : memref<128x64xf32, #tpu.memory_space<hbm>>)
        %mul3A_2181 = arith.constant 512 : i32
        %mul3A_2182 = arith.muli %sub3A_2123, %mul3A_2181 : i32
        %add3A_2183 = arith.addi %mul3A_2, %mul3A_2182 : i32
        %add3A_2184 = arith.constant 384 : i32
        %add3A_2185 = arith.addi %add3A_2183, %add3A_2184 : i32
        %dma_wait3A_2186 = arith.constant 1 : i32
        %dma_wait3A_2187 = arith.constant 3 : i32
        %dma_wait3A_2188 = arith.constant 0 : i32
        %dma_wait3A_2189 = arith.constant 0 : i32
        %dma_wait3A_2190 = tpu.memref_slice %arg10[%dma_wait3A_2186, %dma_wait3A_2187, %dma_wait3A_2188, %dma_wait3A_2189] : memref<2x4x128x64xf32, #tpu.memory_space<vmem>> -> memref<1x1x128x64xf32, #tpu.memory_space<vmem>>
        %dma_wait3A_2191 = tpu.memref_squeeze %dma_wait3A_2190 : memref<1x1x128x64xf32, #tpu.memory_space<vmem>> -> memref<128x64xf32, #tpu.memory_space<vmem>>
        %dma_wait3A_2192 = arith.constant 0 : i32
        %dma_wait3A_2193 = tpu.memref_slice %arg6[%add3A_2185, %dma_wait3A_2192] : memref<3276800x128xf32, #tpu.memory_space<hbm>> -> memref<128x64xf32, #tpu.memory_space<hbm>>
        %dma_wait3A_2194 = arith.constant 0 : i32
        %dma_wait3A_2195 = tpu.memref_slice %arg6[%add3A_2185, %dma_wait3A_2194] : memref<3276800x128xf32, #tpu.memory_space<hbm>> -> memref<128x64xf32, #tpu.memory_space<hbm>>
        %dma_wait3A_2196 = arith.constant 0 : i32
        %dma_wait3A_2197 = arith.constant 0 : i32
        %dma_wait3A_2198 = tpu.memref_slice %arg10[%dma_wait3A_2186, %dma_wait3A_2187, %dma_wait3A_2196, %dma_wait3A_2197] : memref<2x4x128x64xf32, #tpu.memory_space<vmem>> -> memref<1x1x128x64xf32, #tpu.memory_space<vmem>>
        %dma_wait3A_2199 = tpu.memref_squeeze %dma_wait3A_2198 : memref<1x1x128x64xf32, #tpu.memory_space<vmem>> -> memref<128x64xf32, #tpu.memory_space<vmem>>
        tpu.wait_dma2 semaphore(%arg17 : memref<!tpu.dma_semaphore, #tpu.memory_space<semaphore_mem>>) src(%dma_wait3A_2199 : memref<128x64xf32, #tpu.memory_space<vmem>>) dst(%dma_wait3A_2195 : memref<128x64xf32, #tpu.memory_space<hbm>>)
      } else {
      }
      %dma_start3A_2051 = arith.constant 1 : i32
      %dma_start3A_2052 = arith.constant 0 : i32
      %dma_start3A_2053 = arith.constant 1 : i32
      %dma_start3A_2054 = arith.constant 0 : i32
      %dma_start3A_2055 = arith.constant 0 : i32
      %dma_start3A_2056 = arith.constant 0 : i32
      %dma_start3A_2057 = tpu.memref_slice %arg10[%dma_start3A_2053, %dma_start3A_2054, %dma_start3A_2055, %dma_start3A_2056] : memref<2x4x128x64xf32, #tpu.memory_space<vmem>> -> memref<1x1x128x64xf32, #tpu.memory_space<vmem>>
      %dma_start3A_2058 = tpu.memref_squeeze %dma_start3A_2057 : memref<1x1x128x64xf32, #tpu.memory_space<vmem>> -> memref<128x64xf32, #tpu.memory_space<vmem>>
      %dma_start3A_2059 = arith.constant 0 : i32
      %dma_start3A_2060 = tpu.memref_slice %arg9[%dma_start3A_2051, %dma_start3A_2052, %dma_start3A_2059] : memref<2x4x128xi32, #tpu.memory_space<vmem>> -> memref<1x1x128xi32, #tpu.memory_space<vmem>>
      %dma_start3A_2061 = tpu.memref_squeeze %dma_start3A_2060 : memref<1x1x128xi32, #tpu.memory_space<vmem>> -> memref<128xi32, #tpu.memory_space<vmem>>
      %dma_start3A_2062 = arith.constant 0 : i32
      %dma_start3A_2063 = arith.constant 0 : i32
      %dma_start3A_2064 = tpu.memref_slice %arg5[%dma_start3A_2062, %dma_start3A_2063] : memref<4096x64xf32, #tpu.memory_space<hbm>> -> memref<4096x64xf32, #tpu.memory_space<hbm>>
      tpu.enqueue_indirect_dma source(%dma_start3A_2064 : memref<4096x64xf32, #tpu.memory_space<hbm>>) target(%dma_start3A_2058 : memref<128x64xf32, #tpu.memory_space<vmem>>) offsets(%dma_start3A_2061 : memref<128xi32, #tpu.memory_space<vmem>>) semaphore(%arg15 : memref<!tpu.dma_semaphore, #tpu.memory_space<semaphore_mem>>)
      %dma_start3A_2065 = arith.constant 1 : i32
      %dma_start3A_2066 = arith.constant 1 : i32
      %dma_start3A_2067 = arith.constant 1 : i32
      %dma_start3A_2068 = arith.constant 1 : i32
      %dma_start3A_2069 = arith.constant 0 : i32
      %dma_start3A_2070 = arith.constant 0 : i32
      %dma_start3A_2071 = tpu.memref_slice %arg10[%dma_start3A_2067, %dma_start3A_2068, %dma_start3A_2069, %dma_start3A_2070] : memref<2x4x128x64xf32, #tpu.memory_space<vmem>> -> memref<1x1x128x64xf32, #tpu.memory_space<vmem>>
      %dma_start3A_2072 = tpu.memref_squeeze %dma_start3A_2071 : memref<1x1x128x64xf32, #tpu.memory_space<vmem>> -> memref<128x64xf32, #tpu.memory_space<vmem>>
      %dma_start3A_2073 = arith.constant 0 : i32
      %dma_start3A_2074 = tpu.memref_slice %arg9[%dma_start3A_2065, %dma_start3A_2066, %dma_start3A_2073] : memref<2x4x128xi32, #tpu.memory_space<vmem>> -> memref<1x1x128xi32, #tpu.memory_space<vmem>>
      %dma_start3A_2075 = tpu.memref_squeeze %dma_start3A_2074 : memref<1x1x128xi32, #tpu.memory_space<vmem>> -> memref<128xi32, #tpu.memory_space<vmem>>
      %dma_start3A_2076 = arith.constant 0 : i32
      %dma_start3A_2077 = arith.constant 0 : i32
      %dma_start3A_2078 = tpu.memref_slice %arg5[%dma_start3A_2076, %dma_start3A_2077] : memref<4096x64xf32, #tpu.memory_space<hbm>> -> memref<4096x64xf32, #tpu.memory_space<hbm>>
      tpu.enqueue_indirect_dma source(%dma_start3A_2078 : memref<4096x64xf32, #tpu.memory_space<hbm>>) target(%dma_start3A_2072 : memref<128x64xf32, #tpu.memory_space<vmem>>) offsets(%dma_start3A_2075 : memref<128xi32, #tpu.memory_space<vmem>>) semaphore(%arg15 : memref<!tpu.dma_semaphore, #tpu.memory_space<semaphore_mem>>)
      %dma_start3A_2079 = arith.constant 1 : i32
      %dma_start3A_2080 = arith.constant 2 : i32
      %dma_start3A_2081 = arith.constant 1 : i32
      %dma_start3A_2082 = arith.constant 2 : i32
      %dma_start3A_2083 = arith.constant 0 : i32
      %dma_start3A_2084 = arith.constant 0 : i32
      %dma_start3A_2085 = tpu.memref_slice %arg10[%dma_start3A_2081, %dma_start3A_2082, %dma_start3A_2083, %dma_start3A_2084] : memref<2x4x128x64xf32, #tpu.memory_space<vmem>> -> memref<1x1x128x64xf32, #tpu.memory_space<vmem>>
      %dma_start3A_2086 = tpu.memref_squeeze %dma_start3A_2085 : memref<1x1x128x64xf32, #tpu.memory_space<vmem>> -> memref<128x64xf32, #tpu.memory_space<vmem>>
      %dma_start3A_2087 = arith.constant 0 : i32
      %dma_start3A_2088 = tpu.memref_slice %arg9[%dma_start3A_2079, %dma_start3A_2080, %dma_start3A_2087] : memref<2x4x128xi32, #tpu.memory_space<vmem>> -> memref<1x1x128xi32, #tpu.memory_space<vmem>>
      %dma_start3A_2089 = tpu.memref_squeeze %dma_start3A_2088 : memref<1x1x128xi32, #tpu.memory_space<vmem>> -> memref<128xi32, #tpu.memory_space<vmem>>
      %dma_start3A_2090 = arith.constant 0 : i32
      %dma_start3A_2091 = arith.constant 0 : i32
      %dma_start3A_2092 = tpu.memref_slice %arg5[%dma_start3A_2090, %dma_start3A_2091] : memref<4096x64xf32, #tpu.memory_space<hbm>> -> memref<4096x64xf32, #tpu.memory_space<hbm>>
      tpu.enqueue_indirect_dma source(%dma_start3A_2092 : memref<4096x64xf32, #tpu.memory_space<hbm>>) target(%dma_start3A_2086 : memref<128x64xf32, #tpu.memory_space<vmem>>) offsets(%dma_start3A_2089 : memref<128xi32, #tpu.memory_space<vmem>>) semaphore(%arg15 : memref<!tpu.dma_semaphore, #tpu.memory_space<semaphore_mem>>)
      %dma_start3A_2093 = arith.constant 1 : i32
      %dma_start3A_2094 = arith.constant 3 : i32
      %dma_start3A_2095 = arith.constant 1 : i32
      %dma_start3A_2096 = arith.constant 3 : i32
      %dma_start3A_2097 = arith.constant 0 : i32
      %dma_start3A_2098 = arith.constant 0 : i32
      %dma_start3A_2099 = tpu.memref_slice %arg10[%dma_start3A_2095, %dma_start3A_2096, %dma_start3A_2097, %dma_start3A_2098] : memref<2x4x128x64xf32, #tpu.memory_space<vmem>> -> memref<1x1x128x64xf32, #tpu.memory_space<vmem>>
      %dma_start3A_2100 = tpu.memref_squeeze %dma_start3A_2099 : memref<1x1x128x64xf32, #tpu.memory_space<vmem>> -> memref<128x64xf32, #tpu.memory_space<vmem>>
      %dma_start3A_2101 = arith.constant 0 : i32
      %dma_start3A_2102 = tpu.memref_slice %arg9[%dma_start3A_2093, %dma_start3A_2094, %dma_start3A_2101] : memref<2x4x128xi32, #tpu.memory_space<vmem>> -> memref<1x1x128xi32, #tpu.memory_space<vmem>>
      %dma_start3A_2103 = tpu.memref_squeeze %dma_start3A_2102 : memref<1x1x128xi32, #tpu.memory_space<vmem>> -> memref<128xi32, #tpu.memory_space<vmem>>
      %dma_start3A_2104 = arith.constant 0 : i32
      %dma_start3A_2105 = arith.constant 0 : i32
      %dma_start3A_2106 = tpu.memref_slice %arg5[%dma_start3A_2104, %dma_start3A_2105] : memref<4096x64xf32, #tpu.memory_space<hbm>> -> memref<4096x64xf32, #tpu.memory_space<hbm>>
      tpu.enqueue_indirect_dma source(%dma_start3A_2106 : memref<4096x64xf32, #tpu.memory_space<hbm>>) target(%dma_start3A_2100 : memref<128x64xf32, #tpu.memory_space<vmem>>) offsets(%dma_start3A_2103 : memref<128xi32, #tpu.memory_space<vmem>>) semaphore(%arg15 : memref<!tpu.dma_semaphore, #tpu.memory_space<semaphore_mem>>)
      %add3A_2107 = arith.constant 2 : i32
      %add3A_2108 = arith.addi %add3A_1226, %add3A_2107 : i32
      %mul3A_2109 = arith.constant 512 : i32
      %mul3A_2110 = arith.muli %add3A_2108, %mul3A_2109 : i32
      %add3A_2111 = arith.addi %mul3A_2, %mul3A_2110 : i32
      %min3A_2112 = arith.constant 3276288 : i32
      %min3A_2113 = arith.minsi %add3A_2111, %min3A_2112 : i32
      %dma_start3A_2114 = arith.constant 1 : i32
      %dma_start3A_2115 = arith.constant 0 : i32
      %dma_start3A_2116 = tpu.memref_slice %arg8[%dma_start3A_2114, %dma_start3A_2115] : memref<2x512xi32, #tpu.memory_space<vmem>> -> memref<1x512xi32, #tpu.memory_space<vmem>>
      %dma_start3A_2117 = tpu.memref_squeeze %dma_start3A_2116 : memref<1x512xi32, #tpu.memory_space<vmem>> -> memref<512xi32, #tpu.memory_space<vmem>>
      %dma_start3A_2118 = tpu.memref_slice %arg2[%min3A_2113] : memref<3276800xi32, #tpu.memory_space<hbm>> -> memref<512xi32, #tpu.memory_space<hbm>>
      %dma_start3A_2119 = arith.constant 0 : i32
      %dma_start3A_2120 = tpu.memref_slice %arg8[%dma_start3A_2114, %dma_start3A_2119] : memref<2x512xi32, #tpu.memory_space<vmem>> -> memref<1x512xi32, #tpu.memory_space<vmem>>
      %dma_start3A_2121 = tpu.memref_squeeze %dma_start3A_2120 : memref<1x512xi32, #tpu.memory_space<vmem>> -> memref<512xi32, #tpu.memory_space<vmem>>
      %dma_start3A_2122 = tpu.memref_slice %arg2[%min3A_2113] : memref<3276800xi32, #tpu.memory_space<hbm>> -> memref<512xi32, #tpu.memory_space<hbm>>
      tpu.enqueue_dma source(%dma_start3A_2122 : memref<512xi32, #tpu.memory_space<hbm>>) target(%dma_start3A_2121 : memref<512xi32, #tpu.memory_space<vmem>>) target_semaphore(%arg13 : memref<!tpu.dma_semaphore, #tpu.memory_space<semaphore_mem>>)
    }
    %scan3A_32 = arith.constant 100 : i32
    %dma_wait3A = arith.constant 1 : i32
    %dma_wait3A_33 = arith.constant 0 : i32
    %dma_wait3A_34 = arith.constant 1 : i32
    %dma_wait3A_35 = arith.constant 0 : i32
    %dma_wait3A_36 = arith.constant 0 : i32
    %dma_wait3A_37 = arith.constant 0 : i32
    %dma_wait3A_38 = tpu.memref_slice %arg10[%dma_wait3A_34, %dma_wait3A_35, %dma_wait3A_36, %dma_wait3A_37] : memref<2x4x128x64xf32, #tpu.memory_space<vmem>> -> memref<1x1x128x64xf32, #tpu.memory_space<vmem>>
    %dma_wait3A_39 = tpu.memref_squeeze %dma_wait3A_38 : memref<1x1x128x64xf32, #tpu.memory_space<vmem>> -> memref<128x64xf32, #tpu.memory_space<vmem>>
    %dma_wait3A_40 = arith.constant 0 : i32
    %dma_wait3A_41 = tpu.memref_slice %arg9[%dma_wait3A, %dma_wait3A_33, %dma_wait3A_40] : memref<2x4x128xi32, #tpu.memory_space<vmem>> -> memref<1x1x128xi32, #tpu.memory_space<vmem>>
    %dma_wait3A_42 = tpu.memref_squeeze %dma_wait3A_41 : memref<1x1x128xi32, #tpu.memory_space<vmem>> -> memref<128xi32, #tpu.memory_space<vmem>>
    %dma_wait3A_43 = arith.constant 0 : i32
    %dma_wait3A_44 = arith.constant 0 : i32
    %dma_wait3A_45 = tpu.memref_slice %arg5[%dma_wait3A_43, %dma_wait3A_44] : memref<4096x64xf32, #tpu.memory_space<hbm>> -> memref<4096x64xf32, #tpu.memory_space<hbm>>
    tpu.wait_indirect_dma semaphore(%arg15 : memref<!tpu.dma_semaphore, #tpu.memory_space<semaphore_mem>>) src(%dma_wait3A_45 : memref<4096x64xf32, #tpu.memory_space<hbm>>) dst(%dma_wait3A_39 : memref<128x64xf32, #tpu.memory_space<vmem>>)
    %dma_wait3A_46 = arith.constant 1 : i32
    %dma_wait3A_47 = arith.constant 1 : i32
    %dma_wait3A_48 = arith.constant 1 : i32
    %dma_wait3A_49 = arith.constant 1 : i32
    %dma_wait3A_50 = arith.constant 0 : i32
    %dma_wait3A_51 = arith.constant 0 : i32
    %dma_wait3A_52 = tpu.memref_slice %arg10[%dma_wait3A_48, %dma_wait3A_49, %dma_wait3A_50, %dma_wait3A_51] : memref<2x4x128x64xf32, #tpu.memory_space<vmem>> -> memref<1x1x128x64xf32, #tpu.memory_space<vmem>>
    %dma_wait3A_53 = tpu.memref_squeeze %dma_wait3A_52 : memref<1x1x128x64xf32, #tpu.memory_space<vmem>> -> memref<128x64xf32, #tpu.memory_space<vmem>>
    %dma_wait3A_54 = arith.constant 0 : i32
    %dma_wait3A_55 = tpu.memref_slice %arg9[%dma_wait3A_46, %dma_wait3A_47, %dma_wait3A_54] : memref<2x4x128xi32, #tpu.memory_space<vmem>> -> memref<1x1x128xi32, #tpu.memory_space<vmem>>
    %dma_wait3A_56 = tpu.memref_squeeze %dma_wait3A_55 : memref<1x1x128xi32, #tpu.memory_space<vmem>> -> memref<128xi32, #tpu.memory_space<vmem>>
    %dma_wait3A_57 = arith.constant 0 : i32
    %dma_wait3A_58 = arith.constant 0 : i32
    %dma_wait3A_59 = tpu.memref_slice %arg5[%dma_wait3A_57, %dma_wait3A_58] : memref<4096x64xf32, #tpu.memory_space<hbm>> -> memref<4096x64xf32, #tpu.memory_space<hbm>>
    tpu.wait_indirect_dma semaphore(%arg15 : memref<!tpu.dma_semaphore, #tpu.memory_space<semaphore_mem>>) src(%dma_wait3A_59 : memref<4096x64xf32, #tpu.memory_space<hbm>>) dst(%dma_wait3A_53 : memref<128x64xf32, #tpu.memory_space<vmem>>)
    %dma_wait3A_60 = arith.constant 1 : i32
    %dma_wait3A_61 = arith.constant 2 : i32
    %dma_wait3A_62 = arith.constant 1 : i32
    %dma_wait3A_63 = arith.constant 2 : i32
    %dma_wait3A_64 = arith.constant 0 : i32
    %dma_wait3A_65 = arith.constant 0 : i32
    %dma_wait3A_66 = tpu.memref_slice %arg10[%dma_wait3A_62, %dma_wait3A_63, %dma_wait3A_64, %dma_wait3A_65] : memref<2x4x128x64xf32, #tpu.memory_space<vmem>> -> memref<1x1x128x64xf32, #tpu.memory_space<vmem>>
    %dma_wait3A_67 = tpu.memref_squeeze %dma_wait3A_66 : memref<1x1x128x64xf32, #tpu.memory_space<vmem>> -> memref<128x64xf32, #tpu.memory_space<vmem>>
    %dma_wait3A_68 = arith.constant 0 : i32
    %dma_wait3A_69 = tpu.memref_slice %arg9[%dma_wait3A_60, %dma_wait3A_61, %dma_wait3A_68] : memref<2x4x128xi32, #tpu.memory_space<vmem>> -> memref<1x1x128xi32, #tpu.memory_space<vmem>>
    %dma_wait3A_70 = tpu.memref_squeeze %dma_wait3A_69 : memref<1x1x128xi32, #tpu.memory_space<vmem>> -> memref<128xi32, #tpu.memory_space<vmem>>
    %dma_wait3A_71 = arith.constant 0 : i32
    %dma_wait3A_72 = arith.constant 0 : i32
    %dma_wait3A_73 = tpu.memref_slice %arg5[%dma_wait3A_71, %dma_wait3A_72] : memref<4096x64xf32, #tpu.memory_space<hbm>> -> memref<4096x64xf32, #tpu.memory_space<hbm>>
    tpu.wait_indirect_dma semaphore(%arg15 : memref<!tpu.dma_semaphore, #tpu.memory_space<semaphore_mem>>) src(%dma_wait3A_73 : memref<4096x64xf32, #tpu.memory_space<hbm>>) dst(%dma_wait3A_67 : memref<128x64xf32, #tpu.memory_space<vmem>>)
    %dma_wait3A_74 = arith.constant 1 : i32
    %dma_wait3A_75 = arith.constant 3 : i32
    %dma_wait3A_76 = arith.constant 1 : i32
    %dma_wait3A_77 = arith.constant 3 : i32
    %dma_wait3A_78 = arith.constant 0 : i32
    %dma_wait3A_79 = arith.constant 0 : i32
    %dma_wait3A_80 = tpu.memref_slice %arg10[%dma_wait3A_76, %dma_wait3A_77, %dma_wait3A_78, %dma_wait3A_79] : memref<2x4x128x64xf32, #tpu.memory_space<vmem>> -> memref<1x1x128x64xf32, #tpu.memory_space<vmem>>
    %dma_wait3A_81 = tpu.memref_squeeze %dma_wait3A_80 : memref<1x1x128x64xf32, #tpu.memory_space<vmem>> -> memref<128x64xf32, #tpu.memory_space<vmem>>
    %dma_wait3A_82 = arith.constant 0 : i32
    %dma_wait3A_83 = tpu.memref_slice %arg9[%dma_wait3A_74, %dma_wait3A_75, %dma_wait3A_82] : memref<2x4x128xi32, #tpu.memory_space<vmem>> -> memref<1x1x128xi32, #tpu.memory_space<vmem>>
    %dma_wait3A_84 = tpu.memref_squeeze %dma_wait3A_83 : memref<1x1x128xi32, #tpu.memory_space<vmem>> -> memref<128xi32, #tpu.memory_space<vmem>>
    %dma_wait3A_85 = arith.constant 0 : i32
    %dma_wait3A_86 = arith.constant 0 : i32
    %dma_wait3A_87 = tpu.memref_slice %arg5[%dma_wait3A_85, %dma_wait3A_86] : memref<4096x64xf32, #tpu.memory_space<hbm>> -> memref<4096x64xf32, #tpu.memory_space<hbm>>
    tpu.wait_indirect_dma semaphore(%arg15 : memref<!tpu.dma_semaphore, #tpu.memory_space<semaphore_mem>>) src(%dma_wait3A_87 : memref<4096x64xf32, #tpu.memory_space<hbm>>) dst(%dma_wait3A_81 : memref<128x64xf32, #tpu.memory_space<vmem>>)
    %add3A_88 = arith.constant 101888 : i32
    %add3A_89 = arith.addi %mul3A_2, %add3A_88 : i32
    %add3A_90 = arith.constant 0 : i32
    %add3A_91 = arith.addi %add3A_89, %add3A_90 : i32
    %dma_start3A_92 = arith.constant 1 : i32
    %dma_start3A_93 = arith.constant 0 : i32
    %dma_start3A_94 = arith.constant 0 : i32
    %dma_start3A_95 = arith.constant 0 : i32
    %dma_start3A_96 = tpu.memref_slice %arg10[%dma_start3A_92, %dma_start3A_93, %dma_start3A_94, %dma_start3A_95] : memref<2x4x128x64xf32, #tpu.memory_space<vmem>> -> memref<1x1x128x64xf32, #tpu.memory_space<vmem>>
    %dma_start3A_97 = tpu.memref_squeeze %dma_start3A_96 : memref<1x1x128x64xf32, #tpu.memory_space<vmem>> -> memref<128x64xf32, #tpu.memory_space<vmem>>
    %dma_start3A_98 = arith.constant 0 : i32
    %dma_start3A_99 = tpu.memref_slice %arg6[%add3A_91, %dma_start3A_98] : memref<3276800x128xf32, #tpu.memory_space<hbm>> -> memref<128x64xf32, #tpu.memory_space<hbm>>
    %dma_start3A_100 = arith.constant 0 : i32
    %dma_start3A_101 = tpu.memref_slice %arg6[%add3A_91, %dma_start3A_100] : memref<3276800x128xf32, #tpu.memory_space<hbm>> -> memref<128x64xf32, #tpu.memory_space<hbm>>
    %dma_start3A_102 = arith.constant 0 : i32
    %dma_start3A_103 = arith.constant 0 : i32
    %dma_start3A_104 = tpu.memref_slice %arg10[%dma_start3A_92, %dma_start3A_93, %dma_start3A_102, %dma_start3A_103] : memref<2x4x128x64xf32, #tpu.memory_space<vmem>> -> memref<1x1x128x64xf32, #tpu.memory_space<vmem>>
    %dma_start3A_105 = tpu.memref_squeeze %dma_start3A_104 : memref<1x1x128x64xf32, #tpu.memory_space<vmem>> -> memref<128x64xf32, #tpu.memory_space<vmem>>
    tpu.enqueue_dma source(%dma_start3A_105 : memref<128x64xf32, #tpu.memory_space<vmem>>) target(%dma_start3A_101 : memref<128x64xf32, #tpu.memory_space<hbm>>) target_semaphore(%arg17 : memref<!tpu.dma_semaphore, #tpu.memory_space<semaphore_mem>>)
    %add3A_106 = arith.constant 101888 : i32
    %add3A_107 = arith.addi %mul3A_2, %add3A_106 : i32
    %add3A_108 = arith.constant 128 : i32
    %add3A_109 = arith.addi %add3A_107, %add3A_108 : i32
    %dma_start3A_110 = arith.constant 1 : i32
    %dma_start3A_111 = arith.constant 1 : i32
    %dma_start3A_112 = arith.constant 0 : i32
    %dma_start3A_113 = arith.constant 0 : i32
    %dma_start3A_114 = tpu.memref_slice %arg10[%dma_start3A_110, %dma_start3A_111, %dma_start3A_112, %dma_start3A_113] : memref<2x4x128x64xf32, #tpu.memory_space<vmem>> -> memref<1x1x128x64xf32, #tpu.memory_space<vmem>>
    %dma_start3A_115 = tpu.memref_squeeze %dma_start3A_114 : memref<1x1x128x64xf32, #tpu.memory_space<vmem>> -> memref<128x64xf32, #tpu.memory_space<vmem>>
    %dma_start3A_116 = arith.constant 0 : i32
    %dma_start3A_117 = tpu.memref_slice %arg6[%add3A_109, %dma_start3A_116] : memref<3276800x128xf32, #tpu.memory_space<hbm>> -> memref<128x64xf32, #tpu.memory_space<hbm>>
    %dma_start3A_118 = arith.constant 0 : i32
    %dma_start3A_119 = tpu.memref_slice %arg6[%add3A_109, %dma_start3A_118] : memref<3276800x128xf32, #tpu.memory_space<hbm>> -> memref<128x64xf32, #tpu.memory_space<hbm>>
    %dma_start3A_120 = arith.constant 0 : i32
    %dma_start3A_121 = arith.constant 0 : i32
    %dma_start3A_122 = tpu.memref_slice %arg10[%dma_start3A_110, %dma_start3A_111, %dma_start3A_120, %dma_start3A_121] : memref<2x4x128x64xf32, #tpu.memory_space<vmem>> -> memref<1x1x128x64xf32, #tpu.memory_space<vmem>>
    %dma_start3A_123 = tpu.memref_squeeze %dma_start3A_122 : memref<1x1x128x64xf32, #tpu.memory_space<vmem>> -> memref<128x64xf32, #tpu.memory_space<vmem>>
    tpu.enqueue_dma source(%dma_start3A_123 : memref<128x64xf32, #tpu.memory_space<vmem>>) target(%dma_start3A_119 : memref<128x64xf32, #tpu.memory_space<hbm>>) target_semaphore(%arg17 : memref<!tpu.dma_semaphore, #tpu.memory_space<semaphore_mem>>)
    %add3A_124 = arith.constant 101888 : i32
    %add3A_125 = arith.addi %mul3A_2, %add3A_124 : i32
    %add3A_126 = arith.constant 256 : i32
    %add3A_127 = arith.addi %add3A_125, %add3A_126 : i32
    %dma_start3A_128 = arith.constant 1 : i32
    %dma_start3A_129 = arith.constant 2 : i32
    %dma_start3A_130 = arith.constant 0 : i32
    %dma_start3A_131 = arith.constant 0 : i32
    %dma_start3A_132 = tpu.memref_slice %arg10[%dma_start3A_128, %dma_start3A_129, %dma_start3A_130, %dma_start3A_131] : memref<2x4x128x64xf32, #tpu.memory_space<vmem>> -> memref<1x1x128x64xf32, #tpu.memory_space<vmem>>
    %dma_start3A_133 = tpu.memref_squeeze %dma_start3A_132 : memref<1x1x128x64xf32, #tpu.memory_space<vmem>> -> memref<128x64xf32, #tpu.memory_space<vmem>>
    %dma_start3A_134 = arith.constant 0 : i32
    %dma_start3A_135 = tpu.memref_slice %arg6[%add3A_127, %dma_start3A_134] : memref<3276800x128xf32, #tpu.memory_space<hbm>> -> memref<128x64xf32, #tpu.memory_space<hbm>>
    %dma_start3A_136 = arith.constant 0 : i32
    %dma_start3A_137 = tpu.memref_slice %arg6[%add3A_127, %dma_start3A_136] : memref<3276800x128xf32, #tpu.memory_space<hbm>> -> memref<128x64xf32, #tpu.memory_space<hbm>>
    %dma_start3A_138 = arith.constant 0 : i32
    %dma_start3A_139 = arith.constant 0 : i32
    %dma_start3A_140 = tpu.memref_slice %arg10[%dma_start3A_128, %dma_start3A_129, %dma_start3A_138, %dma_start3A_139] : memref<2x4x128x64xf32, #tpu.memory_space<vmem>> -> memref<1x1x128x64xf32, #tpu.memory_space<vmem>>
    %dma_start3A_141 = tpu.memref_squeeze %dma_start3A_140 : memref<1x1x128x64xf32, #tpu.memory_space<vmem>> -> memref<128x64xf32, #tpu.memory_space<vmem>>
    tpu.enqueue_dma source(%dma_start3A_141 : memref<128x64xf32, #tpu.memory_space<vmem>>) target(%dma_start3A_137 : memref<128x64xf32, #tpu.memory_space<hbm>>) target_semaphore(%arg17 : memref<!tpu.dma_semaphore, #tpu.memory_space<semaphore_mem>>)
    %add3A_142 = arith.constant 101888 : i32
    %add3A_143 = arith.addi %mul3A_2, %add3A_142 : i32
    %add3A_144 = arith.constant 384 : i32
    %add3A_145 = arith.addi %add3A_143, %add3A_144 : i32
    %dma_start3A_146 = arith.constant 1 : i32
    %dma_start3A_147 = arith.constant 3 : i32
    %dma_start3A_148 = arith.constant 0 : i32
    %dma_start3A_149 = arith.constant 0 : i32
    %dma_start3A_150 = tpu.memref_slice %arg10[%dma_start3A_146, %dma_start3A_147, %dma_start3A_148, %dma_start3A_149] : memref<2x4x128x64xf32, #tpu.memory_space<vmem>> -> memref<1x1x128x64xf32, #tpu.memory_space<vmem>>
    %dma_start3A_151 = tpu.memref_squeeze %dma_start3A_150 : memref<1x1x128x64xf32, #tpu.memory_space<vmem>> -> memref<128x64xf32, #tpu.memory_space<vmem>>
    %dma_start3A_152 = arith.constant 0 : i32
    %dma_start3A_153 = tpu.memref_slice %arg6[%add3A_145, %dma_start3A_152] : memref<3276800x128xf32, #tpu.memory_space<hbm>> -> memref<128x64xf32, #tpu.memory_space<hbm>>
    %dma_start3A_154 = arith.constant 0 : i32
    %dma_start3A_155 = tpu.memref_slice %arg6[%add3A_145, %dma_start3A_154] : memref<3276800x128xf32, #tpu.memory_space<hbm>> -> memref<128x64xf32, #tpu.memory_space<hbm>>
    %dma_start3A_156 = arith.constant 0 : i32
    %dma_start3A_157 = arith.constant 0 : i32
    %dma_start3A_158 = tpu.memref_slice %arg10[%dma_start3A_146, %dma_start3A_147, %dma_start3A_156, %dma_start3A_157] : memref<2x4x128x64xf32, #tpu.memory_space<vmem>> -> memref<1x1x128x64xf32, #tpu.memory_space<vmem>>
    %dma_start3A_159 = tpu.memref_squeeze %dma_start3A_158 : memref<1x1x128x64xf32, #tpu.memory_space<vmem>> -> memref<128x64xf32, #tpu.memory_space<vmem>>
    tpu.enqueue_dma source(%dma_start3A_159 : memref<128x64xf32, #tpu.memory_space<vmem>>) target(%dma_start3A_155 : memref<128x64xf32, #tpu.memory_space<hbm>>) target_semaphore(%arg17 : memref<!tpu.dma_semaphore, #tpu.memory_space<semaphore_mem>>)
    %add3A_160 = arith.constant 101376 : i32
    %add3A_161 = arith.addi %mul3A_2, %add3A_160 : i32
    %add3A_162 = arith.constant 0 : i32
    %add3A_163 = arith.addi %add3A_161, %add3A_162 : i32
    %dma_wait3A_164 = arith.constant 0 : i32
    %dma_wait3A_165 = arith.constant 0 : i32
    %dma_wait3A_166 = arith.constant 0 : i32
    %dma_wait3A_167 = arith.constant 0 : i32
    %dma_wait3A_168 = tpu.memref_slice %arg10[%dma_wait3A_164, %dma_wait3A_165, %dma_wait3A_166, %dma_wait3A_167] : memref<2x4x128x64xf32, #tpu.memory_space<vmem>> -> memref<1x1x128x64xf32, #tpu.memory_space<vmem>>
    %dma_wait3A_169 = tpu.memref_squeeze %dma_wait3A_168 : memref<1x1x128x64xf32, #tpu.memory_space<vmem>> -> memref<128x64xf32, #tpu.memory_space<vmem>>
    %dma_wait3A_170 = arith.constant 0 : i32
    %dma_wait3A_171 = tpu.memref_slice %arg6[%add3A_163, %dma_wait3A_170] : memref<3276800x128xf32, #tpu.memory_space<hbm>> -> memref<128x64xf32, #tpu.memory_space<hbm>>
    %dma_wait3A_172 = arith.constant 0 : i32
    %dma_wait3A_173 = tpu.memref_slice %arg6[%add3A_163, %dma_wait3A_172] : memref<3276800x128xf32, #tpu.memory_space<hbm>> -> memref<128x64xf32, #tpu.memory_space<hbm>>
    %dma_wait3A_174 = arith.constant 0 : i32
    %dma_wait3A_175 = arith.constant 0 : i32
    %dma_wait3A_176 = tpu.memref_slice %arg10[%dma_wait3A_164, %dma_wait3A_165, %dma_wait3A_174, %dma_wait3A_175] : memref<2x4x128x64xf32, #tpu.memory_space<vmem>> -> memref<1x1x128x64xf32, #tpu.memory_space<vmem>>
    %dma_wait3A_177 = tpu.memref_squeeze %dma_wait3A_176 : memref<1x1x128x64xf32, #tpu.memory_space<vmem>> -> memref<128x64xf32, #tpu.memory_space<vmem>>
    tpu.wait_dma2 semaphore(%arg16 : memref<!tpu.dma_semaphore, #tpu.memory_space<semaphore_mem>>) src(%dma_wait3A_177 : memref<128x64xf32, #tpu.memory_space<vmem>>) dst(%dma_wait3A_173 : memref<128x64xf32, #tpu.memory_space<hbm>>)
    %add3A_178 = arith.constant 101376 : i32
    %add3A_179 = arith.addi %mul3A_2, %add3A_178 : i32
    %add3A_180 = arith.constant 128 : i32
    %add3A_181 = arith.addi %add3A_179, %add3A_180 : i32
    %dma_wait3A_182 = arith.constant 0 : i32
    %dma_wait3A_183 = arith.constant 1 : i32
    %dma_wait3A_184 = arith.constant 0 : i32
    %dma_wait3A_185 = arith.constant 0 : i32
    %dma_wait3A_186 = tpu.memref_slice %arg10[%dma_wait3A_182, %dma_wait3A_183, %dma_wait3A_184, %dma_wait3A_185] : memref<2x4x128x64xf32, #tpu.memory_space<vmem>> -> memref<1x1x128x64xf32, #tpu.memory_space<vmem>>
    %dma_wait3A_187 = tpu.memref_squeeze %dma_wait3A_186 : memref<1x1x128x64xf32, #tpu.memory_space<vmem>> -> memref<128x64xf32, #tpu.memory_space<vmem>>
    %dma_wait3A_188 = arith.constant 0 : i32
    %dma_wait3A_189 = tpu.memref_slice %arg6[%add3A_181, %dma_wait3A_188] : memref<3276800x128xf32, #tpu.memory_space<hbm>> -> memref<128x64xf32, #tpu.memory_space<hbm>>
    %dma_wait3A_190 = arith.constant 0 : i32
    %dma_wait3A_191 = tpu.memref_slice %arg6[%add3A_181, %dma_wait3A_190] : memref<3276800x128xf32, #tpu.memory_space<hbm>> -> memref<128x64xf32, #tpu.memory_space<hbm>>
    %dma_wait3A_192 = arith.constant 0 : i32
    %dma_wait3A_193 = arith.constant 0 : i32
    %dma_wait3A_194 = tpu.memref_slice %arg10[%dma_wait3A_182, %dma_wait3A_183, %dma_wait3A_192, %dma_wait3A_193] : memref<2x4x128x64xf32, #tpu.memory_space<vmem>> -> memref<1x1x128x64xf32, #tpu.memory_space<vmem>>
    %dma_wait3A_195 = tpu.memref_squeeze %dma_wait3A_194 : memref<1x1x128x64xf32, #tpu.memory_space<vmem>> -> memref<128x64xf32, #tpu.memory_space<vmem>>
    tpu.wait_dma2 semaphore(%arg16 : memref<!tpu.dma_semaphore, #tpu.memory_space<semaphore_mem>>) src(%dma_wait3A_195 : memref<128x64xf32, #tpu.memory_space<vmem>>) dst(%dma_wait3A_191 : memref<128x64xf32, #tpu.memory_space<hbm>>)
    %add3A_196 = arith.constant 101376 : i32
    %add3A_197 = arith.addi %mul3A_2, %add3A_196 : i32
    %add3A_198 = arith.constant 256 : i32
    %add3A_199 = arith.addi %add3A_197, %add3A_198 : i32
    %dma_wait3A_200 = arith.constant 0 : i32
    %dma_wait3A_201 = arith.constant 2 : i32
    %dma_wait3A_202 = arith.constant 0 : i32
    %dma_wait3A_203 = arith.constant 0 : i32
    %dma_wait3A_204 = tpu.memref_slice %arg10[%dma_wait3A_200, %dma_wait3A_201, %dma_wait3A_202, %dma_wait3A_203] : memref<2x4x128x64xf32, #tpu.memory_space<vmem>> -> memref<1x1x128x64xf32, #tpu.memory_space<vmem>>
    %dma_wait3A_205 = tpu.memref_squeeze %dma_wait3A_204 : memref<1x1x128x64xf32, #tpu.memory_space<vmem>> -> memref<128x64xf32, #tpu.memory_space<vmem>>
    %dma_wait3A_206 = arith.constant 0 : i32
    %dma_wait3A_207 = tpu.memref_slice %arg6[%add3A_199, %dma_wait3A_206] : memref<3276800x128xf32, #tpu.memory_space<hbm>> -> memref<128x64xf32, #tpu.memory_space<hbm>>
    %dma_wait3A_208 = arith.constant 0 : i32
    %dma_wait3A_209 = tpu.memref_slice %arg6[%add3A_199, %dma_wait3A_208] : memref<3276800x128xf32, #tpu.memory_space<hbm>> -> memref<128x64xf32, #tpu.memory_space<hbm>>
    %dma_wait3A_210 = arith.constant 0 : i32
    %dma_wait3A_211 = arith.constant 0 : i32
    %dma_wait3A_212 = tpu.memref_slice %arg10[%dma_wait3A_200, %dma_wait3A_201, %dma_wait3A_210, %dma_wait3A_211] : memref<2x4x128x64xf32, #tpu.memory_space<vmem>> -> memref<1x1x128x64xf32, #tpu.memory_space<vmem>>
    %dma_wait3A_213 = tpu.memref_squeeze %dma_wait3A_212 : memref<1x1x128x64xf32, #tpu.memory_space<vmem>> -> memref<128x64xf32, #tpu.memory_space<vmem>>
    tpu.wait_dma2 semaphore(%arg16 : memref<!tpu.dma_semaphore, #tpu.memory_space<semaphore_mem>>) src(%dma_wait3A_213 : memref<128x64xf32, #tpu.memory_space<vmem>>) dst(%dma_wait3A_209 : memref<128x64xf32, #tpu.memory_space<hbm>>)
    %add3A_214 = arith.constant 101376 : i32
    %add3A_215 = arith.addi %mul3A_2, %add3A_214 : i32
    %add3A_216 = arith.constant 384 : i32
    %add3A_217 = arith.addi %add3A_215, %add3A_216 : i32
    %dma_wait3A_218 = arith.constant 0 : i32
    %dma_wait3A_219 = arith.constant 3 : i32
    %dma_wait3A_220 = arith.constant 0 : i32
    %dma_wait3A_221 = arith.constant 0 : i32
    %dma_wait3A_222 = tpu.memref_slice %arg10[%dma_wait3A_218, %dma_wait3A_219, %dma_wait3A_220, %dma_wait3A_221] : memref<2x4x128x64xf32, #tpu.memory_space<vmem>> -> memref<1x1x128x64xf32, #tpu.memory_space<vmem>>
    %dma_wait3A_223 = tpu.memref_squeeze %dma_wait3A_222 : memref<1x1x128x64xf32, #tpu.memory_space<vmem>> -> memref<128x64xf32, #tpu.memory_space<vmem>>
    %dma_wait3A_224 = arith.constant 0 : i32
    %dma_wait3A_225 = tpu.memref_slice %arg6[%add3A_217, %dma_wait3A_224] : memref<3276800x128xf32, #tpu.memory_space<hbm>> -> memref<128x64xf32, #tpu.memory_space<hbm>>
    %dma_wait3A_226 = arith.constant 0 : i32
    %dma_wait3A_227 = tpu.memref_slice %arg6[%add3A_217, %dma_wait3A_226] : memref<3276800x128xf32, #tpu.memory_space<hbm>> -> memref<128x64xf32, #tpu.memory_space<hbm>>
    %dma_wait3A_228 = arith.constant 0 : i32
    %dma_wait3A_229 = arith.constant 0 : i32
    %dma_wait3A_230 = tpu.memref_slice %arg10[%dma_wait3A_218, %dma_wait3A_219, %dma_wait3A_228, %dma_wait3A_229] : memref<2x4x128x64xf32, #tpu.memory_space<vmem>> -> memref<1x1x128x64xf32, #tpu.memory_space<vmem>>
    %dma_wait3A_231 = tpu.memref_squeeze %dma_wait3A_230 : memref<1x1x128x64xf32, #tpu.memory_space<vmem>> -> memref<128x64xf32, #tpu.memory_space<vmem>>
    tpu.wait_dma2 semaphore(%arg16 : memref<!tpu.dma_semaphore, #tpu.memory_space<semaphore_mem>>) src(%dma_wait3A_231 : memref<128x64xf32, #tpu.memory_space<vmem>>) dst(%dma_wait3A_227 : memref<128x64xf32, #tpu.memory_space<hbm>>)
    %add3A_232 = arith.constant 101888 : i32
    %add3A_233 = arith.addi %mul3A_2, %add3A_232 : i32
    %add3A_234 = arith.constant 0 : i32
    %add3A_235 = arith.addi %add3A_233, %add3A_234 : i32
    %dma_wait3A_236 = arith.constant 1 : i32
    %dma_wait3A_237 = arith.constant 0 : i32
    %dma_wait3A_238 = arith.constant 0 : i32
    %dma_wait3A_239 = arith.constant 0 : i32
    %dma_wait3A_240 = tpu.memref_slice %arg10[%dma_wait3A_236, %dma_wait3A_237, %dma_wait3A_238, %dma_wait3A_239] : memref<2x4x128x64xf32, #tpu.memory_space<vmem>> -> memref<1x1x128x64xf32, #tpu.memory_space<vmem>>
    %dma_wait3A_241 = tpu.memref_squeeze %dma_wait3A_240 : memref<1x1x128x64xf32, #tpu.memory_space<vmem>> -> memref<128x64xf32, #tpu.memory_space<vmem>>
    %dma_wait3A_242 = arith.constant 0 : i32
    %dma_wait3A_243 = tpu.memref_slice %arg6[%add3A_235, %dma_wait3A_242] : memref<3276800x128xf32, #tpu.memory_space<hbm>> -> memref<128x64xf32, #tpu.memory_space<hbm>>
    %dma_wait3A_244 = arith.constant 0 : i32
    %dma_wait3A_245 = tpu.memref_slice %arg6[%add3A_235, %dma_wait3A_244] : memref<3276800x128xf32, #tpu.memory_space<hbm>> -> memref<128x64xf32, #tpu.memory_space<hbm>>
    %dma_wait3A_246 = arith.constant 0 : i32
    %dma_wait3A_247 = arith.constant 0 : i32
    %dma_wait3A_248 = tpu.memref_slice %arg10[%dma_wait3A_236, %dma_wait3A_237, %dma_wait3A_246, %dma_wait3A_247] : memref<2x4x128x64xf32, #tpu.memory_space<vmem>> -> memref<1x1x128x64xf32, #tpu.memory_space<vmem>>
    %dma_wait3A_249 = tpu.memref_squeeze %dma_wait3A_248 : memref<1x1x128x64xf32, #tpu.memory_space<vmem>> -> memref<128x64xf32, #tpu.memory_space<vmem>>
    tpu.wait_dma2 semaphore(%arg17 : memref<!tpu.dma_semaphore, #tpu.memory_space<semaphore_mem>>) src(%dma_wait3A_249 : memref<128x64xf32, #tpu.memory_space<vmem>>) dst(%dma_wait3A_245 : memref<128x64xf32, #tpu.memory_space<hbm>>)
    %add3A_250 = arith.constant 101888 : i32
    %add3A_251 = arith.addi %mul3A_2, %add3A_250 : i32
    %add3A_252 = arith.constant 128 : i32
    %add3A_253 = arith.addi %add3A_251, %add3A_252 : i32
    %dma_wait3A_254 = arith.constant 1 : i32
    %dma_wait3A_255 = arith.constant 1 : i32
    %dma_wait3A_256 = arith.constant 0 : i32
    %dma_wait3A_257 = arith.constant 0 : i32
    %dma_wait3A_258 = tpu.memref_slice %arg10[%dma_wait3A_254, %dma_wait3A_255, %dma_wait3A_256, %dma_wait3A_257] : memref<2x4x128x64xf32, #tpu.memory_space<vmem>> -> memref<1x1x128x64xf32, #tpu.memory_space<vmem>>
    %dma_wait3A_259 = tpu.memref_squeeze %dma_wait3A_258 : memref<1x1x128x64xf32, #tpu.memory_space<vmem>> -> memref<128x64xf32, #tpu.memory_space<vmem>>
    %dma_wait3A_260 = arith.constant 0 : i32
    %dma_wait3A_261 = tpu.memref_slice %arg6[%add3A_253, %dma_wait3A_260] : memref<3276800x128xf32, #tpu.memory_space<hbm>> -> memref<128x64xf32, #tpu.memory_space<hbm>>
    %dma_wait3A_262 = arith.constant 0 : i32
    %dma_wait3A_263 = tpu.memref_slice %arg6[%add3A_253, %dma_wait3A_262] : memref<3276800x128xf32, #tpu.memory_space<hbm>> -> memref<128x64xf32, #tpu.memory_space<hbm>>
    %dma_wait3A_264 = arith.constant 0 : i32
    %dma_wait3A_265 = arith.constant 0 : i32
    %dma_wait3A_266 = tpu.memref_slice %arg10[%dma_wait3A_254, %dma_wait3A_255, %dma_wait3A_264, %dma_wait3A_265] : memref<2x4x128x64xf32, #tpu.memory_space<vmem>> -> memref<1x1x128x64xf32, #tpu.memory_space<vmem>>
    %dma_wait3A_267 = tpu.memref_squeeze %dma_wait3A_266 : memref<1x1x128x64xf32, #tpu.memory_space<vmem>> -> memref<128x64xf32, #tpu.memory_space<vmem>>
    tpu.wait_dma2 semaphore(%arg17 : memref<!tpu.dma_semaphore, #tpu.memory_space<semaphore_mem>>) src(%dma_wait3A_267 : memref<128x64xf32, #tpu.memory_space<vmem>>) dst(%dma_wait3A_263 : memref<128x64xf32, #tpu.memory_space<hbm>>)
    %add3A_268 = arith.constant 101888 : i32
    %add3A_269 = arith.addi %mul3A_2, %add3A_268 : i32
    %add3A_270 = arith.constant 256 : i32
    %add3A_271 = arith.addi %add3A_269, %add3A_270 : i32
    %dma_wait3A_272 = arith.constant 1 : i32
    %dma_wait3A_273 = arith.constant 2 : i32
    %dma_wait3A_274 = arith.constant 0 : i32
    %dma_wait3A_275 = arith.constant 0 : i32
    %dma_wait3A_276 = tpu.memref_slice %arg10[%dma_wait3A_272, %dma_wait3A_273, %dma_wait3A_274, %dma_wait3A_275] : memref<2x4x128x64xf32, #tpu.memory_space<vmem>> -> memref<1x1x128x64xf32, #tpu.memory_space<vmem>>
    %dma_wait3A_277 = tpu.memref_squeeze %dma_wait3A_276 : memref<1x1x128x64xf32, #tpu.memory_space<vmem>> -> memref<128x64xf32, #tpu.memory_space<vmem>>
    %dma_wait3A_278 = arith.constant 0 : i32
    %dma_wait3A_279 = tpu.memref_slice %arg6[%add3A_271, %dma_wait3A_278] : memref<3276800x128xf32, #tpu.memory_space<hbm>> -> memref<128x64xf32, #tpu.memory_space<hbm>>
    %dma_wait3A_280 = arith.constant 0 : i32
    %dma_wait3A_281 = tpu.memref_slice %arg6[%add3A_271, %dma_wait3A_280] : memref<3276800x128xf32, #tpu.memory_space<hbm>> -> memref<128x64xf32, #tpu.memory_space<hbm>>
    %dma_wait3A_282 = arith.constant 0 : i32
    %dma_wait3A_283 = arith.constant 0 : i32
    %dma_wait3A_284 = tpu.memref_slice %arg10[%dma_wait3A_272, %dma_wait3A_273, %dma_wait3A_282, %dma_wait3A_283] : memref<2x4x128x64xf32, #tpu.memory_space<vmem>> -> memref<1x1x128x64xf32, #tpu.memory_space<vmem>>
    %dma_wait3A_285 = tpu.memref_squeeze %dma_wait3A_284 : memref<1x1x128x64xf32, #tpu.memory_space<vmem>> -> memref<128x64xf32, #tpu.memory_space<vmem>>
    tpu.wait_dma2 semaphore(%arg17 : memref<!tpu.dma_semaphore, #tpu.memory_space<semaphore_mem>>) src(%dma_wait3A_285 : memref<128x64xf32, #tpu.memory_space<vmem>>) dst(%dma_wait3A_281 : memref<128x64xf32, #tpu.memory_space<hbm>>)
    %add3A_286 = arith.constant 101888 : i32
    %add3A_287 = arith.addi %mul3A_2, %add3A_286 : i32
    %add3A_288 = arith.constant 384 : i32
    %add3A_289 = arith.addi %add3A_287, %add3A_288 : i32
    %dma_wait3A_290 = arith.constant 1 : i32
    %dma_wait3A_291 = arith.constant 3 : i32
    %dma_wait3A_292 = arith.constant 0 : i32
    %dma_wait3A_293 = arith.constant 0 : i32
    %dma_wait3A_294 = tpu.memref_slice %arg10[%dma_wait3A_290, %dma_wait3A_291, %dma_wait3A_292, %dma_wait3A_293] : memref<2x4x128x64xf32, #tpu.memory_space<vmem>> -> memref<1x1x128x64xf32, #tpu.memory_space<vmem>>
    %dma_wait3A_295 = tpu.memref_squeeze %dma_wait3A_294 : memref<1x1x128x64xf32, #tpu.memory_space<vmem>> -> memref<128x64xf32, #tpu.memory_space<vmem>>
    %dma_wait3A_296 = arith.constant 0 : i32
    %dma_wait3A_297 = tpu.memref_slice %arg6[%add3A_289, %dma_wait3A_296] : memref<3276800x128xf32, #tpu.memory_space<hbm>> -> memref<128x64xf32, #tpu.memory_space<hbm>>
    %dma_wait3A_298 = arith.constant 0 : i32
    %dma_wait3A_299 = tpu.memref_slice %arg6[%add3A_289, %dma_wait3A_298] : memref<3276800x128xf32, #tpu.memory_space<hbm>> -> memref<128x64xf32, #tpu.memory_space<hbm>>
    %dma_wait3A_300 = arith.constant 0 : i32
    %dma_wait3A_301 = arith.constant 0 : i32
    %dma_wait3A_302 = tpu.memref_slice %arg10[%dma_wait3A_290, %dma_wait3A_291, %dma_wait3A_300, %dma_wait3A_301] : memref<2x4x128x64xf32, #tpu.memory_space<vmem>> -> memref<1x1x128x64xf32, #tpu.memory_space<vmem>>
    %dma_wait3A_303 = tpu.memref_squeeze %dma_wait3A_302 : memref<1x1x128x64xf32, #tpu.memory_space<vmem>> -> memref<128x64xf32, #tpu.memory_space<vmem>>
    tpu.wait_dma2 semaphore(%arg17 : memref<!tpu.dma_semaphore, #tpu.memory_space<semaphore_mem>>) src(%dma_wait3A_303 : memref<128x64xf32, #tpu.memory_space<vmem>>) dst(%dma_wait3A_299 : memref<128x64xf32, #tpu.memory_space<hbm>>)
    %add3A_304 = arith.constant 102400 : i32
    %add3A_305 = arith.addi %mul3A_2, %add3A_304 : i32
    %min3A_306 = arith.constant 3276288 : i32
    %min3A_307 = arith.minsi %add3A_305, %min3A_306 : i32
    %dma_wait3A_308 = arith.constant 0 : i32
    %dma_wait3A_309 = arith.constant 0 : i32
    %dma_wait3A_310 = tpu.memref_slice %arg8[%dma_wait3A_308, %dma_wait3A_309] : memref<2x512xi32, #tpu.memory_space<vmem>> -> memref<1x512xi32, #tpu.memory_space<vmem>>
    %dma_wait3A_311 = tpu.memref_squeeze %dma_wait3A_310 : memref<1x512xi32, #tpu.memory_space<vmem>> -> memref<512xi32, #tpu.memory_space<vmem>>
    %dma_wait3A_312 = tpu.memref_slice %arg2[%min3A_307] : memref<3276800xi32, #tpu.memory_space<hbm>> -> memref<512xi32, #tpu.memory_space<hbm>>
    %dma_wait3A_313 = arith.constant 0 : i32
    %dma_wait3A_314 = tpu.memref_slice %arg8[%dma_wait3A_308, %dma_wait3A_313] : memref<2x512xi32, #tpu.memory_space<vmem>> -> memref<1x512xi32, #tpu.memory_space<vmem>>
    %dma_wait3A_315 = tpu.memref_squeeze %dma_wait3A_314 : memref<1x512xi32, #tpu.memory_space<vmem>> -> memref<512xi32, #tpu.memory_space<vmem>>
    %dma_wait3A_316 = tpu.memref_slice %arg2[%min3A_307] : memref<3276800xi32, #tpu.memory_space<hbm>> -> memref<512xi32, #tpu.memory_space<hbm>>
    tpu.wait_dma2 semaphore(%arg12 : memref<!tpu.dma_semaphore, #tpu.memory_space<semaphore_mem>>) src(%dma_wait3A_316 : memref<512xi32, #tpu.memory_space<hbm>>) dst(%dma_wait3A_315 : memref<512xi32, #tpu.memory_space<vmem>>)
    %add3A_317 = arith.constant 102912 : i32
    %add3A_318 = arith.addi %mul3A_2, %add3A_317 : i32
    %min3A_319 = arith.constant 3276288 : i32
    %min3A_320 = arith.minsi %add3A_318, %min3A_319 : i32
    %dma_wait3A_321 = arith.constant 1 : i32
    %dma_wait3A_322 = arith.constant 0 : i32
    %dma_wait3A_323 = tpu.memref_slice %arg8[%dma_wait3A_321, %dma_wait3A_322] : memref<2x512xi32, #tpu.memory_space<vmem>> -> memref<1x512xi32, #tpu.memory_space<vmem>>
    %dma_wait3A_324 = tpu.memref_squeeze %dma_wait3A_323 : memref<1x512xi32, #tpu.memory_space<vmem>> -> memref<512xi32, #tpu.memory_space<vmem>>
    %dma_wait3A_325 = tpu.memref_slice %arg2[%min3A_320] : memref<3276800xi32, #tpu.memory_space<hbm>> -> memref<512xi32, #tpu.memory_space<hbm>>
    %dma_wait3A_326 = arith.constant 0 : i32
    %dma_wait3A_327 = tpu.memref_slice %arg8[%dma_wait3A_321, %dma_wait3A_326] : memref<2x512xi32, #tpu.memory_space<vmem>> -> memref<1x512xi32, #tpu.memory_space<vmem>>
    %dma_wait3A_328 = tpu.memref_squeeze %dma_wait3A_327 : memref<1x512xi32, #tpu.memory_space<vmem>> -> memref<512xi32, #tpu.memory_space<vmem>>
    %dma_wait3A_329 = tpu.memref_slice %arg2[%min3A_320] : memref<3276800xi32, #tpu.memory_space<hbm>> -> memref<512xi32, #tpu.memory_space<hbm>>
    tpu.wait_dma2 semaphore(%arg13 : memref<!tpu.dma_semaphore, #tpu.memory_space<semaphore_mem>>) src(%dma_wait3A_329 : memref<512xi32, #tpu.memory_space<hbm>>) dst(%dma_wait3A_328 : memref<512xi32, #tpu.memory_space<vmem>>)
    return
  }
}

</mosaic_0001>

<sc_bundles>
// kernel: _run.3.cloned.1.call-start
scs
__scs_entry_jumppad:
0x0: {  	(pc) =	sbr.rel $0x88, $3  }
0x1: {  	(tag) =	ssettag $0x0;
	lr =	simm.s32 $0x1  }
0x2: {  	[smem:$0x3F9D] =	sst lr;
	_ =	strace $0xD0000000  }
0x3: {  	_ = 	snop  }
0x4: {  	_ = 	snop  }
0x5: {  	_ = 	snop  }
0x6: {  	_ = 	snop  }
0x7: {  	_ = 	snop  }
__scs_overlays_trampoline_lowered:
0x8: {  	[smem:$0x3FAC] =	sst s0  }
0x9: {  	[smem:$0x3FAD] =	sst s1  }
0xa: {  	[smem:$0x3FAE] =	sst s2  }
0xb: {  	[smem:$0x3FAF] =	sst s3  }
0xc: {  	[smem:$0x3FB0] =	sst s4  }
0xd: {  	[smem:$0x3FB1] =	sst s5  }
0xe: {  	[smem:$0x3FB2] =	sst s6  }
0xf: {  	[smem:$0x3FB3] =	sst s7  }
0x10: {  	[smem:$0x3FB4] =	sst s8  }
0x11: {  	[smem:$0x3FB5] =	sst s9;
	s0 =	simm.s32 @!p0 $0x0  }
0x12: {  	s1 =	sld [smem:$0x3F9B];
	s0 =	simm.s32 @p0 $0x1  }
0x13: {  	[smem:$0x3FB6] =	sst s0;
	s0 =	simm.s32 @!p1 $0x0  }
0x14: {  	s2 =	sld [smem:$0x3F9A];
	s0 =	simm.s32 @p1 $0x1  }
0x15: {  	[smem:$0x3FB7] =	sst s0;
	s0 =	simm.s32 @!p2 $0x0  }
0x16: {  	s3 =	sld [smem:$0x3FDB];
	s0 =	simm.s32 @p2 $0x1  }
0x17: {  	s4 =	simm.s32 $0x1BF5;
	[smem:$0x3FB9] =	sst s0  }
0x18: {  	s0 =	sld [smem:$0x3F9C];
	_ =	swait.ge [sflag:s4], $0x0  }
0x19: {  	s7 =	sld [smem:$0x3F9D]  }
0x1a: {  	s8 =	sadd.s32 $0xFFFFE003, lr  }
0x1b: {  	s9 =	sadd.s32 $0xFFFFFEF7, lr;
	s5 =	simm.s32 $0xFFFFFFFF;
	p2 =	slt.u32 s8, $0xFFFFF086  }
0x1c: {  	p1 =	slt.u32 s9, $0xF7A;
	s5 =	simm.s32 @!p2 $0x0  }
0x1d: {  	s5 =	simm.s32 @p1 $0x1;
	p0 =	seq.s32 s7, s2  }
0x1e: {  	s7 =	smul.u32 @!p0 $0xF7A, s2;
	p2 =	seq.s32 @!p0 s5, $0x0  }
0x1f: {  	s9 =	smul.u32 $0xF7A, s1;
	s8 =	simm.s32 @!p0 $0x1BF5;
	p2 =	por !p2, p0  }
0x20: {  	[sflag:s8] =	ssyncset.s32 @!p0 $0xFFFFF086;
	s6 =	sadd.s32 @!p0 s3, s7;
	s7 =	simm.s32 @!p0 $0x108  }
0x21: {  	s3 =	sadd.s32 s3, s9;
	s6 =	sadd.s32 @!p0 $0x88, s6;
	s7 =	simm.s32 @p2 $0x1082  }
0x22: {  	[simem:s7], [sflag:s8] =	dma.local @!p0 [hbm:s6], $0xF7A  }
0x23: {  	s9 =	sor.u32 $0xD0000000, s2;
	s6 =	simm.s32 $0x108;
	_ =	swait.ge @!p0 [sflag:s8], $0x0  }
0x24: {  	s3 =	sadd.s32 $0x88, s3;
	s6 =	simm.s32 @!p1 $0x1082;
	[sflag:s4] =	ssyncset.s32 $0xFFFFF086  }
0x25: {  	[simem:s6], [sflag:s4] =	dma.local [hbm:s3], $0xF7A  }
0x26: {  	[smem:$0x3F9D] =	sst s1;
	(tag) =	ssettag s2;
	_ =	strace s9  }
0x27: {  	s1 =	sld [smem:$0x3FAD]  }
0x28: {  	s2 =	sld [smem:$0x3FAE]  }
0x29: {  	s4 =	sld [smem:$0x3FB0]  }
0x2a: {  	p0 =	seq.s32 s5, $0x0;
	s5 =	sld [smem:$0x3FB1]  }
0x2b: {  	s6 =	sld [smem:$0x3FB2]  }
0x2c: {  	s7 =	sld [smem:$0x3FB3]  }
0x2d: {  	s3 =	simm.s32 $0x108;
	s8 =	sld [smem:$0x3FB4]  }
0x2e: {  	s3 =	simm.s32 @!p0 $0x1082;
	s9 =	sld [smem:$0x3FB5]  }
0x2f: {  	lr =	sadd.s32 s0, s3;
	s0 =	sld [smem:$0x3FAC]  }
0x30: {  	s3 =	sld [smem:$0x3FAF]  }
0x31: {  	[smem:$0x3FB8] =	sst s10  }
0x32: {  	s10 =	sld [smem:$0x3FB6];
	_ =	sdelay $0x3  }
0x33: {  	p0 =	seq.s32 s10, $0x1;
	s10 =	sld [smem:$0x3FB8];
	_ =	sdelay $0x3  }
0x34: {  	[smem:$0x3FB8] =	sst s10  }
0x35: {  	s10 =	sld [smem:$0x3FB7];
	_ =	sdelay $0x3  }
0x36: {  	p1 =	seq.s32 s10, $0x1;
	s10 =	sld [smem:$0x3FB8];
	_ =	sdelay $0x3  }
0x37: {  	[smem:$0x3FB8] =	sst s10  }
0x38: {  	s10 =	sld [smem:$0x3FB9]  }
0x39: {  	_ = 	snop;
	(pc) =	sbr.ind lr, $3  }
0x3a: {  	_ = 	snop  }
0x3b: {  	_ = 	snop  }
0x3c: {  	p2 =	seq.s32 s10, $0x1;
	s10 =	sld [smem:$0x3FB8]  }
0x3d: {  	_ =	shalt  }
0x3e: {  	_ =	shalt  }
0x3f: {  	_ =	shalt  }
0x40: {  	_ =	shalt  }
0x41: {  	_ =	shalt  }
0x42: {  	_ =	shalt  }
0x43: {  	_ =	shalt  }
0x44: {  	_ =	shalt  }
0x45: {  	_ =	shalt  }
0x46: {  	_ =	shalt  }
0x47: {  	_ =	shalt  }
0x48: {  	_ =	shalt  }
0x49: {  	_ =	shalt  }
0x4a: {  	_ =	shalt  }
0x4b: {  	_ =	shalt  }
0x4c: {  	_ =	shalt  }
0x4d: {  	_ =	shalt  }
0x4e: {  	_ =	shalt  }
0x4f: {  	_ =	shalt  }
0x50: {  	_ =	shalt  }
0x51: {  	_ =	shalt  }
0x52: {  	_ =	shalt  }
0x53: {  	_ =	shalt  }
0x54: {  	_ =	shalt  }
0x55: {  	_ =	shalt  }
0x56: {  	_ =	shalt  }
0x57: {  	_ =	shalt  }
0x58: {  	_ =	shalt  }
0x59: {  	_ =	shalt  }
0x5a: {  	_ =	shalt  }
0x5b: {  	_ =	shalt  }
0x5c: {  	_ =	shalt  }
0x5d: {  	_ =	shalt  }
0x5e: {  	_ =	shalt  }
0x5f: {  	_ =	shalt  }
0x60: {  	_ =	shalt  }
0x61: {  	_ =	shalt  }
0x62: {  	_ =	shalt  }
0x63: {  	_ =	shalt  }
0x64: {  	_ =	shalt  }
0x65: {  	_ =	shalt  }
0x66: {  	_ =	shalt  }
0x67: {  	_ =	shalt  }
0x68: {  	_ =	shalt  }
0x69: {  	_ =	shalt  }
0x6a: {  	_ =	shalt  }
0x6b: {  	_ =	shalt  }
0x6c: {  	_ =	shalt  }
0x6d: {  	_ =	shalt  }
0x6e: {  	_ =	shalt  }
0x6f: {  	_ =	shalt  }
0x70: {  	_ =	shalt  }
0x71: {  	_ =	shalt  }
0x72: {  	_ =	shalt  }
0x73: {  	_ =	shalt  }
0x74: {  	_ =	shalt  }
0x75: {  	_ =	shalt  }
0x76: {  	_ =	shalt  }
0x77: {  	_ =	shalt  }
0x78: {  	_ =	shalt  }
0x79: {  	_ =	shalt  }
0x7a: {  	_ =	shalt  }
0x7b: {  	_ =	shalt  }
0x7c: {  	_ =	shalt  }
0x7d: {  	_ =	shalt  }
0x7e: {  	_ =	shalt  }
0x7f: {  	_ =	shalt  }
0x80: {  	_ =	shalt  }
0x81: {  	_ =	shalt  }
0x82: {  	_ =	shalt  }
0x83: {  	_ =	shalt  }
0x84: {  	_ =	shalt  }
0x85: {  	_ =	shalt  }
0x86: {  	_ =	shalt  }
0x87: {  	_ =	shalt  }
.Lfunc_end0:
.L_simem_size_0:
called_computation_lowered:
.L_overlay_start_0:
0x88: {  	s2 =	sld [smem:$0x3FD9]  }
0x89: {  	s3 =	sld [smem:$0x3FFE];
	_ =	sdelay $0x1  }
0x8a: {  	s1 =	srdreg.scid  }
0x8b: {  	s0 =	sand.u32 $0x1, s1  }
0x8c: {  	s17 =	sshll.u32 s0, $0xA;
	s2 =	sadd.s32 s3, s2  }
0x8d: {  	s2 =	sadd.s32 s2, s17  }
0x8e: {  	[smem:$0x3FC4] =	sst s2  }
0x8f: {  	_ = 	snop  }
0x90: {  	s2 =	sld [smem:$0x3FC9]  }
0x91: {  	s18 =	sld [smem:$0x3FC8]  }
0x92: {  	s4 =	sld [smem:$0x3FC7]  }
0x93: {  	s5 =	sld [smem:$0x3FD0];
	(tm) =	ssettm $0x1  }
0x94: {  	s6 =	sld [smem:$0x3FFB];
	_ =	sdelay $0x3  }
0x95: {  	_ =	strace s6  }
0x96: {  	s6 =	sld [smem:$0x3FFC];
	_ =	sdelay $0x3  }
0x97: {  	_ =	strace s6  }
0x98: {  	s6 =	sld [smem:$0x3FFD];
	_ =	sdelay $0x3  }
0x99: {  	_ =	strace s6  }
0x9a: {  	_ =	strace $0x8FFFFFFF  }
0x9b: {  	s19 =	sld [smem:$0x3FDB];
	_ =	sdelay $0x1  }
0x9c: {  	s7 =	simm.s32 $_scs_section_size  }
0x9d: {  	s8 =	simm.s32 $_size__tile_overlayer_lowered;
	s9 =	simm.s32 $_tile_overlayer_lowered  }
0x9e: {  	s22 =	simm.s32 $0x1BFF;
	s21 =	sshll.u32 s9, $0x1;
	s6 =	sadd.s32 s7, s19  }
0x9f: {  	s10 =	simm.s32 $0x0;
	s20 =	sshll.u32 s8, $0x1;
	s8 =	sadd.s32 s21, s6  }
0xa0: {  	[timem:s10], [sflag:s22] =	dma.local [hbm:s8], s20  }
0xa1: {  	_ =	swait.ge [sflag:s22], s20  }
0xa2: {  	s7 =	ssub.s32 $0x0, s20;
	[sflag:s22] =	ssyncset.done $0x0  }
0xa3: {  	[sflag:s22] =	ssyncadd.s32 s7;
	_ =	sdelay $0x1  }
0xa4: {  	s23 =	simm.s32 $0x1B8B  }
0xa5: {  	_ =	swait.ge [sflag:s23], $0x1  }
0xa6: {  	[sflag:s23] =	ssyncset.done $0x0  }
0xa7: {  	s25 =	simm.s32 $0x1B8E;
	s24 =	sld [smem:$0x3FFE];
	[sflag:s23] =	ssyncadd.s32 $0xFFFFFFFF  }
0xa8: {  	s26 =	simm.s32 $execute0_lowered;
	[smem:$0x3FD2] =	sst s25  }
0xa9: {  	s8 =	sshll.u32 s26, $0x1;
	_ =	strace $0x80000046;
	[dreg:$0x1] =	wrdreg $0xFFFFFFFF  }
0xaa: {  	s28 =	simm.s32 $_size_execute0_lowered;
	s6 =	sadd.s32 s6, s8;
	[dreg:$0x0] =	wrdreg $0x0  }
0xab: {  	s8 =	sshll.u32 s28, $0x1;
	[dreg:$0x2] =	wrdreg s6  }
0xac: {  	[dreg:$0x3] =	wrdreg s8  }
0xad: {  	[dreg:$0x4] =	wrdreg $0xC0  }
0xae: {  	_ =	task [dreg:s10], $0x5FFFF  }
0xaf: {  	[dreg:$0x1] =	wrdreg $0xFFFFFFFF  }
0xb0: {  	[dreg:$0x0] =	wrdreg $0x60  }
0xb1: {  	[dreg:$0x2] =	wrdreg s2  }
0xb2: {  	[dreg:$0x3] =	wrdreg s18  }
0xb3: {  	[dreg:$0x4] =	wrdreg s4  }
0xb4: {  	[dreg:$0x5] =	wrdreg s24  }
0xb5: {  	[dreg:$0x6] =	wrdreg s5  }
0xb6: {  	[dreg:$0x7] =	wrdreg $0x9  }
0xb7: {  	_ =	task.clear_ibuf [dreg:s10], $0x8FFFF;
	_ =	strace $0x90000046  }
0xb8: {  	s29 =	simm.s32 $0x9;
	_ =	strace $0x80000048  }
0xb9: {  	_ =	swait.ge [sflag:s29], $0x1  }
0xba: {  	[sflag:s29] =	ssyncadd.s32 $0xFFFFFFFF  }
0xbb: {  	_ =	strace $0x90000048  }
0xbc: {  	_ =	sfence  }
0xbd: {  	s30 =	sld [smem:$0x0];
	_ =	sdelay $0x2  }
0xbe: {  	s31 =	sshll.u32 s1, $0xD;
	s1 =	sshrl.u32 s1, $0x2  }
0xbf: {  	s3 =	sand.u32 $0x4000, s31;
	s1 =	sadd.s32 s1, s30  }
0xc0: {  	s0 =	sor.u32 s3, s0;
	s1 =	sshll.u32 s1, $0x11  }
0xc1: {  	s0 =	sor.u32 s1, s0  }
0xc2: {  	s0 =	sadd.s32 $0x8F2B, s0  }
0xc3: {  	[sflag:s0] =	ssyncadd.remote.s32 $0x1  }
0xc4: {  	_ =	sfence.sel $0xFFFF  }
0xc5: {  	[dreg:$0x0] =	wrdreg $0xFFFFFFFF;
	(pc) =	sbr.abs _section_cstart, $3  }
0xc6: {  	[dreg:$0x1] =	wrdreg $0xFFFFFFFF  }
0xc7: {  	_ =	task.clear_ibuf [dreg:s10], $0x2FFFF;
	_ =	strace $0x9FFFFFFF  }
0xc8: {  	(tm) =	ssettm $0x7FFFFFFF  }
0xc9: {  	_ =	shalt  }
tec
execute0_lowered:
.L_overlay_start_1:
0x0: {  	(tag) =	ssettag $0x1  }
0x1: {  	s0 =	rddreg [dreg:$0x0]  }
0x2: {  	s1 =	rddreg [dreg:$0x3];
	s2 =	srdreg.scid  }
0x3: {  	s11 =	stileid.u32;
	s5 =	rddreg [dreg:$0x4];
	s6 =	simm.s32 $0x0  }
0x4: {  	s19 =	simm.s32 $0xC800;
	s20 =	simm.s32 $0xC880;
	s21 =	simm.s32 $0xC900  }
0x5: {  	s22 =	simm.s32 $0xC980;
	s23 =	simm.s32 $0xCA00;
	s24 =	simm.s32 $0xCA80  }
0x6: {  	s28 =	simm.s32 $0x3;
	s29 =	simm.s32 $0x40;
	s30 =	simm.s32 $0x2  }
0x7: {  	s31 =	simm.s32 $0x14C00;
	[smem:$0x7FF] =	sst s6;
	s9 =	sadd.s32 $0x800, s5  }
0x8: {  	s10 =	sadd.s32 $0x1000, s5;
	_ =	strace $0x80000047;
	[dreg:$0x6] =	wrdreg s9  }
0x9: {  	s2 =	sand.u32 $0x1, s2;
	s3 =	sshll.u32 s11, $0x1;
	[dreg:$0x7] =	wrdreg s10  }
0xa: {  	s7 =	sadd.s32 $0x400, s1;
	s12 =	smul.u32 $0x320000, s11;
	[dreg:$0xa] =	wrdreg s19  }
0xb: {  	s13 =	smul.u32 $0x32000, s11;
	s3 =	sor.u32 s2, s3;
	[dreg:$0xb] =	wrdreg s20  }
0xc: {  	s8 =	ssub.s32 $0x2, s2;
	s10 =	smul.u32 $0x190000, s2;
	[dreg:$0xc] =	wrdreg s21  }
0xd: {  	s9 =	sadd.s32 $0x1800, s5;
	s2 =	smul.u32 $0x19000, s2;
	[dreg:$0xd] =	wrdreg s22  }
0xe: {  	s19 =	simm.s32 $0xC400;
	s20 =	simm.s32 $0xC600;
	[dreg:$0xe] =	wrdreg s23  }
0xf: {  	s21 =	simm.s32 $0x1;
	s22 =	simm.s32 $0x80;
	[dreg:$0xf] =	wrdreg s24  }
0x10: {  	s23 =	simm.s32 $0xCC00;
	s24 =	simm.s32 $0xEC00;
	s4 =	smul.u32 $0x19000, s3  }
0x11: {  	s25 =	sshrl.u32 s8, $0x1;
	s3 =	smul.u32 $0xC80000, s3;
	[dreg:$0x8] =	wrdreg s9  }
0x12: {  	s9 =	simm.s32 $0x6;
	s1 =	ssub.s32 s8, s25;
	s25 =	simm.s32 $0xCB00  }
0x13: {  	s4 =	sshrl.u32 s4, $0x3;
	s1 =	smax.u32 s1, $0x1;
	[dreg:$0x10] =	wrdreg s25  }
0x14: {  	s17 =	sadd.s32 s2, s13;
	s26 =	sadd.s32 s0, s4;
	[dreg:$0x18] =	wrdreg s1  }
0x15: {  	s3 =	sshrl.u32 s3, $0x3;
	s1 =	sor.u32 $0x600, s17;
	[dreg:$0x12] =	wrdreg s26  }
0x16: {  	s3 =	sadd.s32 s5, s3;
	s8 =	sadd.s32 $0x40, s26;
	[dreg:$0x19] =	wrdreg s1  }
0x17: {  	s2 =	simm.s32 $0x1AC00;
	s14 =	sadd.s32 $0x18E000, s3;
	[dreg:$0x13] =	wrdreg s8  }
0x18: {  	s25 =	simm.s32 $0x10C00;
	s15 =	sadd.s32 $0x18E800, s3;
	[dreg:$0x14] =	wrdreg s14  }
0x19: {  	s4 =	simm.s32 $0x16C00;
	s16 =	sadd.s32 $0x18F000, s3;
	[dreg:$0x15] =	wrdreg s15  }
0x1a: {  	s3 =	sadd.s32 $0x18F800, s3;
	s26 =	simm.s32 $0xCB80;
	[dreg:$0x16] =	wrdreg s16  }
0x1b: {  	s1 =	simm.s32 $0x18C00;
	[dreg:$0x17] =	wrdreg s3;
	s14 =	sadd.s32 s10, s12  }
0x1c: {  	[dreg:$0x11] =	wrdreg s26;
	s26 =	simm.s32 $0x12C00;
	s18 =	sadd.s32 s5, s14  }
0x1d: {  	s10 =	simm.s32 $0x0;
	[dreg:$0x9] =	wrdreg s18;
	s18 =	simm.s32 $0x5  }
.LBB2_1:
0x1e: {  	s3 =	rddreg [dreg:$0x1];
	s8 =	simm.s32 $0x7  }
0x1f: {  	[tilespmem:s6], [sflag:$0x7] =	stream.linear.gather [hbm4b:s3+s6], $0xC400, $0x38;
	[tilespmem:$0x1CC10] =	vst v63  }
0x20: {  	_ =	swait.ge [sflag:s8], $0xC400  }
0x21: {  	[sflag:s8] =	ssyncset.done $0x0  }
0x22: {  	[sflag:s8] =	ssyncadd.s32 $0xFFFF3C00  }
0x23: {  	s11 =	simm.s32 $0x1CC00;
	s15 =	rddreg [dreg:$0x2]  }
0x24: {  	[tilespmem:s11], [sflag:$0x7] =	stream.linear.gather [hbm4b:s15+s6], $0x10, $0x38;
	[tilespmem:$0x1CC10] =	vst v63  }
0x25: {  	_ =	swait.ge [sflag:s8], $0x10  }
0x26: {  	[sflag:s8] =	ssyncset.done $0x0;
	s16 =	rddreg [dreg:$0x12]  }
0x27: {  	s17 =	rddreg [dreg:$0x13];
	[sflag:s8] =	ssyncadd.s32 $0xFFFFFFF0  }
0x28: {  	v0 =	vld [tilespmem:$0x1CC00];
	[tilespmem:s19], [sflag:$0x1] =	stream.linear.gather [hbm4b:s16+s6], $0x200, $0x38  }
0x29: {  	s11 =	simm.s32 $0x0;
	s16 =	rddreg [dreg:$0x19]  }
0x2a: {  	[tilespmem:s20], [sflag:$0x2] =	stream.linear.gather [hbm4b:s17+s6], $0x200, $0x38;
	[tilespmem:$0x1CC10] =	vst v63  }
.LBB2_2:
0x2b: {  	p0 =	seq.s32 s11, $0x0  }
0x2c: {  	s13 =	simm.s32 @!p0 $0x4  }
0x2d: {  	_ =	swait.ge @!p0 [sflag:s13], $0x2000  }
0x2e: {  	[sflag:s13] =	ssyncset.done @!p0 $0x0  }
0x2f: {  	[sflag:s13] =	ssyncadd.s32 @!p0 $0xFFFFE000  }
0x30: {  	_ =	swait.ge @!p0 [sflag:s13], $0x2000  }
0x31: {  	[sflag:s13] =	ssyncset.done @!p0 $0x0  }
0x32: {  	[sflag:s13] =	ssyncadd.s32 @!p0 $0xFFFFE000  }
0x33: {  	_ =	swait.ge @!p0 [sflag:s13], $0x2000  }
0x34: {  	[sflag:s13] =	ssyncset.done @!p0 $0x0  }
0x35: {  	s15 =	sadd.s32 @!p0 s11, s14;
	s12 =	simm.s32 @!p0 $0x40;
	[sflag:s13] =	ssyncadd.s32 @!p0 $0xFFFFE000  }
0x36: {  	s17 =	simm.s32 @!p0 $0x80;
	s15 =	sadd.s32 @!p0 $0x1FFFE000, s15;
	_ =	swait.ge @!p0 [sflag:s13], $0x2000  }
0x37: {  	s3 =	simm.s32 @!p0 $0x14C00;
	s15 =	sand.u32 @!p0 $0x1FFFE000, s15;
	[sflag:s13] =	ssyncset.done @!p0 $0x0  }
0x38: {  	s8 =	rddreg [dreg:$0x6];
	[sflag:s13] =	ssyncadd.s32 @!p0 $0xFFFFE000;
	s13 =	sadd.s32 @!p0 s5, s15  }
0x39: {  	[hbm4b:s13+s12] =	stream.strided.scatter @!p0 [tilespmem:s3], [sflag:$0x6], $0x2000, s17, s12, $0x38;
	[tilespmem:$0x1CC10] =	vst v63  }
0x3a: {  	s3 =	sadd.s32 @!p0 s15, s8;
	s8 =	simm.s32 @!p0 $0x16C00;
	s13 =	rddreg [dreg:$0x7]  }
0x3b: {  	[hbm4b:s3+s12] =	stream.strided.scatter @!p0 [tilespmem:s8], [sflag:$0x6], $0x2000, s17, s12, $0x38;
	[tilespmem:$0x1CC10] =	vst v63  }
0x3c: {  	s3 =	rddreg [dreg:$0x8];
	s8 =	sadd.s32 @!p0 s15, s13;
	s13 =	simm.s32 @!p0 $0x18C00  }
0x3d: {  	[hbm4b:s8+s12] =	stream.strided.scatter @!p0 [tilespmem:s13], [sflag:$0x6], $0x2000, s17, s12, $0x38;
	[tilespmem:$0x1CC10] =	vst v63  }
0x3e: {  	s3 =	sadd.s32 @!p0 s15, s3;
	s8 =	simm.s32 @!p0 $0x1AC00  }
0x3f: {  	[hbm4b:s3+s12] =	stream.strided.scatter @!p0 [tilespmem:s8], [sflag:$0x6], $0x2000, s17, s12, $0x38;
	[tilespmem:$0x1CC10] =	vst v63  }
0x40: {  	_ =	swait.ge [sflag:s21], $0x200  }
0x41: {  	[sflag:s21] =	ssyncset.done $0x0  }
0x42: {  	[sflag:s21] =	ssyncadd.s32 $0xFFFFFE00  }
0x43: {  	v1 =	vld [tilespmem:$0xC400];
	_ =	sdelay $0x4  }
0x44: {  	vm0 =	vlt.s32 v1, v0  }
0x45: {  	v1 =	vsel vm0, v1, v0  }
0x46: {  	v2 =	vshrl.u32 v1, $0x1  }
0x47: {  	v3 =	vld [tilespmem:$0xC410];
	_ =	sdelay $0x3  }
0x48: {  	v2 =	vld.idx.msk [tilespmem:v2+s6+$0x0], $0xffff  }
0x49: {  	vm13 =	vlt.s32 v3, v0  }
0x4a: {  	v3 =	vsel vm13, v3, v0  }
0x4b: {  	v1 =	vshll.u32 v1, $0x4;
	v4 =	vshrl.u32 v3, $0x1  }
0x4c: {  	v5 =	vld [tilespmem:$0xC420];
	v1 =	vand.u32 $0x10, v1  }
0x4d: {  	v1 =	vshrl.u32 v2, v1  }
0x4e: {  	v1 =	vand.u32 $0xFFFF, v1  }
0x4f: {  	[tilespmem:$0xC800] =	vst v1  }
0x50: {  	v1 =	vld.idx.msk [tilespmem:v4+s6+$0x0], $0xffff  }
0x51: {  	vm14 =	vlt.s32 v5, v0  }
0x52: {  	v2 =	vsel vm14, v5, v0  }
0x53: {  	v3 =	vshll.u32 v3, $0x4;
	v56 =	vshrl.u32 v2, $0x1  }
0x54: {  	v57 =	vld [tilespmem:$0xC430];
	v3 =	vand.u32 $0x10, v3  }
0x55: {  	v1 =	vshrl.u32 v1, v3  }
0x56: {  	v1 =	vand.u32 $0xFFFF, v1  }
0x57: {  	[tilespmem:$0xC810] =	vst v1  }
0x58: {  	v1 =	vld.idx.msk [tilespmem:v56+s6+$0x0], $0xffff  }
0x59: {  	vm15 =	vlt.s32 v57, v0  }
0x5a: {  	v3 =	vsel vm15, v57, v0  }
0x5b: {  	v2 =	vshll.u32 v2, $0x4;
	v58 =	vshrl.u32 v3, $0x1  }
0x5c: {  	v59 =	vld [tilespmem:$0xC440];
	v2 =	vand.u32 $0x10, v2  }
0x5d: {  	v1 =	vshrl.u32 v1, v2  }
0x5e: {  	v1 =	vand.u32 $0xFFFF, v1  }
0x5f: {  	[tilespmem:$0xC820] =	vst v1  }
0x60: {  	v1 =	vld.idx.msk [tilespmem:v58+s6+$0x0], $0xffff  }
0x61: {  	vm4 =	vlt.s32 v59, v0  }
0x62: {  	v2 =	vsel vm4, v59, v0  }
0x63: {  	v3 =	vshll.u32 v3, $0x4;
	v60 =	vshrl.u32 v2, $0x1  }
0x64: {  	v61 =	vld [tilespmem:$0xC450];
	v3 =	vand.u32 $0x10, v3  }
0x65: {  	v1 =	vshrl.u32 v1, v3  }
0x66: {  	v1 =	vand.u32 $0xFFFF, v1  }
0x67: {  	[tilespmem:$0xC830] =	vst v1  }
0x68: {  	v1 =	vld.idx.msk [tilespmem:v60+s6+$0x0], $0xffff  }
0x69: {  	vm5 =	vlt.s32 v61, v0  }
0x6a: {  	v3 =	vsel vm5, v61, v0  }
0x6b: {  	v2 =	vshll.u32 v2, $0x4;
	v62 =	vshrl.u32 v3, $0x1  }
0x6c: {  	v63 =	vld [tilespmem:$0xC460];
	v2 =	vand.u32 $0x10, v2  }
0x6d: {  	v1 =	vshrl.u32 v1, v2  }
0x6e: {  	v1 =	vand.u32 $0xFFFF, v1  }
0x6f: {  	[tilespmem:$0xC840] =	vst v1  }
0x70: {  	v1 =	vld.idx.msk [tilespmem:v62+s6+$0x0], $0xffff  }
0x71: {  	vm6 =	vlt.s32 v63, v0  }
0x72: {  	v2 =	vsel vm6, v63, v0  }
0x73: {  	v3 =	vshll.u32 v3, $0x4;
	v8 =	vshrl.u32 v2, $0x1  }
0x74: {  	v9 =	vld [tilespmem:$0xC470];
	v3 =	vand.u32 $0x10, v3  }
0x75: {  	v1 =	vshrl.u32 v1, v3  }
0x76: {  	v1 =	vand.u32 $0xFFFF, v1  }
0x77: {  	[tilespmem:$0xC850] =	vst v1  }
0x78: {  	v1 =	vld.idx.msk [tilespmem:v8+s6+$0x0], $0xffff  }
0x79: {  	vm7 =	vlt.s32 v9, v0  }
0x7a: {  	v3 =	vsel vm7, v9, v0  }
0x7b: {  	v2 =	vshll.u32 v2, $0x4;
	v10 =	vshrl.u32 v3, $0x1  }
0x7c: {  	v11 =	vld [tilespmem:$0xC480];
	v2 =	vand.u32 $0x10, v2  }
0x7d: {  	v1 =	vshrl.u32 v1, v2  }
0x7e: {  	v1 =	vand.u32 $0xFFFF, v1  }
0x7f: {  	[tilespmem:$0xC860] =	vst v1  }
0x80: {  	v1 =	vld.idx.msk [tilespmem:v10+s6+$0x0], $0xffff  }
0x81: {  	vm8 =	vlt.s32 v11, v0  }
0x82: {  	v2 =	vsel vm8, v11, v0  }
0x83: {  	v3 =	vshll.u32 v3, $0x4;
	v12 =	vshrl.u32 v2, $0x1  }
0x84: {  	v13 =	vld [tilespmem:$0xC490];
	v3 =	vand.u32 $0x10, v3  }
0x85: {  	v1 =	vshrl.u32 v1, v3  }
0x86: {  	v1 =	vand.u32 $0xFFFF, v1  }
0x87: {  	[tilespmem:$0xC870] =	vst v1  }
0x88: {  	v1 =	vld.idx.msk [tilespmem:v12+s6+$0x0], $0xffff  }
0x89: {  	vm9 =	vlt.s32 v13, v0  }
0x8a: {  	v3 =	vsel vm9, v13, v0  }
0x8b: {  	v2 =	vshll.u32 v2, $0x4;
	v14 =	vshrl.u32 v3, $0x1  }
0x8c: {  	v15 =	vld [tilespmem:$0xC4A0];
	v2 =	vand.u32 $0x10, v2  }
0x8d: {  	v1 =	vshrl.u32 v1, v2  }
0x8e: {  	v1 =	vand.u32 $0xFFFF, v1  }
0x8f: {  	[tilespmem:$0xC880] =	vst v1  }
0x90: {  	v1 =	vld.idx.msk [tilespmem:v14+s6+$0x0], $0xffff  }
0x91: {  	vm10 =	vlt.s32 v15, v0  }
0x92: {  	v2 =	vsel vm10, v15, v0  }
0x93: {  	v3 =	vshll.u32 v3, $0x4;
	v16 =	vshrl.u32 v2, $0x1  }
0x94: {  	v17 =	vld [tilespmem:$0xC4B0];
	v3 =	vand.u32 $0x10, v3  }
0x95: {  	v1 =	vshrl.u32 v1, v3  }
0x96: {  	v1 =	vand.u32 $0xFFFF, v1  }
0x97: {  	[tilespmem:$0xC890] =	vst v1  }
0x98: {  	v1 =	vld.idx.msk [tilespmem:v16+s6+$0x0], $0xffff  }
0x99: {  	vm11 =	vlt.s32 v17, v0  }
0x9a: {  	v3 =	vsel vm11, v17, v0  }
0x9b: {  	v2 =	vshll.u32 v2, $0x4;
	v18 =	vshrl.u32 v3, $0x1  }
0x9c: {  	v19 =	vld [tilespmem:$0xC4C0];
	v2 =	vand.u32 $0x10, v2  }
0x9d: {  	v1 =	vshrl.u32 v1, v2  }
0x9e: {  	v1 =	vand.u32 $0xFFFF, v1  }
0x9f: {  	[tilespmem:$0xC8A0] =	vst v1  }
0xa0: {  	v1 =	vld.idx.msk [tilespmem:v18+s6+$0x0], $0xffff  }
0xa1: {  	vm12 =	vlt.s32 v19, v0  }
0xa2: {  	v2 =	vsel vm12, v19, v0  }
0xa3: {  	v3 =	vshll.u32 v3, $0x4;
	v20 =	vshrl.u32 v2, $0x1  }
0xa4: {  	v21 =	vld [tilespmem:$0xC4D0];
	v3 =	vand.u32 $0x10, v3  }
0xa5: {  	v1 =	vshrl.u32 v1, v3  }
0xa6: {  	v1 =	vand.u32 $0xFFFF, v1  }
0xa7: {  	[tilespmem:$0xC8B0] =	vst v1  }
0xa8: {  	v1 =	vld.idx.msk [tilespmem:v20+s6+$0x0], $0xffff  }
0xa9: {  	vm13 =	vlt.s32 v21, v0  }
0xaa: {  	v3 =	vsel vm13, v21, v0  }
0xab: {  	v2 =	vshll.u32 v2, $0x4;
	v22 =	vshrl.u32 v3, $0x1  }
0xac: {  	v23 =	vld [tilespmem:$0xC4E0];
	v2 =	vand.u32 $0x10, v2  }
0xad: {  	v1 =	vshrl.u32 v1, v2  }
0xae: {  	v1 =	vand.u32 $0xFFFF, v1  }
0xaf: {  	[tilespmem:$0xC8C0] =	vst v1  }
0xb0: {  	v1 =	vld.idx.msk [tilespmem:v22+s6+$0x0], $0xffff  }
0xb1: {  	vm14 =	vlt.s32 v23, v0  }
0xb2: {  	v2 =	vsel vm14, v23, v0  }
0xb3: {  	v3 =	vshll.u32 v3, $0x4;
	v24 =	vshrl.u32 v2, $0x1  }
0xb4: {  	v25 =	vld [tilespmem:$0xC4F0];
	v3 =	vand.u32 $0x10, v3  }
0xb5: {  	v1 =	vshrl.u32 v1, v3  }
0xb6: {  	v1 =	vand.u32 $0xFFFF, v1  }
0xb7: {  	[tilespmem:$0xC8D0] =	vst v1  }
0xb8: {  	v1 =	vld.idx.msk [tilespmem:v24+s6+$0x0], $0xffff  }
0xb9: {  	vm15 =	vlt.s32 v25, v0  }
0xba: {  	v3 =	vsel vm15, v25, v0  }
0xbb: {  	v2 =	vshll.u32 v2, $0x4;
	v26 =	vshrl.u32 v3, $0x1  }
0xbc: {  	v27 =	vld [tilespmem:$0xC500];
	v2 =	vand.u32 $0x10, v2  }
0xbd: {  	v1 =	vshrl.u32 v1, v2  }
0xbe: {  	v1 =	vand.u32 $0xFFFF, v1  }
0xbf: {  	[tilespmem:$0xC8E0] =	vst v1  }
0xc0: {  	v1 =	vld.idx.msk [tilespmem:v26+s6+$0x0], $0xffff  }
0xc1: {  	vm4 =	vlt.s32 v27, v0  }
0xc2: {  	v2 =	vsel vm4, v27, v0  }
0xc3: {  	v3 =	vshll.u32 v3, $0x4;
	v28 =	vshrl.u32 v2, $0x1  }
0xc4: {  	v29 =	vld [tilespmem:$0xC510];
	v3 =	vand.u32 $0x10, v3  }
0xc5: {  	v1 =	vshrl.u32 v1, v3  }
0xc6: {  	v1 =	vand.u32 $0xFFFF, v1  }
0xc7: {  	[tilespmem:$0xC8F0] =	vst v1  }
0xc8: {  	v1 =	vld.idx.msk [tilespmem:v28+s6+$0x0], $0xffff  }
0xc9: {  	vm5 =	vlt.s32 v29, v0  }
0xca: {  	v3 =	vsel vm5, v29, v0  }
0xcb: {  	v2 =	vshll.u32 v2, $0x4;
	v30 =	vshrl.u32 v3, $0x1  }
0xcc: {  	v31 =	vld [tilespmem:$0xC520];
	v2 =	vand.u32 $0x10, v2  }
0xcd: {  	v1 =	vshrl.u32 v1, v2  }
0xce: {  	v1 =	vand.u32 $0xFFFF, v1  }
0xcf: {  	[tilespmem:$0xC900] =	vst v1  }
0xd0: {  	v1 =	vld.idx.msk [tilespmem:v30+s6+$0x0], $0xffff  }
0xd1: {  	vm6 =	vlt.s32 v31, v0  }
0xd2: {  	v2 =	vsel vm6, v31, v0  }
0xd3: {  	v3 =	vshll.u32 v3, $0x4;
	v32 =	vshrl.u32 v2, $0x1  }
0xd4: {  	v33 =	vld [tilespmem:$0xC530];
	v3 =	vand.u32 $0x10, v3  }
0xd5: {  	v1 =	vshrl.u32 v1, v3  }
0xd6: {  	v1 =	vand.u32 $0xFFFF, v1  }
0xd7: {  	[tilespmem:$0xC910] =	vst v1  }
0xd8: {  	v1 =	vld.idx.msk [tilespmem:v32+s6+$0x0], $0xffff  }
0xd9: {  	vm7 =	vlt.s32 v33, v0  }
0xda: {  	v3 =	vsel vm7, v33, v0  }
0xdb: {  	v2 =	vshll.u32 v2, $0x4;
	v34 =	vshrl.u32 v3, $0x1  }
0xdc: {  	v35 =	vld [tilespmem:$0xC540];
	v2 =	vand.u32 $0x10, v2  }
0xdd: {  	v1 =	vshrl.u32 v1, v2  }
0xde: {  	v1 =	vand.u32 $0xFFFF, v1  }
0xdf: {  	[tilespmem:$0xC920] =	vst v1  }
0xe0: {  	v1 =	vld.idx.msk [tilespmem:v34+s6+$0x0], $0xffff  }
0xe1: {  	vm8 =	vlt.s32 v35, v0  }
0xe2: {  	v2 =	vsel vm8, v35, v0  }
0xe3: {  	v3 =	vshll.u32 v3, $0x4;
	v36 =	vshrl.u32 v2, $0x1  }
0xe4: {  	v37 =	vld [tilespmem:$0xC550];
	v3 =	vand.u32 $0x10, v3  }
0xe5: {  	v1 =	vshrl.u32 v1, v3  }
0xe6: {  	v1 =	vand.u32 $0xFFFF, v1  }
0xe7: {  	[tilespmem:$0xC930] =	vst v1  }
0xe8: {  	v1 =	vld.idx.msk [tilespmem:v36+s6+$0x0], $0xffff  }
0xe9: {  	vm9 =	vlt.s32 v37, v0  }
0xea: {  	v3 =	vsel vm9, v37, v0  }
0xeb: {  	v2 =	vshll.u32 v2, $0x4;
	v38 =	vshrl.u32 v3, $0x1  }
0xec: {  	v39 =	vld [tilespmem:$0xC560];
	v2 =	vand.u32 $0x10, v2  }
0xed: {  	v1 =	vshrl.u32 v1, v2  }
0xee: {  	v1 =	vand.u32 $0xFFFF, v1  }
0xef: {  	[tilespmem:$0xC940] =	vst v1  }
0xf0: {  	v1 =	vld.idx.msk [tilespmem:v38+s6+$0x0], $0xffff  }
0xf1: {  	vm10 =	vlt.s32 v39, v0  }
0xf2: {  	v2 =	vsel vm10, v39, v0  }
0xf3: {  	v3 =	vshll.u32 v3, $0x4;
	v40 =	vshrl.u32 v2, $0x1  }
0xf4: {  	v41 =	vld [tilespmem:$0xC570];
	v3 =	vand.u32 $0x10, v3  }
0xf5: {  	v1 =	vshrl.u32 v1, v3  }
0xf6: {  	v1 =	vand.u32 $0xFFFF, v1  }
0xf7: {  	[tilespmem:$0xC950] =	vst v1  }
0xf8: {  	v1 =	vld.idx.msk [tilespmem:v40+s6+$0x0], $0xffff  }
0xf9: {  	vm11 =	vlt.s32 v41, v0  }
0xfa: {  	v3 =	vsel vm11, v41, v0  }
0xfb: {  	v2 =	vshll.u32 v2, $0x4;
	v42 =	vshrl.u32 v3, $0x1  }
0xfc: {  	v43 =	vld [tilespmem:$0xC580];
	v2 =	vand.u32 $0x10, v2  }
0xfd: {  	v1 =	vshrl.u32 v1, v2  }
0xfe: {  	v1 =	vand.u32 $0xFFFF, v1  }
0xff: {  	[tilespmem:$0xC960] =	vst v1  }
0x100: {  	v1 =	vld.idx.msk [tilespmem:v42+s6+$0x0], $0xffff  }
0x101: {  	vm12 =	vlt.s32 v43, v0  }
0x102: {  	v2 =	vsel vm12, v43, v0  }
0x103: {  	v3 =	vshll.u32 v3, $0x4;
	v44 =	vshrl.u32 v2, $0x1  }
0x104: {  	v45 =	vld [tilespmem:$0xC590];
	v3 =	vand.u32 $0x10, v3  }
0x105: {  	v1 =	vshrl.u32 v1, v3  }
0x106: {  	v1 =	vand.u32 $0xFFFF, v1  }
0x107: {  	[tilespmem:$0xC970] =	vst v1  }
0x108: {  	v1 =	vld.idx.msk [tilespmem:v44+s6+$0x0], $0xffff  }
0x109: {  	vm13 =	vlt.s32 v45, v0  }
0x10a: {  	v3 =	vsel vm13, v45, v0  }
0x10b: {  	v2 =	vshll.u32 v2, $0x4;
	v46 =	vshrl.u32 v3, $0x1  }
0x10c: {  	v47 =	vld [tilespmem:$0xC5A0];
	v2 =	vand.u32 $0x10, v2  }
0x10d: {  	v1 =	vshrl.u32 v1, v2  }
0x10e: {  	v1 =	vand.u32 $0xFFFF, v1  }
0x10f: {  	[tilespmem:$0xC980] =	vst v1  }
0x110: {  	v1 =	vld.idx.msk [tilespmem:v46+s6+$0x0], $0xffff  }
0x111: {  	vm14 =	vlt.s32 v47, v0  }
0x112: {  	v2 =	vsel vm14, v47, v0  }
0x113: {  	v3 =	vshll.u32 v3, $0x4;
	v48 =	vshrl.u32 v2, $0x1  }
0x114: {  	v49 =	vld [tilespmem:$0xC5B0];
	v3 =	vand.u32 $0x10, v3  }
0x115: {  	v1 =	vshrl.u32 v1, v3  }
0x116: {  	v1 =	vand.u32 $0xFFFF, v1  }
0x117: {  	[tilespmem:$0xC990] =	vst v1  }
0x118: {  	v1 =	vld.idx.msk [tilespmem:v48+s6+$0x0], $0xffff  }
0x119: {  	vm15 =	vlt.s32 v49, v0  }
0x11a: {  	v3 =	vsel vm15, v49, v0  }
0x11b: {  	v2 =	vshll.u32 v2, $0x4;
	v50 =	vshrl.u32 v3, $0x1  }
0x11c: {  	v51 =	vld [tilespmem:$0xC5C0];
	v2 =	vand.u32 $0x10, v2  }
0x11d: {  	v1 =	vshrl.u32 v1, v2  }
0x11e: {  	v1 =	vand.u32 $0xFFFF, v1  }
0x11f: {  	[tilespmem:$0xC9A0] =	vst v1  }
0x120: {  	v1 =	vld.idx.msk [tilespmem:v50+s6+$0x0], $0xffff  }
0x121: {  	vm4 =	vlt.s32 v51, v0  }
0x122: {  	v2 =	vsel vm4, v51, v0  }
0x123: {  	v3 =	vshll.u32 v3, $0x4;
	v52 =	vshrl.u32 v2, $0x1  }
0x124: {  	v53 =	vld [tilespmem:$0xC5D0];
	v3 =	vand.u32 $0x10, v3  }
0x125: {  	v1 =	vshrl.u32 v1, v3  }
0x126: {  	v1 =	vand.u32 $0xFFFF, v1  }
0x127: {  	[tilespmem:$0xC9B0] =	vst v1  }
0x128: {  	v1 =	vld.idx.msk [tilespmem:v52+s6+$0x0], $0xffff  }
0x129: {  	vm5 =	vlt.s32 v53, v0  }
0x12a: {  	v3 =	vsel vm5, v53, v0  }
0x12b: {  	v2 =	vshll.u32 v2, $0x4;
	v54 =	vshrl.u32 v3, $0x1  }
0x12c: {  	v55 =	vld [tilespmem:$0xC5E0];
	v2 =	vand.u32 $0x10, v2  }
0x12d: {  	v1 =	vshrl.u32 v1, v2  }
0x12e: {  	v1 =	vand.u32 $0xFFFF, v1  }
0x12f: {  	[tilespmem:$0xC9C0] =	vst v1  }
0x130: {  	v1 =	vld.idx.msk [tilespmem:v54+s6+$0x0], $0xffff  }
0x131: {  	vm6 =	vlt.s32 v55, v0  }
0x132: {  	v2 =	vsel vm6, v55, v0  }
0x133: {  	v3 =	vshll.u32 v3, $0x4;
	v56 =	vshrl.u32 v2, $0x1  }
0x134: {  	v57 =	vld [tilespmem:$0xC5F0];
	v3 =	vand.u32 $0x10, v3  }
0x135: {  	v1 =	vshrl.u32 v1, v3  }
0x136: {  	v1 =	vand.u32 $0xFFFF, v1  }
0x137: {  	[tilespmem:$0xC9D0] =	vst v1  }
0x138: {  	v1 =	vld.idx.msk [tilespmem:v56+s6+$0x0], $0xffff  }
0x139: {  	vm7 =	vlt.s32 v57, v0  }
0x13a: {  	v3 =	vsel vm7, v57, v0  }
0x13b: {  	v2 =	vshll.u32 v2, $0x4;
	v58 =	vshrl.u32 v3, $0x1  }
0x13c: {  	v2 =	vand.u32 $0x10, v2  }
0x13d: {  	v1 =	vshrl.u32 v1, v2  }
0x13e: {  	v1 =	vand.u32 $0xFFFF, v1  }
0x13f: {  	[tilespmem:$0xC9E0] =	vst v1  }
0x140: {  	v1 =	vld.idx.msk [tilespmem:v58+s6+$0x0], $0xffff;
	_ =	sdelay $0x2  }
0x141: {  	v2 =	vshll.u32 v3, $0x4  }
0x142: {  	v2 =	vand.u32 $0x10, v2  }
0x143: {  	v1 =	vshrl.u32 v1, v2  }
0x144: {  	v1 =	vand.u32 $0xFFFF, v1  }
0x145: {  	s3 =	simm.s32 @!p0 $0x5;
	[tilespmem:$0xC9F0] =	vst v1  }
0x146: {  	_ =	swait.ge @!p0 [sflag:s3], $0x2000  }
0x147: {  	[sflag:s3] =	ssyncset.done @!p0 $0x0  }
0x148: {  	[sflag:s3] =	ssyncadd.s32 @!p0 $0xFFFFE000  }
0x149: {  	_ =	swait.ge @!p0 [sflag:s3], $0x2000  }
0x14a: {  	[sflag:s3] =	ssyncset.done @!p0 $0x0  }
0x14b: {  	[sflag:s3] =	ssyncadd.s32 @!p0 $0xFFFFE000  }
0x14c: {  	_ =	swait.ge @!p0 [sflag:s3], $0x2000  }
0x14d: {  	[sflag:s3] =	ssyncset.done @!p0 $0x0  }
0x14e: {  	[sflag:s3] =	ssyncadd.s32 @!p0 $0xFFFFE000  }
0x14f: {  	_ =	swait.ge @!p0 [sflag:s3], $0x2000  }
0x150: {  	[sflag:s3] =	ssyncset.done @!p0 $0x0  }
0x151: {  	s12 =	rddreg [dreg:$0xa];
	[sflag:s3] =	ssyncadd.s32 @!p0 $0xFFFFE000;
	s3 =	sadd.s32 $0xFFFFFE00, s16  }
0x152: {  	[tilespmem:s23], [sflag:$0x3] =	stream.indirect.gather [hbm4b:s7+s22], $0x40, s12, s22, $0xb8;
	[tilespmem:$0x1CC10] =	vst v63  }
0x153: {  	s13 =	rddreg [dreg:$0xb];
	p1 =	slt.s32 s3, $0x31FE00  }
0x154: {  	[tilespmem:s24], [sflag:$0x3] =	stream.indirect.gather [hbm4b:s7+s22], $0x40, s13, s22, $0xb8;
	[tilespmem:$0x1CC10] =	vst v63  }
0x155: {  	s15 =	rddreg [dreg:$0xc];
	s3 =	simm.s32 @!p1 $0x31FE00  }
0x156: {  	[tilespmem:s25], [sflag:$0x3] =	stream.indirect.gather [hbm4b:s7+s22], $0x40, s15, s22, $0xb8;
	[tilespmem:$0x1CC10] =	vst v63  }
0x157: {  	s17 =	rddreg [dreg:$0xd];
	s3 =	sshrl.u32 s3, $0x3  }
0x158: {  	[tilespmem:s26], [sflag:$0x3] =	stream.indirect.gather [hbm4b:s7+s22], $0x40, s17, s22, $0xb8;
	[tilespmem:$0x1CC10] =	vst v63  }
0x159: {  	s3 =	sadd.s32 s0, s3  }
0x15a: {  	[tilespmem:s19], [sflag:$0x1] =	stream.linear.gather [hbm4b:s3+s6], $0x200, $0x38;
	[tilespmem:$0x1CC10] =	vst v63  }
0x15b: {  	_ =	swait.ge [sflag:s28], $0x2000  }
0x15c: {  	[sflag:s28] =	ssyncset.done $0x0  }
0x15d: {  	[sflag:s28] =	ssyncadd.s32 $0xFFFFE000  }
0x15e: {  	_ =	swait.ge [sflag:s28], $0x2000  }
0x15f: {  	[sflag:s28] =	ssyncset.done $0x0  }
0x160: {  	[sflag:s28] =	ssyncadd.s32 $0xFFFFE000  }
0x161: {  	_ =	swait.ge [sflag:s28], $0x2000  }
0x162: {  	[sflag:s28] =	ssyncset.done $0x0  }
0x163: {  	[sflag:s28] =	ssyncadd.s32 $0xFFFFE000  }
0x164: {  	_ =	swait.ge [sflag:s28], $0x2000  }
0x165: {  	s8 =	rddreg [dreg:$0x9];
	[sflag:s28] =	ssyncset.done $0x0  }
0x166: {  	[sflag:s28] =	ssyncadd.s32 $0xFFFFE000;
	s3 =	sadd.s32 s11, s8  }
0x167: {  	[hbm4b:s3+s29] =	stream.strided.scatter [tilespmem:s23], [sflag:$0x5], $0x2000, s22, s29, $0x38;
	[tilespmem:$0x1CC10] =	vst v63  }
0x168: {  	s12 =	sadd.s32 $0x800, s3  }
0x169: {  	[hbm4b:s12+s29] =	stream.strided.scatter [tilespmem:s24], [sflag:$0x5], $0x2000, s22, s29, $0x38;
	[tilespmem:$0x1CC10] =	vst v63  }
0x16a: {  	s13 =	sadd.s32 $0x1000, s3  }
0x16b: {  	[hbm4b:s13+s29] =	stream.strided.scatter [tilespmem:s25], [sflag:$0x5], $0x2000, s22, s29, $0x38;
	[tilespmem:$0x1CC10] =	vst v63  }
0x16c: {  	s3 =	sadd.s32 $0x1800, s3  }
0x16d: {  	[hbm4b:s3+s29] =	stream.strided.scatter [tilespmem:s26], [sflag:$0x5], $0x2000, s22, s29, $0x38;
	[tilespmem:$0x1CC10] =	vst v63  }
0x16e: {  	_ =	swait.ge [sflag:s30], $0x200  }
0x16f: {  	[sflag:s30] =	ssyncset.done $0x0  }
0x170: {  	[sflag:s30] =	ssyncadd.s32 $0xFFFFFE00  }
0x171: {  	v1 =	vld [tilespmem:$0xC600];
	_ =	sdelay $0x4  }
0x172: {  	vm8 =	vlt.s32 v1, v0  }
0x173: {  	v1 =	vsel vm8, v1, v0  }
0x174: {  	v2 =	vshrl.u32 v1, $0x1  }
0x175: {  	v3 =	vld [tilespmem:$0xC610];
	_ =	sdelay $0x3  }
0x176: {  	v2 =	vld.idx.msk [tilespmem:v2+s6+$0x0], $0xffff  }
0x177: {  	vm9 =	vlt.s32 v3, v0  }
0x178: {  	v3 =	vsel vm9, v3, v0  }
0x179: {  	v1 =	vshll.u32 v1, $0x4;
	v59 =	vshrl.u32 v3, $0x1  }
0x17a: {  	v60 =	vld [tilespmem:$0xC620];
	v1 =	vand.u32 $0x10, v1  }
0x17b: {  	v1 =	vshrl.u32 v2, v1  }
0x17c: {  	v1 =	vand.u32 $0xFFFF, v1  }
0x17d: {  	[tilespmem:$0xCA00] =	vst v1  }
0x17e: {  	v1 =	vld.idx.msk [tilespmem:v59+s6+$0x0], $0xffff  }
0x17f: {  	vm10 =	vlt.s32 v60, v0  }
0x180: {  	v2 =	vsel vm10, v60, v0  }
0x181: {  	v3 =	vshll.u32 v3, $0x4;
	v61 =	vshrl.u32 v2, $0x1  }
0x182: {  	v62 =	vld [tilespmem:$0xC630];
	v3 =	vand.u32 $0x10, v3  }
0x183: {  	v1 =	vshrl.u32 v1, v3  }
0x184: {  	v1 =	vand.u32 $0xFFFF, v1  }
0x185: {  	[tilespmem:$0xCA10] =	vst v1  }
0x186: {  	v1 =	vld.idx.msk [tilespmem:v61+s6+$0x0], $0xffff  }
0x187: {  	vm11 =	vlt.s32 v62, v0  }
0x188: {  	v3 =	vsel vm11, v62, v0  }
0x189: {  	v2 =	vshll.u32 v2, $0x4;
	v63 =	vshrl.u32 v3, $0x1  }
0x18a: {  	v8 =	vld [tilespmem:$0xC640];
	v2 =	vand.u32 $0x10, v2  }
0x18b: {  	v1 =	vshrl.u32 v1, v2  }
0x18c: {  	v1 =	vand.u32 $0xFFFF, v1  }
0x18d: {  	[tilespmem:$0xCA20] =	vst v1  }
0x18e: {  	v1 =	vld.idx.msk [tilespmem:v63+s6+$0x0], $0xffff  }
0x18f: {  	vm12 =	vlt.s32 v8, v0  }
0x190: {  	v2 =	vsel vm12, v8, v0  }
0x191: {  	v3 =	vshll.u32 v3, $0x4;
	v9 =	vshrl.u32 v2, $0x1  }
0x192: {  	v10 =	vld [tilespmem:$0xC650];
	v3 =	vand.u32 $0x10, v3  }
0x193: {  	v1 =	vshrl.u32 v1, v3  }
0x194: {  	v1 =	vand.u32 $0xFFFF, v1  }
0x195: {  	[tilespmem:$0xCA30] =	vst v1  }
0x196: {  	v1 =	vld.idx.msk [tilespmem:v9+s6+$0x0], $0xffff  }
0x197: {  	vm13 =	vlt.s32 v10, v0  }
0x198: {  	v3 =	vsel vm13, v10, v0  }
0x199: {  	v2 =	vshll.u32 v2, $0x4;
	v11 =	vshrl.u32 v3, $0x1  }
0x19a: {  	v12 =	vld [tilespmem:$0xC660];
	v2 =	vand.u32 $0x10, v2  }
0x19b: {  	v1 =	vshrl.u32 v1, v2  }
0x19c: {  	v1 =	vand.u32 $0xFFFF, v1  }
0x19d: {  	[tilespmem:$0xCA40] =	vst v1  }
0x19e: {  	v1 =	vld.idx.msk [tilespmem:v11+s6+$0x0], $0xffff  }
0x19f: {  	vm14 =	vlt.s32 v12, v0  }
0x1a0: {  	v2 =	vsel vm14, v12, v0  }
0x1a1: {  	v3 =	vshll.u32 v3, $0x4;
	v13 =	vshrl.u32 v2, $0x1  }
0x1a2: {  	v14 =	vld [tilespmem:$0xC670];
	v3 =	vand.u32 $0x10, v3  }
0x1a3: {  	v1 =	vshrl.u32 v1, v3  }
0x1a4: {  	v1 =	vand.u32 $0xFFFF, v1  }
0x1a5: {  	[tilespmem:$0xCA50] =	vst v1  }
0x1a6: {  	v1 =	vld.idx.msk [tilespmem:v13+s6+$0x0], $0xffff  }
0x1a7: {  	vm15 =	vlt.s32 v14, v0  }
0x1a8: {  	v3 =	vsel vm15, v14, v0  }
0x1a9: {  	v2 =	vshll.u32 v2, $0x4;
	v15 =	vshrl.u32 v3, $0x1  }
0x1aa: {  	v16 =	vld [tilespmem:$0xC680];
	v2 =	vand.u32 $0x10, v2  }
0x1ab: {  	v1 =	vshrl.u32 v1, v2  }
0x1ac: {  	v1 =	vand.u32 $0xFFFF, v1  }
0x1ad: {  	[tilespmem:$0xCA60] =	vst v1  }
0x1ae: {  	v1 =	vld.idx.msk [tilespmem:v15+s6+$0x0], $0xffff  }
0x1af: {  	vm4 =	vlt.s32 v16, v0  }
0x1b0: {  	v2 =	vsel vm4, v16, v0  }
0x1b1: {  	v3 =	vshll.u32 v3, $0x4;
	v17 =	vshrl.u32 v2, $0x1  }
0x1b2: {  	v18 =	vld [tilespmem:$0xC690];
	v3 =	vand.u32 $0x10, v3  }
0x1b3: {  	v1 =	vshrl.u32 v1, v3  }
0x1b4: {  	v1 =	vand.u32 $0xFFFF, v1  }
0x1b5: {  	[tilespmem:$0xCA70] =	vst v1  }
0x1b6: {  	v1 =	vld.idx.msk [tilespmem:v17+s6+$0x0], $0xffff  }
0x1b7: {  	vm5 =	vlt.s32 v18, v0  }
0x1b8: {  	v3 =	vsel vm5, v18, v0  }
0x1b9: {  	v2 =	vshll.u32 v2, $0x4;
	v19 =	vshrl.u32 v3, $0x1  }
0x1ba: {  	v20 =	vld [tilespmem:$0xC6A0];
	v2 =	vand.u32 $0x10, v2  }
0x1bb: {  	v1 =	vshrl.u32 v1, v2  }
0x1bc: {  	v1 =	vand.u32 $0xFFFF, v1  }
0x1bd: {  	[tilespmem:$0xCA80] =	vst v1  }
0x1be: {  	v1 =	vld.idx.msk [tilespmem:v19+s6+$0x0], $0xffff  }
0x1bf: {  	vm6 =	vlt.s32 v20, v0  }
0x1c0: {  	v2 =	vsel vm6, v20, v0  }
0x1c1: {  	v3 =	vshll.u32 v3, $0x4;
	v21 =	vshrl.u32 v2, $0x1  }
0x1c2: {  	v22 =	vld [tilespmem:$0xC6B0];
	v3 =	vand.u32 $0x10, v3  }
0x1c3: {  	v1 =	vshrl.u32 v1, v3  }
0x1c4: {  	v1 =	vand.u32 $0xFFFF, v1  }
0x1c5: {  	[tilespmem:$0xCA90] =	vst v1  }
0x1c6: {  	v1 =	vld.idx.msk [tilespmem:v21+s6+$0x0], $0xffff  }
0x1c7: {  	vm7 =	vlt.s32 v22, v0  }
0x1c8: {  	v3 =	vsel vm7, v22, v0  }
0x1c9: {  	v2 =	vshll.u32 v2, $0x4;
	v23 =	vshrl.u32 v3, $0x1  }
0x1ca: {  	v24 =	vld [tilespmem:$0xC6C0];
	v2 =	vand.u32 $0x10, v2  }
0x1cb: {  	v1 =	vshrl.u32 v1, v2  }
0x1cc: {  	v1 =	vand.u32 $0xFFFF, v1  }
0x1cd: {  	[tilespmem:$0xCAA0] =	vst v1  }
0x1ce: {  	v1 =	vld.idx.msk [tilespmem:v23+s6+$0x0], $0xffff  }
0x1cf: {  	vm8 =	vlt.s32 v24, v0  }
0x1d0: {  	v2 =	vsel vm8, v24, v0  }
0x1d1: {  	v3 =	vshll.u32 v3, $0x4;
	v25 =	vshrl.u32 v2, $0x1  }
0x1d2: {  	v26 =	vld [tilespmem:$0xC6D0];
	v3 =	vand.u32 $0x10, v3  }
0x1d3: {  	v1 =	vshrl.u32 v1, v3  }
0x1d4: {  	v1 =	vand.u32 $0xFFFF, v1  }
0x1d5: {  	[tilespmem:$0xCAB0] =	vst v1  }
0x1d6: {  	v1 =	vld.idx.msk [tilespmem:v25+s6+$0x0], $0xffff  }
0x1d7: {  	vm9 =	vlt.s32 v26, v0  }
0x1d8: {  	v3 =	vsel vm9, v26, v0  }
0x1d9: {  	v2 =	vshll.u32 v2, $0x4;
	v27 =	vshrl.u32 v3, $0x1  }
0x1da: {  	v28 =	vld [tilespmem:$0xC6E0];
	v2 =	vand.u32 $0x10, v2  }
0x1db: {  	v1 =	vshrl.u32 v1, v2  }
0x1dc: {  	v1 =	vand.u32 $0xFFFF, v1  }
0x1dd: {  	[tilespmem:$0xCAC0] =	vst v1  }
0x1de: {  	v1 =	vld.idx.msk [tilespmem:v27+s6+$0x0], $0xffff  }
0x1df: {  	vm10 =	vlt.s32 v28, v0  }
0x1e0: {  	v2 =	vsel vm10, v28, v0  }
0x1e1: {  	v3 =	vshll.u32 v3, $0x4;
	v29 =	vshrl.u32 v2, $0x1  }
0x1e2: {  	v30 =	vld [tilespmem:$0xC6F0];
	v3 =	vand.u32 $0x10, v3  }
0x1e3: {  	v1 =	vshrl.u32 v1, v3  }
0x1e4: {  	v1 =	vand.u32 $0xFFFF, v1  }
0x1e5: {  	[tilespmem:$0xCAD0] =	vst v1  }
0x1e6: {  	v1 =	vld.idx.msk [tilespmem:v29+s6+$0x0], $0xffff  }
0x1e7: {  	vm11 =	vlt.s32 v30, v0  }
0x1e8: {  	v3 =	vsel vm11, v30, v0  }
0x1e9: {  	v2 =	vshll.u32 v2, $0x4;
	v31 =	vshrl.u32 v3, $0x1  }
0x1ea: {  	v32 =	vld [tilespmem:$0xC700];
	v2 =	vand.u32 $0x10, v2  }
0x1eb: {  	v1 =	vshrl.u32 v1, v2  }
0x1ec: {  	v1 =	vand.u32 $0xFFFF, v1  }
0x1ed: {  	[tilespmem:$0xCAE0] =	vst v1  }
0x1ee: {  	v1 =	vld.idx.msk [tilespmem:v31+s6+$0x0], $0xffff  }
0x1ef: {  	vm12 =	vlt.s32 v32, v0  }
0x1f0: {  	v2 =	vsel vm12, v32, v0  }
0x1f1: {  	v3 =	vshll.u32 v3, $0x4;
	v33 =	vshrl.u32 v2, $0x1  }
0x1f2: {  	v34 =	vld [tilespmem:$0xC710];
	v3 =	vand.u32 $0x10, v3  }
0x1f3: {  	v1 =	vshrl.u32 v1, v3  }
0x1f4: {  	v1 =	vand.u32 $0xFFFF, v1  }
0x1f5: {  	[tilespmem:$0xCAF0] =	vst v1  }
0x1f6: {  	v1 =	vld.idx.msk [tilespmem:v33+s6+$0x0], $0xffff  }
0x1f7: {  	vm13 =	vlt.s32 v34, v0  }
0x1f8: {  	v3 =	vsel vm13, v34, v0  }
0x1f9: {  	v2 =	vshll.u32 v2, $0x4;
	v35 =	vshrl.u32 v3, $0x1  }
0x1fa: {  	v36 =	vld [tilespmem:$0xC720];
	v2 =	vand.u32 $0x10, v2  }
0x1fb: {  	v1 =	vshrl.u32 v1, v2  }
0x1fc: {  	v1 =	vand.u32 $0xFFFF, v1  }
0x1fd: {  	[tilespmem:$0xCB00] =	vst v1  }
0x1fe: {  	v1 =	vld.idx.msk [tilespmem:v35+s6+$0x0], $0xffff  }
0x1ff: {  	vm14 =	vlt.s32 v36, v0  }
0x200: {  	v2 =	vsel vm14, v36, v0  }
0x201: {  	v3 =	vshll.u32 v3, $0x4;
	v37 =	vshrl.u32 v2, $0x1  }
0x202: {  	v38 =	vld [tilespmem:$0xC730];
	v3 =	vand.u32 $0x10, v3  }
0x203: {  	v1 =	vshrl.u32 v1, v3  }
0x204: {  	v1 =	vand.u32 $0xFFFF, v1  }
0x205: {  	[tilespmem:$0xCB10] =	vst v1  }
0x206: {  	v1 =	vld.idx.msk [tilespmem:v37+s6+$0x0], $0xffff  }
0x207: {  	vm15 =	vlt.s32 v38, v0  }
0x208: {  	v3 =	vsel vm15, v38, v0  }
0x209: {  	v2 =	vshll.u32 v2, $0x4;
	v39 =	vshrl.u32 v3, $0x1  }
0x20a: {  	v40 =	vld [tilespmem:$0xC740];
	v2 =	vand.u32 $0x10, v2  }
0x20b: {  	v1 =	vshrl.u32 v1, v2  }
0x20c: {  	v1 =	vand.u32 $0xFFFF, v1  }
0x20d: {  	[tilespmem:$0xCB20] =	vst v1  }
0x20e: {  	v1 =	vld.idx.msk [tilespmem:v39+s6+$0x0], $0xffff  }
0x20f: {  	vm4 =	vlt.s32 v40, v0  }
0x210: {  	v2 =	vsel vm4, v40, v0  }
0x211: {  	v3 =	vshll.u32 v3, $0x4;
	v41 =	vshrl.u32 v2, $0x1  }
0x212: {  	v42 =	vld [tilespmem:$0xC750];
	v3 =	vand.u32 $0x10, v3  }
0x213: {  	v1 =	vshrl.u32 v1, v3  }
0x214: {  	v1 =	vand.u32 $0xFFFF, v1  }
0x215: {  	[tilespmem:$0xCB30] =	vst v1  }
0x216: {  	v1 =	vld.idx.msk [tilespmem:v41+s6+$0x0], $0xffff  }
0x217: {  	vm5 =	vlt.s32 v42, v0  }
0x218: {  	v3 =	vsel vm5, v42, v0  }
0x219: {  	v2 =	vshll.u32 v2, $0x4;
	v43 =	vshrl.u32 v3, $0x1  }
0x21a: {  	v44 =	vld [tilespmem:$0xC760];
	v2 =	vand.u32 $0x10, v2  }
0x21b: {  	v1 =	vshrl.u32 v1, v2  }
0x21c: {  	v1 =	vand.u32 $0xFFFF, v1  }
0x21d: {  	[tilespmem:$0xCB40] =	vst v1  }
0x21e: {  	v1 =	vld.idx.msk [tilespmem:v43+s6+$0x0], $0xffff  }
0x21f: {  	vm6 =	vlt.s32 v44, v0  }
0x220: {  	v2 =	vsel vm6, v44, v0  }
0x221: {  	v3 =	vshll.u32 v3, $0x4;
	v45 =	vshrl.u32 v2, $0x1  }
0x222: {  	v46 =	vld [tilespmem:$0xC770];
	v3 =	vand.u32 $0x10, v3  }
0x223: {  	v1 =	vshrl.u32 v1, v3  }
0x224: {  	v1 =	vand.u32 $0xFFFF, v1  }
0x225: {  	[tilespmem:$0xCB50] =	vst v1  }
0x226: {  	v1 =	vld.idx.msk [tilespmem:v45+s6+$0x0], $0xffff  }
0x227: {  	vm7 =	vlt.s32 v46, v0  }
0x228: {  	v3 =	vsel vm7, v46, v0  }
0x229: {  	v2 =	vshll.u32 v2, $0x4;
	v47 =	vshrl.u32 v3, $0x1  }
0x22a: {  	v48 =	vld [tilespmem:$0xC780];
	v2 =	vand.u32 $0x10, v2  }
0x22b: {  	v1 =	vshrl.u32 v1, v2  }
0x22c: {  	v1 =	vand.u32 $0xFFFF, v1  }
0x22d: {  	[tilespmem:$0xCB60] =	vst v1  }
0x22e: {  	v1 =	vld.idx.msk [tilespmem:v47+s6+$0x0], $0xffff  }
0x22f: {  	vm8 =	vlt.s32 v48, v0  }
0x230: {  	v2 =	vsel vm8, v48, v0  }
0x231: {  	v3 =	vshll.u32 v3, $0x4;
	v49 =	vshrl.u32 v2, $0x1  }
0x232: {  	v50 =	vld [tilespmem:$0xC790];
	v3 =	vand.u32 $0x10, v3  }
0x233: {  	v1 =	vshrl.u32 v1, v3  }
0x234: {  	v1 =	vand.u32 $0xFFFF, v1  }
0x235: {  	[tilespmem:$0xCB70] =	vst v1  }
0x236: {  	v1 =	vld.idx.msk [tilespmem:v49+s6+$0x0], $0xffff  }
0x237: {  	vm9 =	vlt.s32 v50, v0  }
0x238: {  	v3 =	vsel vm9, v50, v0  }
0x239: {  	v2 =	vshll.u32 v2, $0x4;
	v51 =	vshrl.u32 v3, $0x1  }
0x23a: {  	v52 =	vld [tilespmem:$0xC7A0];
	v2 =	vand.u32 $0x10, v2  }
0x23b: {  	v1 =	vshrl.u32 v1, v2  }
0x23c: {  	v1 =	vand.u32 $0xFFFF, v1  }
0x23d: {  	[tilespmem:$0xCB80] =	vst v1  }
0x23e: {  	v1 =	vld.idx.msk [tilespmem:v51+s6+$0x0], $0xffff  }
0x23f: {  	vm10 =	vlt.s32 v52, v0  }
0x240: {  	v2 =	vsel vm10, v52, v0  }
0x241: {  	v3 =	vshll.u32 v3, $0x4;
	v53 =	vshrl.u32 v2, $0x1  }
0x242: {  	v54 =	vld [tilespmem:$0xC7B0];
	v3 =	vand.u32 $0x10, v3  }
0x243: {  	v1 =	vshrl.u32 v1, v3  }
0x244: {  	v1 =	vand.u32 $0xFFFF, v1  }
0x245: {  	[tilespmem:$0xCB90] =	vst v1  }
0x246: {  	v1 =	vld.idx.msk [tilespmem:v53+s6+$0x0], $0xffff  }
0x247: {  	vm11 =	vlt.s32 v54, v0  }
0x248: {  	v3 =	vsel vm11, v54, v0  }
0x249: {  	v2 =	vshll.u32 v2, $0x4;
	v55 =	vshrl.u32 v3, $0x1  }
0x24a: {  	v56 =	vld [tilespmem:$0xC7C0];
	v2 =	vand.u32 $0x10, v2  }
0x24b: {  	v1 =	vshrl.u32 v1, v2  }
0x24c: {  	v1 =	vand.u32 $0xFFFF, v1  }
0x24d: {  	[tilespmem:$0xCBA0] =	vst v1  }
0x24e: {  	v1 =	vld.idx.msk [tilespmem:v55+s6+$0x0], $0xffff  }
0x24f: {  	vm12 =	vlt.s32 v56, v0  }
0x250: {  	v2 =	vsel vm12, v56, v0  }
0x251: {  	v3 =	vshll.u32 v3, $0x4;
	v57 =	vshrl.u32 v2, $0x1  }
0x252: {  	v58 =	vld [tilespmem:$0xC7D0];
	v3 =	vand.u32 $0x10, v3  }
0x253: {  	v1 =	vshrl.u32 v1, v3  }
0x254: {  	v1 =	vand.u32 $0xFFFF, v1  }
0x255: {  	[tilespmem:$0xCBB0] =	vst v1  }
0x256: {  	v1 =	vld.idx.msk [tilespmem:v57+s6+$0x0], $0xffff  }
0x257: {  	vm13 =	vlt.s32 v58, v0  }
0x258: {  	v3 =	vsel vm13, v58, v0  }
0x259: {  	v2 =	vshll.u32 v2, $0x4;
	v59 =	vshrl.u32 v3, $0x1  }
0x25a: {  	v60 =	vld [tilespmem:$0xC7E0];
	v2 =	vand.u32 $0x10, v2  }
0x25b: {  	v1 =	vshrl.u32 v1, v2  }
0x25c: {  	v1 =	vand.u32 $0xFFFF, v1  }
0x25d: {  	[tilespmem:$0xCBC0] =	vst v1  }
0x25e: {  	v1 =	vld.idx.msk [tilespmem:v59+s6+$0x0], $0xffff  }
0x25f: {  	vm14 =	vlt.s32 v60, v0  }
0x260: {  	v2 =	vsel vm14, v60, v0  }
0x261: {  	v3 =	vshll.u32 v3, $0x4;
	v61 =	vshrl.u32 v2, $0x1  }
0x262: {  	v62 =	vld [tilespmem:$0xC7F0];
	v3 =	vand.u32 $0x10, v3  }
0x263: {  	v1 =	vshrl.u32 v1, v3  }
0x264: {  	v1 =	vand.u32 $0xFFFF, v1  }
0x265: {  	[tilespmem:$0xCBD0] =	vst v1  }
0x266: {  	v1 =	vld.idx.msk [tilespmem:v61+s6+$0x0], $0xffff  }
0x267: {  	vm15 =	vlt.s32 v62, v0  }
0x268: {  	v3 =	vsel vm15, v62, v0  }
0x269: {  	v2 =	vshll.u32 v2, $0x4;
	v63 =	vshrl.u32 v3, $0x1  }
0x26a: {  	v2 =	vand.u32 $0x10, v2  }
0x26b: {  	v1 =	vshrl.u32 v1, v2  }
0x26c: {  	v1 =	vand.u32 $0xFFFF, v1  }
0x26d: {  	[tilespmem:$0xCBE0] =	vst v1  }
0x26e: {  	v1 =	vld.idx.msk [tilespmem:v63+s6+$0x0], $0xffff;
	_ =	sdelay $0x2  }
0x26f: {  	v2 =	vshll.u32 v3, $0x4  }
0x270: {  	v2 =	vand.u32 $0x10, v2  }
0x271: {  	v1 =	vshrl.u32 v1, v2  }
0x272: {  	v1 =	vand.u32 $0xFFFF, v1  }
0x273: {  	s3 =	simm.s32 @!p0 $0x6;
	[tilespmem:$0xCBF0] =	vst v1  }
0x274: {  	_ =	swait.ge @!p0 [sflag:s3], $0x2000  }
0x275: {  	[sflag:s3] =	ssyncset.done @!p0 $0x0  }
0x276: {  	[sflag:s3] =	ssyncadd.s32 @!p0 $0xFFFFE000  }
0x277: {  	_ =	swait.ge @!p0 [sflag:s3], $0x2000  }
0x278: {  	[sflag:s3] =	ssyncset.done @!p0 $0x0  }
0x279: {  	[sflag:s3] =	ssyncadd.s32 @!p0 $0xFFFFE000  }
0x27a: {  	_ =	swait.ge @!p0 [sflag:s3], $0x2000  }
0x27b: {  	[sflag:s3] =	ssyncset.done @!p0 $0x0  }
0x27c: {  	[sflag:s3] =	ssyncadd.s32 @!p0 $0xFFFFE000  }
0x27d: {  	_ =	swait.ge @!p0 [sflag:s3], $0x2000  }
0x27e: {  	s15 =	rddreg [dreg:$0xe];
	[sflag:s3] =	ssyncset.done @!p0 $0x0  }
0x27f: {  	s17 =	rddreg [dreg:$0xf];
	[sflag:s3] =	ssyncadd.s32 @!p0 $0xFFFFE000  }
0x280: {  	[tilespmem:s31], [sflag:$0x4] =	stream.indirect.gather [hbm4b:s7+s22], $0x40, s15, s22, $0xb8;
	[tilespmem:$0x1CC10] =	vst v63  }
0x281: {  	s11 =	sadd.s32 $0x4000, s11;
	s12 =	rddreg [dreg:$0x10];
	p0 =	slt.s32 s16, $0x31FE00  }
0x282: {  	[tilespmem:s4], [sflag:$0x4] =	stream.indirect.gather [hbm4b:s7+s22], $0x40, s17, s22, $0xb8;
	[tilespmem:$0x1CC10] =	vst v63  }
0x283: {  	s15 =	sadd.s32 $0x400, s16;
	s16 =	simm.s32 @!p0 $0x31FE00;
	p0 =	sne.s32 s11, $0x190000  }
0x284: {  	[tilespmem:s1], [sflag:$0x4] =	stream.indirect.gather [hbm4b:s7+s22], $0x40, s12, s22, $0xb8;
	[tilespmem:$0x1CC10] =	vst v63  }
.Ltmp0:
0x285: {  	_ = 	snop;
	(pc) =	sbr.rel @p0 .LBB2_2-.Ltmp0, $4  }
0x286: {  	s13 =	rddreg [dreg:$0x11];
	s17 =	sshrl.u32 s16, $0x3  }
0x287: {  	[tilespmem:s2], [sflag:$0x4] =	stream.indirect.gather [hbm4b:s7+s22], $0x40, s13, s22, $0xb8;
	[tilespmem:$0x1CC10] =	vst v63  }
0x288: {  	s16 =	smov.u32 s15;
	s8 =	sadd.s32 s0, s17  }
0x289: {  	[tilespmem:s20], [sflag:$0x2] =	stream.linear.gather [hbm4b:s8+s6], $0x200, $0x38;
	[tilespmem:$0x1CC10] =	vst v63  }
0x28a: {  	s3 =	simm.s32 $0x4  }
0x28b: {  	_ =	swait.ge [sflag:s3], $0x2000  }
0x28c: {  	[sflag:s3] =	ssyncset.done $0x0  }
0x28d: {  	[sflag:s3] =	ssyncadd.s32 $0xFFFFE000  }
0x28e: {  	_ =	swait.ge [sflag:s3], $0x2000  }
0x28f: {  	[sflag:s3] =	ssyncset.done $0x0  }
0x290: {  	[sflag:s3] =	ssyncadd.s32 $0xFFFFE000  }
0x291: {  	_ =	swait.ge [sflag:s3], $0x2000  }
0x292: {  	[sflag:s3] =	ssyncset.done $0x0  }
0x293: {  	[sflag:s3] =	ssyncadd.s32 $0xFFFFE000  }
0x294: {  	_ =	swait.ge [sflag:s3], $0x2000  }
0x295: {  	[sflag:s3] =	ssyncset.done $0x0  }
0x296: {  	s12 =	rddreg [dreg:$0x14];
	[sflag:s3] =	ssyncadd.s32 $0xFFFFE000  }
0x297: {  	[hbm4b:s12+s29] =	stream.strided.scatter [tilespmem:s31], [sflag:$0x6], $0x2000, s22, s29, $0x38;
	[tilespmem:$0x1CC10] =	vst v63  }
0x298: {  	s13 =	rddreg [dreg:$0x15]  }
0x299: {  	[hbm4b:s13+s29] =	stream.strided.scatter [tilespmem:s4], [sflag:$0x6], $0x2000, s22, s29, $0x38;
	[tilespmem:$0x1CC10] =	vst v63  }
0x29a: {  	s15 =	rddreg [dreg:$0x16]  }
0x29b: {  	[hbm4b:s15+s29] =	stream.strided.scatter [tilespmem:s1], [sflag:$0x6], $0x2000, s22, s29, $0x38;
	[tilespmem:$0x1CC10] =	vst v63  }
0x29c: {  	s16 =	rddreg [dreg:$0x17]  }
0x29d: {  	[hbm4b:s16+s29] =	stream.strided.scatter [tilespmem:s2], [sflag:$0x6], $0x2000, s22, s29, $0x38;
	[tilespmem:$0x1CC10] =	vst v63  }
0x29e: {  	_ =	swait.ge [sflag:s18], $0x2000  }
0x29f: {  	[sflag:s18] =	ssyncset.done $0x0  }
0x2a0: {  	[sflag:s18] =	ssyncadd.s32 $0xFFFFE000  }
0x2a1: {  	_ =	swait.ge [sflag:s18], $0x2000  }
0x2a2: {  	[sflag:s18] =	ssyncset.done $0x0  }
0x2a3: {  	[sflag:s18] =	ssyncadd.s32 $0xFFFFE000  }
0x2a4: {  	_ =	swait.ge [sflag:s18], $0x2000  }
0x2a5: {  	[sflag:s18] =	ssyncset.done $0x0  }
0x2a6: {  	[sflag:s18] =	ssyncadd.s32 $0xFFFFE000  }
0x2a7: {  	_ =	swait.ge [sflag:s18], $0x2000  }
0x2a8: {  	[sflag:s18] =	ssyncset.done $0x0  }
0x2a9: {  	[sflag:s18] =	ssyncadd.s32 $0xFFFFE000  }
0x2aa: {  	_ =	swait.ge [sflag:s9], $0x2000  }
0x2ab: {  	[sflag:s9] =	ssyncset.done $0x0  }
0x2ac: {  	[sflag:s9] =	ssyncadd.s32 $0xFFFFE000  }
0x2ad: {  	_ =	swait.ge [sflag:s9], $0x2000  }
0x2ae: {  	[sflag:s9] =	ssyncset.done $0x0  }
0x2af: {  	[sflag:s9] =	ssyncadd.s32 $0xFFFFE000  }
0x2b0: {  	_ =	swait.ge [sflag:s9], $0x2000  }
0x2b1: {  	[sflag:s9] =	ssyncset.done $0x0  }
0x2b2: {  	[sflag:s9] =	ssyncadd.s32 $0xFFFFE000  }
0x2b3: {  	_ =	swait.ge [sflag:s9], $0x2000  }
0x2b4: {  	[sflag:s9] =	ssyncset.done $0x0  }
0x2b5: {  	[sflag:s9] =	ssyncadd.s32 $0xFFFFE000  }
0x2b6: {  	_ =	swait.ge [sflag:s21], $0x200  }
0x2b7: {  	[sflag:s21] =	ssyncset.done $0x0  }
0x2b8: {  	[sflag:s21] =	ssyncadd.s32 $0xFFFFFE00  }
0x2b9: {  	_ =	swait.ge [sflag:s30], $0x200  }
0x2ba: {  	s10 =	sadd.s32 $0x1, s10;
	s17 =	rddreg [dreg:$0x18]  }
0x2bb: {  	p0 =	sne.s32 s10, s17  }
.Ltmp1:
0x2bc: {  	_ = 	snop;
	(pc) =	sbr.rel @p0 .LBB2_1-.Ltmp1, $3  }
0x2bd: {  	_ =	sdelay $0x1  }
0x2be: {  	[sflag:s30] =	ssyncset.done $0x0  }
0x2bf: {  	[sflag:s30] =	ssyncadd.s32 $0xFFFFFE00  }
0x2c0: {  	_ =	sfence.sel $0x180000  }
0x2c1: {  	[bflag:$0x0] =	sbarrier.arrive $0xFFFF  }
0x2c2: {  	_ =	strace $0x90000047  }
0x2c3: {  	s0 =	stileid.u32;
	[bflag:$0x2] =	sbarrier.arrive $0xFFFF  }
0x2c4: {  	p0 =	sne.s32 s0, $0x0;
	s0 =	rddreg [dreg:$0x5]  }
0x2c5: {  	s0 =	sadd.s32 @!p0 $0x100000, s0  }
0x2c6: {  	[sflag:s0] =	ssyncadd.tile.s32 @!p0 $0x1;
	_ =	shalt  }
.Lfunc_end2:
_tile_overlayer_lowered:
.L_overlay_start_2:
0x2c7: {  	(tag) =	ssettag $0x2  }
0x2c8: {  	s0 =	rddreg [dreg:$0x0];
	s2 =	stileid.u32  }
0x2c9: {  	s1 =	rddreg [dreg:$0x1];
	p0 =	sne.s32 s2, $0x0  }
0x2ca: {  	s3 =	rddreg [dreg:$0x2];
	[bflag:$0x3] =	sbarrier.arrive $0xFFFF;
	s2 =	simm.s32 @!p0 $0x1C07  }
0x2cb: {  	[timem:s3], [sflag:s2] =	dma.local @!p0 [hbm:s0], s1  }
0x2cc: {  	s0 =	simm.s32 @!p0 $0x7  }
0x2cd: {  	_ =	swait.ge @!p0 [sflag:s0], s1  }
0x2ce: {  	s1 =	ssub.s32 @!p0 $0x0, s1;
	[sflag:s0] =	ssyncset.done @!p0 $0x0  }
0x2cf: {  	[sflag:s0] =	ssyncadd.s32 @!p0 s1  }
0x2d0: {  	[bflag:$0x3] =	sbarrier.arrive $0xFFFF  }
0x2d1: {  	_ =	shalt  }

</sc_bundles>
